<compile_context>
chip_gen: v7x
topology: tpu7x:2x2x1
jax: 0.10.2.dev20260603
libtpu: 0.0.44.dev20260713+nightly
codegen_flags: <defaults>
</compile_context>

<pallas_src>
import math

import jax
import jax.numpy as jnp
from jax import lax
from jax.experimental import pallas as pl
from jax.experimental.pallas import tpu as pltpu
from jax.experimental.pallas import tpu_sc as plsc

_B, _N, _K, _A = 16, 2048, 8, 8
_R = _B * _N
_NC, _NS = 2, 16
_NTILES = _NC * _NS
_CH = 128


def _gather_sc(x, idx3):
    nchunk = idx3.shape[1]
    rpt = nchunk * _CH
    g = _NTILES * rpt
    mesh = plsc.VectorSubcoreMesh(core_axis_name="c", subcore_axis_name="s")

    def body(x_hbm, idx_hbm, out_hbm, idx_v, rows0, rows1, sem0, sem1):
        wid = lax.axis_index("s") * _NC + lax.axis_index("c")
        pltpu.sync_copy(idx_hbm.at[wid], idx_v)
        rows = (rows0, rows1)
        sems = (sem0, sem1)

        def start(j, buf):
            pltpu.async_copy(x_hbm.at[idx_v.at[j]], rows[buf], sems[buf])

        def finish(j, buf):
            pltpu.make_async_copy(
                x_hbm.at[idx_v.at[j]], rows[buf], sems[buf]).wait()
            pltpu.sync_copy(
                rows[buf], out_hbm.at[pl.ds(wid * rpt + j * _CH, _CH)])

        start(0, 0)

        def outer(jj, carry):
            j0 = jj * 2
            start(j0 + 1, 1)
            finish(j0, 0)

            @pl.when(j0 + 2 < nchunk)
            def _():
                start(j0 + 2, 0)

            finish(j0 + 1, 1)
            return carry

        lax.fori_loop(0, nchunk // 2, outer, 0)

    return pl.kernel(
        body,
        out_type=jax.ShapeDtypeStruct((g, 128), jnp.float32),
        mesh=mesh,
        scratch_types=[
            pltpu.VMEM((nchunk, 128), jnp.int32),
            pltpu.VMEM((_CH, 128), jnp.float32),
            pltpu.VMEM((_CH, 128), jnp.float32),
            pltpu.SemaphoreType.DMA,
            pltpu.SemaphoreType.DMA,
        ],
    )(x, idx3)


def _hop_rf(x, nbr, w, b, din):
    h = w.shape[1]
    br = 2048

    def body(x_ref, nbr_ref, w_ref, b_ref, o_ref):
        ctr = x_ref[...][:, :din]
        nb = nbr_ref[...][:, :din]
        ctr_rep = jnp.broadcast_to(
            ctr[:, None, :], (br, _K, din)).reshape(br * _K, din)
        e = jnp.concatenate([ctr_rep, nb - ctr_rep], axis=1)
        hm = jnp.maximum(
            jnp.dot(e, w_ref[...], preferred_element_type=jnp.float32)
            + b_ref[...], 0.0)
        t = hm.reshape(br, _K, h)
        out = t[:, 0, :]
        for k in range(1, _K):
            out = jnp.maximum(out, t[:, k, :])
        if h < 128:
            out = jnp.concatenate(
                [out, jnp.zeros((br, 128 - h), jnp.float32)], axis=1)
        o_ref[...] = out

    rows = x.shape[0]
    return pl.pallas_call(
        body,
        grid=(rows // br,),
        in_specs=[
            pl.BlockSpec((br, 128), lambda i: (i, 0)),
            pl.BlockSpec((br * _K, 128), lambda i: (i, 0)),
            pl.BlockSpec((2 * din, h), lambda i: (0, 0)),
            pl.BlockSpec((1, h), lambda i: (0, 0)),
        ],
        out_specs=pl.BlockSpec((br, 128), lambda i: (i, 0)),
        out_shape=jax.ShapeDtypeStruct((rows, 128), jnp.float32),
    )(x, nbr, w, b)


def _final(x, wg, bg, qt, gum):
    h = wg.shape[1]

    def body(x_ref, wg_ref, bg_ref, qt_ref, g_ref, probs_ref, samp_ref):
        xv = x_ref[...]
        gmean = jnp.mean(xv, axis=0, keepdims=True)
        e2 = jnp.concatenate(
            [xv, jnp.broadcast_to(gmean, (_N, h))], axis=1)
        xg = jnp.maximum(
            jnp.dot(e2, wg_ref[...], preferred_element_type=jnp.float32)
            + bg_ref[...], 0.0)
        s = jnp.dot(xg, qt_ref[...],
                    preferred_element_type=jnp.float32) / math.sqrt(float(h))
        mx = jnp.max(s, axis=-1, keepdims=True)
        e = jnp.exp(s - mx)
        probs = e / jnp.sum(e, axis=-1, keepdims=True)
        probs_ref[...] = probs
        y = jnp.log(probs + 1e-9) + g_ref[...]
        my = jnp.max(y, axis=-1, keepdims=True)
        ii = lax.broadcasted_iota(jnp.int32, y.shape, 1)
        cand = jnp.where(y >= my, ii, _A)
        samp_ref[...] = jnp.min(cand, axis=-1, keepdims=True)

    rows = x.shape[0]
    return pl.pallas_call(
        body,
        grid=(rows // _N,),
        in_specs=[
            pl.BlockSpec((_N, h), lambda i: (i, 0)),
            pl.BlockSpec((2 * h, h), lambda i: (0, 0)),
            pl.BlockSpec((1, h), lambda i: (0, 0)),
            pl.BlockSpec((h, _A), lambda i: (0, 0)),
            pl.BlockSpec((_N, _A), lambda i: (i, 0)),
        ],
        out_specs=[
            pl.BlockSpec((_N, _A), lambda i: (i, 0)),
            pl.BlockSpec((_N, 1), lambda i: (i, 0)),
        ],
        out_shape=[
            jax.ShapeDtypeStruct((rows, _A), jnp.float32),
            jax.ShapeDtypeStruct((rows, 1), jnp.int32),
        ],
    )(x, wg, bg, qt, gum)


def _half_chain(nf_half, gidx3, weights, gum_half):
    W1, b1, W2, b2, W3, b3, Wc, bc, Wg, bg, qt = weights
    x = jnp.pad(nf_half, ((0, 0), (0, 126)))
    x = _hop_rf(x, _gather_sc(x, gidx3), W1, b1, 2)
    x = _hop_rf(x, _gather_sc(x, gidx3), W2, b2, 64)
    x = _hop_rf(x, _gather_sc(x, gidx3), W3, b3, 128)
    x = _hop_rf(x, _gather_sc(x, gidx3), Wc, bc, 128)
    return _final(x, Wg, bg, qt, gum_half)


def kernel(nfeature, nn_idx, W1, b1, W2, b2, W3, b3, Wc, bc, Wg, bg, Q):
    hb = _B // 2
    hr = hb * _N
    loc = (jnp.arange(hb, dtype=jnp.int32) * _N)[:, None, None]
    gidx_a = (nn_idx[:hb].astype(jnp.int32) + loc).reshape(_NTILES, -1, 128)
    gidx_b = (nn_idx[hb:].astype(jnp.int32) + loc).reshape(_NTILES, -1, 128)
    gum = jax.random.gumbel(jax.random.key(42), (_R, _A), jnp.float32)
    nf2 = nfeature.reshape(_R, 2)

    weights = (W1, b1.reshape(1, -1), W2, b2.reshape(1, -1),
               W3, b3.reshape(1, -1), Wc, bc.reshape(1, -1),
               Wg, bg.reshape(1, -1), Q.T)
    pa, sa = _half_chain(nf2[:hr], gidx_a, weights, gum[:hr])
    pb, sb = _half_chain(nf2[hr:], gidx_b, weights, gum[hr:])
    probs = jnp.concatenate([pa, pb], axis=0).reshape(_B, _N, _A)
    samp = jnp.concatenate([sa, sb], axis=0).reshape(_B, 1, _N)
    return probs, samp

# --- scband reference (transcript-rebuilt; emitter-appended) ---
"""Pipeline reference for scband-mtsp-35914516529835 (READ-ONLY COPY).

The authoritative reference and input builder live on the scoring server;
editing this copy changes nothing except your own understanding.
"""

import jax, jax.numpy as jnp
import numpy as np


def _gather_nbrs(x, idx):
    # x: [B, N, d], idx: [B, N, k] -> [B, N, k, d]
    return jax.vmap(lambda xb, ib: xb[ib])(x, idx)


def _edge_conv(x, nn_idx, W, b):
    nbr = _gather_nbrs(x, nn_idx)                     # [B, N, k, d]
    ctr = jnp.broadcast_to(x[:, :, None, :], nbr.shape)
    e = jnp.concatenate([ctr, nbr - ctr], axis=-1)    # [B, N, k, 2d]
    h = jax.nn.relu(jnp.einsum('bnkd,dh->bnkh', e, W) + b)
    return jnp.max(h, axis=2)                         # [B, N, h]


def setup_inputs(seed: int = 0) -> dict:
    key = jax.random.key(seed)
    ks = jax.random.split(key, 10)
    B, N, K, anum = 16, 2048, 8, 8
    nfeature = jax.random.normal(ks[0], (B, N, 2), dtype=jnp.float32)
    nn_idx = jax.random.randint(ks[1], (B, N, K), 0, N)

    def w(k, di, do):
        return jax.random.normal(k, (di, do), dtype=jnp.float32) * (1.0 / np.sqrt(di))

    W1 = w(ks[2], 4, 64);    b1 = jnp.zeros((64,), jnp.float32)
    W2 = w(ks[3], 128, 128); b2 = jnp.zeros((128,), jnp.float32)
    W3 = w(ks[4], 256, 128); b3 = jnp.zeros((128,), jnp.float32)
    Wc = w(ks[5], 256, 128); bc = jnp.zeros((128,), jnp.float32)  # common_hop=1
    Wg = w(ks[6], 256, 128); bg = jnp.zeros((128,), jnp.float32)  # global_hop=1
    Q  = w(ks[7], anum, 128)                                      # per-agent decoder queries
    return dict(nfeature=nfeature, nn_idx=nn_idx,
                W1=W1, b1=b1, W2=W2, b2=b2, W3=W3, b3=b3,
                Wc=Wc, bc=bc, Wg=Wg, bg=bg, Q=Q)


def reference(nfeature, nn_idx, W1, b1, W2, b2, W3, b3, Wc, bc, Wg, bg, Q):
    # graph_embedding: kNN edge-conv hops over hidden_size=[64,128,128] + 1 common hop + 1 global hop
    x = _edge_conv(nfeature, nn_idx, W1, b1)
    x = _edge_conv(x, nn_idx, W2, b2)
    x = _edge_conv(x, nn_idx, W3, b3)
    x = _edge_conv(x, nn_idx, Wc, bc)
    g = jnp.mean(x, axis=1, keepdims=True)
    x = jax.nn.relu(jnp.concatenate([x, jnp.broadcast_to(g, x.shape)], axis=-1) @ Wg + bg)  # [B,N,H]
    # attention_decoding: per-city distribution over anum agents
    scores = jnp.einsum('bnh,ah->bna', x, Q) / np.sqrt(x.shape[-1])
    probs = jax.nn.softmax(scores, axis=-1)           # [B, N, anum]
    B, N, A = probs.shape
    # maxsample=False, instance_num=1: multinomial draw per city (torch .multinomial(1))
    skey = jax.random.key(42)
    samples = jax.random.categorical(skey, jnp.log(probs + 1e-9).reshape(B * N, A), axis=-1)
    samples = samples.reshape(B, 1, N)                # stacked on dim=1 (instance_num=1)
    return probs, samples

if __name__ == "__main__":
    import jax
    _d = setup_inputs()
    print(jax.jit(kernel)(*tuple(_d.values())))

</pallas_src>

<mosaic_0001>
#map = affine_map<(d0, d1) -> (0, 0)>
#map1 = affine_map<(d0, d1) -> (0, 0, 0)>
module attributes {stable_mosaic.version = 14 : i64} {
  func.func @body(%arg0: i32, %arg1: i32, %arg2: memref<16384x128xf32, #tpu.memory_space<hbm>>, %arg3: memref<32x32x128xi32, #tpu.memory_space<hbm>>, %arg4: memref<131072x128xf32, #tpu.memory_space<hbm>>, %arg5: memref<32x128xi32, #tpu.memory_space<vmem>>, %arg6: memref<128x128xf32, #tpu.memory_space<vmem>>, %arg7: memref<128x128xf32, #tpu.memory_space<vmem>>, %arg8: memref<!tpu.dma_semaphore, #tpu.memory_space<semaphore_mem>>, %arg9: memref<!tpu.dma_semaphore, #tpu.memory_space<semaphore_mem>>) attributes {dimension_semantics = [#tpu.dimension_semantics<core_parallel>, #tpu.dimension_semantics<subcore_parallel>], iteration_bounds = array<i64: 2, 16>, scalar_prefetch = 0 : i64, scratch_operands = 5 : i64, tpu.core_type = #tpu.core_type<sc_vector_subcore>, window_params = [{transform_indices = #map}, {transform_indices = #map1}, {transform_indices = #map}]} {
    %mul3A = arith.constant 2 : i32
    %mul3A_0 = arith.muli %arg1, %mul3A : i32
    %add3A = arith.addi %mul3A_0, %arg0 : i32
    "tpu.region"() ({
      %run_scoped3A = tpu.sem_alloc : memref<!tpu.dma_semaphore, #tpu.memory_space<semaphore_mem>>
      %dma_start3A_12 = arith.constant 0 : i32
      %dma_start3A_13 = arith.constant 0 : i32
      %dma_start3A_14 = tpu.memref_slice %arg3[%add3A, %dma_start3A_12, %dma_start3A_13] : memref<32x32x128xi32, #tpu.memory_space<hbm>> -> memref<1x32x128xi32, #tpu.memory_space<hbm>>
      %dma_start3A_15 = tpu.memref_squeeze %dma_start3A_14 : memref<1x32x128xi32, #tpu.memory_space<hbm>> -> memref<32x128xi32, #tpu.memory_space<hbm>>
      %dma_start3A_16 = arith.constant 0 : i32
      %dma_start3A_17 = arith.constant 0 : i32
      %dma_start3A_18 = tpu.memref_slice %arg3[%add3A, %dma_start3A_16, %dma_start3A_17] : memref<32x32x128xi32, #tpu.memory_space<hbm>> -> memref<1x32x128xi32, #tpu.memory_space<hbm>>
      %dma_start3A_19 = tpu.memref_squeeze %dma_start3A_18 : memref<1x32x128xi32, #tpu.memory_space<hbm>> -> memref<32x128xi32, #tpu.memory_space<hbm>>
      tpu.enqueue_dma source(%dma_start3A_19 : memref<32x128xi32, #tpu.memory_space<hbm>>) target(%arg5 : memref<32x128xi32, #tpu.memory_space<vmem>>) target_semaphore(%run_scoped3A : memref<!tpu.dma_semaphore, #tpu.memory_space<semaphore_mem>>)
      %dma_wait3A = arith.constant 0 : i32
      %dma_wait3A_20 = arith.constant 0 : i32
      %dma_wait3A_21 = tpu.memref_slice %arg3[%add3A, %dma_wait3A, %dma_wait3A_20] : memref<32x32x128xi32, #tpu.memory_space<hbm>> -> memref<1x32x128xi32, #tpu.memory_space<hbm>>
      %dma_wait3A_22 = tpu.memref_squeeze %dma_wait3A_21 : memref<1x32x128xi32, #tpu.memory_space<hbm>> -> memref<32x128xi32, #tpu.memory_space<hbm>>
      %dma_wait3A_23 = arith.constant 0 : i32
      %dma_wait3A_24 = arith.constant 0 : i32
      %dma_wait3A_25 = tpu.memref_slice %arg3[%add3A, %dma_wait3A_23, %dma_wait3A_24] : memref<32x32x128xi32, #tpu.memory_space<hbm>> -> memref<1x32x128xi32, #tpu.memory_space<hbm>>
      %dma_wait3A_26 = tpu.memref_squeeze %dma_wait3A_25 : memref<1x32x128xi32, #tpu.memory_space<hbm>> -> memref<32x128xi32, #tpu.memory_space<hbm>>
      tpu.wait_dma2 semaphore(%run_scoped3A : memref<!tpu.dma_semaphore, #tpu.memory_space<semaphore_mem>>) src(%dma_wait3A_26 : memref<32x128xi32, #tpu.memory_space<hbm>>) dst(%arg5 : memref<32x128xi32, #tpu.memory_space<vmem>>)
      tpu.yield
    }) : () -> ()
    %dma_start3A = arith.constant 0 : i32
    %dma_start3A_1 = arith.constant 0 : i32
    %dma_start3A_2 = tpu.memref_slice %arg5[%dma_start3A, %dma_start3A_1] : memref<32x128xi32, #tpu.memory_space<vmem>> -> memref<1x128xi32, #tpu.memory_space<vmem>>
    %dma_start3A_3 = tpu.memref_squeeze %dma_start3A_2 : memref<1x128xi32, #tpu.memory_space<vmem>> -> memref<128xi32, #tpu.memory_space<vmem>>
    %dma_start3A_4 = arith.constant 0 : i32
    %dma_start3A_5 = arith.constant 0 : i32
    %dma_start3A_6 = tpu.memref_slice %arg2[%dma_start3A_4, %dma_start3A_5] : memref<16384x128xf32, #tpu.memory_space<hbm>> -> memref<16384x128xf32, #tpu.memory_space<hbm>>
    tpu.enqueue_indirect_dma source(%dma_start3A_6 : memref<16384x128xf32, #tpu.memory_space<hbm>>) target(%arg6 : memref<128x128xf32, #tpu.memory_space<vmem>>) offsets(%dma_start3A_3 : memref<128xi32, #tpu.memory_space<vmem>>) semaphore(%arg8 : memref<!tpu.dma_semaphore, #tpu.memory_space<semaphore_mem>>)
    %scan3A = arith.constant 0 : i32
    %scan3A_7 = arith.constant 0 : i32
    %scan3A_8 = arith.constant 16 : i32
    %scan3A_9 = arith.addi %scan3A_7, %scan3A_8 : i32
    %scan3A_10 = arith.constant 1 : i32
    scf.for %scan3A_12 = %scan3A_7 to %scan3A_9 step %scan3A_10  : i32 {
      %mul3A_13 = arith.constant 2 : i32
      %mul3A_14 = arith.muli %scan3A_12, %mul3A_13 : i32
      %add3A_15 = arith.constant 1 : i32
      %add3A_16 = arith.addi %mul3A_14, %add3A_15 : i32
      %dma_start3A_17 = arith.constant 0 : i32
      %dma_start3A_18 = tpu.memref_slice %arg5[%add3A_16, %dma_start3A_17] : memref<32x128xi32, #tpu.memory_space<vmem>> -> memref<1x128xi32, #tpu.memory_space<vmem>>
      %dma_start3A_19 = tpu.memref_squeeze %dma_start3A_18 : memref<1x128xi32, #tpu.memory_space<vmem>> -> memref<128xi32, #tpu.memory_space<vmem>>
      %dma_start3A_20 = arith.constant 0 : i32
      %dma_start3A_21 = arith.constant 0 : i32
      %dma_start3A_22 = tpu.memref_slice %arg2[%dma_start3A_20, %dma_start3A_21] : memref<16384x128xf32, #tpu.memory_space<hbm>> -> memref<16384x128xf32, #tpu.memory_space<hbm>>
      tpu.enqueue_indirect_dma source(%dma_start3A_22 : memref<16384x128xf32, #tpu.memory_space<hbm>>) target(%arg7 : memref<128x128xf32, #tpu.memory_space<vmem>>) offsets(%dma_start3A_19 : memref<128xi32, #tpu.memory_space<vmem>>) semaphore(%arg9 : memref<!tpu.dma_semaphore, #tpu.memory_space<semaphore_mem>>)
      %dma_wait3A = arith.constant 0 : i32
      %dma_wait3A_23 = tpu.memref_slice %arg5[%mul3A_14, %dma_wait3A] : memref<32x128xi32, #tpu.memory_space<vmem>> -> memref<1x128xi32, #tpu.memory_space<vmem>>
      %dma_wait3A_24 = tpu.memref_squeeze %dma_wait3A_23 : memref<1x128xi32, #tpu.memory_space<vmem>> -> memref<128xi32, #tpu.memory_space<vmem>>
      %dma_wait3A_25 = arith.constant 0 : i32
      %dma_wait3A_26 = arith.constant 0 : i32
      %dma_wait3A_27 = tpu.memref_slice %arg2[%dma_wait3A_25, %dma_wait3A_26] : memref<16384x128xf32, #tpu.memory_space<hbm>> -> memref<16384x128xf32, #tpu.memory_space<hbm>>
      tpu.wait_indirect_dma semaphore(%arg8 : memref<!tpu.dma_semaphore, #tpu.memory_space<semaphore_mem>>) src(%dma_wait3A_27 : memref<16384x128xf32, #tpu.memory_space<hbm>>) dst(%arg6 : memref<128x128xf32, #tpu.memory_space<vmem>>)
      %mul3A_28 = arith.constant 4096 : i32
      %mul3A_29 = arith.muli %add3A, %mul3A_28 : i32
      %mul3A_30 = arith.constant 128 : i32
      %mul3A_31 = arith.muli %mul3A_14, %mul3A_30 : i32
      %add3A_32 = arith.addi %mul3A_29, %mul3A_31 : i32
      "tpu.region"() ({
        %run_scoped3A = tpu.sem_alloc : memref<!tpu.dma_semaphore, #tpu.memory_space<semaphore_mem>>
        %dma_start3A_50 = arith.constant 0 : i32
        %dma_start3A_51 = tpu.memref_slice %arg4[%add3A_32, %dma_start3A_50] : memref<131072x128xf32, #tpu.memory_space<hbm>> -> memref<128x128xf32, #tpu.memory_space<hbm>>
        %dma_start3A_52 = arith.constant 0 : i32
        %dma_start3A_53 = tpu.memref_slice %arg4[%add3A_32, %dma_start3A_52] : memref<131072x128xf32, #tpu.memory_space<hbm>> -> memref<128x128xf32, #tpu.memory_space<hbm>>
        tpu.enqueue_dma source(%arg6 : memref<128x128xf32, #tpu.memory_space<vmem>>) target(%dma_start3A_53 : memref<128x128xf32, #tpu.memory_space<hbm>>) target_semaphore(%run_scoped3A : memref<!tpu.dma_semaphore, #tpu.memory_space<semaphore_mem>>)
        %dma_wait3A_54 = arith.constant 0 : i32
        %dma_wait3A_55 = tpu.memref_slice %arg4[%add3A_32, %dma_wait3A_54] : memref<131072x128xf32, #tpu.memory_space<hbm>> -> memref<128x128xf32, #tpu.memory_space<hbm>>
        %dma_wait3A_56 = arith.constant 0 : i32
        %dma_wait3A_57 = tpu.memref_slice %arg4[%add3A_32, %dma_wait3A_56] : memref<131072x128xf32, #tpu.memory_space<hbm>> -> memref<128x128xf32, #tpu.memory_space<hbm>>
        tpu.wait_dma2 semaphore(%run_scoped3A : memref<!tpu.dma_semaphore, #tpu.memory_space<semaphore_mem>>) src(%arg6 : memref<128x128xf32, #tpu.memory_space<vmem>>) dst(%dma_wait3A_57 : memref<128x128xf32, #tpu.memory_space<hbm>>)
        tpu.yield
      }) : () -> ()
      %add3A_33 = arith.constant 2 : i32
      %add3A_34 = arith.addi %mul3A_14, %add3A_33 : i32
      %lt3A = arith.constant 32 : i32
      %lt3A_35 = arith.cmpi slt, %add3A_34, %lt3A : i32
      %convert_element_type3A = arith.extui %lt3A_35 : i1 to i32
      %cond3A = arith.constant 0 : i32
      %cond3A_36 = arith.cmpi ne, %convert_element_type3A, %cond3A : i32
      scf.if %cond3A_36 {
        %add3A_50 = arith.constant 2 : i32
        %add3A_51 = arith.addi %mul3A_14, %add3A_50 : i32
        %dma_start3A_52 = arith.constant 0 : i32
        %dma_start3A_53 = tpu.memref_slice %arg5[%add3A_51, %dma_start3A_52] : memref<32x128xi32, #tpu.memory_space<vmem>> -> memref<1x128xi32, #tpu.memory_space<vmem>>
        %dma_start3A_54 = tpu.memref_squeeze %dma_start3A_53 : memref<1x128xi32, #tpu.memory_space<vmem>> -> memref<128xi32, #tpu.memory_space<vmem>>
        %dma_start3A_55 = arith.constant 0 : i32
        %dma_start3A_56 = arith.constant 0 : i32
        %dma_start3A_57 = tpu.memref_slice %arg2[%dma_start3A_55, %dma_start3A_56] : memref<16384x128xf32, #tpu.memory_space<hbm>> -> memref<16384x128xf32, #tpu.memory_space<hbm>>
        tpu.enqueue_indirect_dma source(%dma_start3A_57 : memref<16384x128xf32, #tpu.memory_space<hbm>>) target(%arg6 : memref<128x128xf32, #tpu.memory_space<vmem>>) offsets(%dma_start3A_54 : memref<128xi32, #tpu.memory_space<vmem>>) semaphore(%arg8 : memref<!tpu.dma_semaphore, #tpu.memory_space<semaphore_mem>>)
      } else {
      }
      %add3A_37 = arith.constant 1 : i32
      %add3A_38 = arith.addi %mul3A_14, %add3A_37 : i32
      %dma_wait3A_39 = arith.constant 0 : i32
      %dma_wait3A_40 = tpu.memref_slice %arg5[%add3A_38, %dma_wait3A_39] : memref<32x128xi32, #tpu.memory_space<vmem>> -> memref<1x128xi32, #tpu.memory_space<vmem>>
      %dma_wait3A_41 = tpu.memref_squeeze %dma_wait3A_40 : memref<1x128xi32, #tpu.memory_space<vmem>> -> memref<128xi32, #tpu.memory_space<vmem>>
      %dma_wait3A_42 = arith.constant 0 : i32
      %dma_wait3A_43 = arith.constant 0 : i32
      %dma_wait3A_44 = tpu.memref_slice %arg2[%dma_wait3A_42, %dma_wait3A_43] : memref<16384x128xf32, #tpu.memory_space<hbm>> -> memref<16384x128xf32, #tpu.memory_space<hbm>>
      tpu.wait_indirect_dma semaphore(%arg9 : memref<!tpu.dma_semaphore, #tpu.memory_space<semaphore_mem>>) src(%dma_wait3A_44 : memref<16384x128xf32, #tpu.memory_space<hbm>>) dst(%arg7 : memref<128x128xf32, #tpu.memory_space<vmem>>)
      %mul3A_45 = arith.constant 4096 : i32
      %mul3A_46 = arith.muli %add3A, %mul3A_45 : i32
      %mul3A_47 = arith.constant 128 : i32
      %mul3A_48 = arith.muli %add3A_38, %mul3A_47 : i32
      %add3A_49 = arith.addi %mul3A_46, %mul3A_48 : i32
      "tpu.region"() ({
        %run_scoped3A = tpu.sem_alloc : memref<!tpu.dma_semaphore, #tpu.memory_space<semaphore_mem>>
        %dma_start3A_50 = arith.constant 0 : i32
        %dma_start3A_51 = tpu.memref_slice %arg4[%add3A_49, %dma_start3A_50] : memref<131072x128xf32, #tpu.memory_space<hbm>> -> memref<128x128xf32, #tpu.memory_space<hbm>>
        %dma_start3A_52 = arith.constant 0 : i32
        %dma_start3A_53 = tpu.memref_slice %arg4[%add3A_49, %dma_start3A_52] : memref<131072x128xf32, #tpu.memory_space<hbm>> -> memref<128x128xf32, #tpu.memory_space<hbm>>
        tpu.enqueue_dma source(%arg7 : memref<128x128xf32, #tpu.memory_space<vmem>>) target(%dma_start3A_53 : memref<128x128xf32, #tpu.memory_space<hbm>>) target_semaphore(%run_scoped3A : memref<!tpu.dma_semaphore, #tpu.memory_space<semaphore_mem>>)
        %dma_wait3A_54 = arith.constant 0 : i32
        %dma_wait3A_55 = tpu.memref_slice %arg4[%add3A_49, %dma_wait3A_54] : memref<131072x128xf32, #tpu.memory_space<hbm>> -> memref<128x128xf32, #tpu.memory_space<hbm>>
        %dma_wait3A_56 = arith.constant 0 : i32
        %dma_wait3A_57 = tpu.memref_slice %arg4[%add3A_49, %dma_wait3A_56] : memref<131072x128xf32, #tpu.memory_space<hbm>> -> memref<128x128xf32, #tpu.memory_space<hbm>>
        tpu.wait_dma2 semaphore(%run_scoped3A : memref<!tpu.dma_semaphore, #tpu.memory_space<semaphore_mem>>) src(%arg7 : memref<128x128xf32, #tpu.memory_space<vmem>>) dst(%dma_wait3A_57 : memref<128x128xf32, #tpu.memory_space<hbm>>)
        tpu.yield
      }) : () -> ()
    }
    %scan3A_11 = arith.constant 16 : i32
    return
  }
}

#map = affine_map<(d0, d1) -> (0, 0)>
#map1 = affine_map<(d0, d1) -> (0, 0, 0)>
module attributes {stable_mosaic.version = 14 : i64} {
  func.func @body(%arg0: i32, %arg1: i32, %arg2: memref<16384x128xf32, #tpu.memory_space<hbm>>, %arg3: memref<32x32x128xi32, #tpu.memory_space<hbm>>, %arg4: memref<131072x128xf32, #tpu.memory_space<hbm>>, %arg5: memref<32x128xi32, #tpu.memory_space<vmem>>, %arg6: memref<128x128xf32, #tpu.memory_space<vmem>>, %arg7: memref<128x128xf32, #tpu.memory_space<vmem>>, %arg8: memref<!tpu.dma_semaphore, #tpu.memory_space<semaphore_mem>>, %arg9: memref<!tpu.dma_semaphore, #tpu.memory_space<semaphore_mem>>) attributes {dimension_semantics = [#tpu.dimension_semantics<core_parallel>, #tpu.dimension_semantics<subcore_parallel>], iteration_bounds = array<i64: 2, 16>, scalar_prefetch = 0 : i64, scratch_operands = 5 : i64, tpu.core_type = #tpu.core_type<sc_vector_subcore>, window_params = [{transform_indices = #map}, {transform_indices = #map1}, {transform_indices = #map}]} {
    %mul3A = arith.constant 2 : i32
    %mul3A_0 = arith.muli %arg1, %mul3A : i32
    %add3A = arith.addi %mul3A_0, %arg0 : i32
    "tpu.region"() ({
      %run_scoped3A = tpu.sem_alloc : memref<!tpu.dma_semaphore, #tpu.memory_space<semaphore_mem>>
      %dma_start3A_12 = arith.constant 0 : i32
      %dma_start3A_13 = arith.constant 0 : i32
      %dma_start3A_14 = tpu.memref_slice %arg3[%add3A, %dma_start3A_12, %dma_start3A_13] : memref<32x32x128xi32, #tpu.memory_space<hbm>> -> memref<1x32x128xi32, #tpu.memory_space<hbm>>
      %dma_start3A_15 = tpu.memref_squeeze %dma_start3A_14 : memref<1x32x128xi32, #tpu.memory_space<hbm>> -> memref<32x128xi32, #tpu.memory_space<hbm>>
      %dma_start3A_16 = arith.constant 0 : i32
      %dma_start3A_17 = arith.constant 0 : i32
      %dma_start3A_18 = tpu.memref_slice %arg3[%add3A, %dma_start3A_16, %dma_start3A_17] : memref<32x32x128xi32, #tpu.memory_space<hbm>> -> memref<1x32x128xi32, #tpu.memory_space<hbm>>
      %dma_start3A_19 = tpu.memref_squeeze %dma_start3A_18 : memref<1x32x128xi32, #tpu.memory_space<hbm>> -> memref<32x128xi32, #tpu.memory_space<hbm>>
      tpu.enqueue_dma source(%dma_start3A_19 : memref<32x128xi32, #tpu.memory_space<hbm>>) target(%arg5 : memref<32x128xi32, #tpu.memory_space<vmem>>) target_semaphore(%run_scoped3A : memref<!tpu.dma_semaphore, #tpu.memory_space<semaphore_mem>>)
      %dma_wait3A = arith.constant 0 : i32
      %dma_wait3A_20 = arith.constant 0 : i32
      %dma_wait3A_21 = tpu.memref_slice %arg3[%add3A, %dma_wait3A, %dma_wait3A_20] : memref<32x32x128xi32, #tpu.memory_space<hbm>> -> memref<1x32x128xi32, #tpu.memory_space<hbm>>
      %dma_wait3A_22 = tpu.memref_squeeze %dma_wait3A_21 : memref<1x32x128xi32, #tpu.memory_space<hbm>> -> memref<32x128xi32, #tpu.memory_space<hbm>>
      %dma_wait3A_23 = arith.constant 0 : i32
      %dma_wait3A_24 = arith.constant 0 : i32
      %dma_wait3A_25 = tpu.memref_slice %arg3[%add3A, %dma_wait3A_23, %dma_wait3A_24] : memref<32x32x128xi32, #tpu.memory_space<hbm>> -> memref<1x32x128xi32, #tpu.memory_space<hbm>>
      %dma_wait3A_26 = tpu.memref_squeeze %dma_wait3A_25 : memref<1x32x128xi32, #tpu.memory_space<hbm>> -> memref<32x128xi32, #tpu.memory_space<hbm>>
      tpu.wait_dma2 semaphore(%run_scoped3A : memref<!tpu.dma_semaphore, #tpu.memory_space<semaphore_mem>>) src(%dma_wait3A_26 : memref<32x128xi32, #tpu.memory_space<hbm>>) dst(%arg5 : memref<32x128xi32, #tpu.memory_space<vmem>>)
      tpu.yield
    }) : () -> ()
    %dma_start3A = arith.constant 0 : i32
    %dma_start3A_1 = arith.constant 0 : i32
    %dma_start3A_2 = tpu.memref_slice %arg5[%dma_start3A, %dma_start3A_1] : memref<32x128xi32, #tpu.memory_space<vmem>> -> memref<1x128xi32, #tpu.memory_space<vmem>>
    %dma_start3A_3 = tpu.memref_squeeze %dma_start3A_2 : memref<1x128xi32, #tpu.memory_space<vmem>> -> memref<128xi32, #tpu.memory_space<vmem>>
    %dma_start3A_4 = arith.constant 0 : i32
    %dma_start3A_5 = arith.constant 0 : i32
    %dma_start3A_6 = tpu.memref_slice %arg2[%dma_start3A_4, %dma_start3A_5] : memref<16384x128xf32, #tpu.memory_space<hbm>> -> memref<16384x128xf32, #tpu.memory_space<hbm>>
    tpu.enqueue_indirect_dma source(%dma_start3A_6 : memref<16384x128xf32, #tpu.memory_space<hbm>>) target(%arg6 : memref<128x128xf32, #tpu.memory_space<vmem>>) offsets(%dma_start3A_3 : memref<128xi32, #tpu.memory_space<vmem>>) semaphore(%arg8 : memref<!tpu.dma_semaphore, #tpu.memory_space<semaphore_mem>>)
    %scan3A = arith.constant 0 : i32
    %scan3A_7 = arith.constant 0 : i32
    %scan3A_8 = arith.constant 16 : i32
    %scan3A_9 = arith.addi %scan3A_7, %scan3A_8 : i32
    %scan3A_10 = arith.constant 1 : i32
    scf.for %scan3A_12 = %scan3A_7 to %scan3A_9 step %scan3A_10  : i32 {
      %mul3A_13 = arith.constant 2 : i32
      %mul3A_14 = arith.muli %scan3A_12, %mul3A_13 : i32
      %add3A_15 = arith.constant 1 : i32
      %add3A_16 = arith.addi %mul3A_14, %add3A_15 : i32
      %dma_start3A_17 = arith.constant 0 : i32
      %dma_start3A_18 = tpu.memref_slice %arg5[%add3A_16, %dma_start3A_17] : memref<32x128xi32, #tpu.memory_space<vmem>> -> memref<1x128xi32, #tpu.memory_space<vmem>>
      %dma_start3A_19 = tpu.memref_squeeze %dma_start3A_18 : memref<1x128xi32, #tpu.memory_space<vmem>> -> memref<128xi32, #tpu.memory_space<vmem>>
      %dma_start3A_20 = arith.constant 0 : i32
      %dma_start3A_21 = arith.constant 0 : i32
      %dma_start3A_22 = tpu.memref_slice %arg2[%dma_start3A_20, %dma_start3A_21] : memref<16384x128xf32, #tpu.memory_space<hbm>> -> memref<16384x128xf32, #tpu.memory_space<hbm>>
      tpu.enqueue_indirect_dma source(%dma_start3A_22 : memref<16384x128xf32, #tpu.memory_space<hbm>>) target(%arg7 : memref<128x128xf32, #tpu.memory_space<vmem>>) offsets(%dma_start3A_19 : memref<128xi32, #tpu.memory_space<vmem>>) semaphore(%arg9 : memref<!tpu.dma_semaphore, #tpu.memory_space<semaphore_mem>>)
      %dma_wait3A = arith.constant 0 : i32
      %dma_wait3A_23 = tpu.memref_slice %arg5[%mul3A_14, %dma_wait3A] : memref<32x128xi32, #tpu.memory_space<vmem>> -> memref<1x128xi32, #tpu.memory_space<vmem>>
      %dma_wait3A_24 = tpu.memref_squeeze %dma_wait3A_23 : memref<1x128xi32, #tpu.memory_space<vmem>> -> memref<128xi32, #tpu.memory_space<vmem>>
      %dma_wait3A_25 = arith.constant 0 : i32
      %dma_wait3A_26 = arith.constant 0 : i32
      %dma_wait3A_27 = tpu.memref_slice %arg2[%dma_wait3A_25, %dma_wait3A_26] : memref<16384x128xf32, #tpu.memory_space<hbm>> -> memref<16384x128xf32, #tpu.memory_space<hbm>>
      tpu.wait_indirect_dma semaphore(%arg8 : memref<!tpu.dma_semaphore, #tpu.memory_space<semaphore_mem>>) src(%dma_wait3A_27 : memref<16384x128xf32, #tpu.memory_space<hbm>>) dst(%arg6 : memref<128x128xf32, #tpu.memory_space<vmem>>)
      %mul3A_28 = arith.constant 4096 : i32
      %mul3A_29 = arith.muli %add3A, %mul3A_28 : i32
      %mul3A_30 = arith.constant 128 : i32
      %mul3A_31 = arith.muli %mul3A_14, %mul3A_30 : i32
      %add3A_32 = arith.addi %mul3A_29, %mul3A_31 : i32
      "tpu.region"() ({
        %run_scoped3A = tpu.sem_alloc : memref<!tpu.dma_semaphore, #tpu.memory_space<semaphore_mem>>
        %dma_start3A_50 = arith.constant 0 : i32
        %dma_start3A_51 = tpu.memref_slice %arg4[%add3A_32, %dma_start3A_50] : memref<131072x128xf32, #tpu.memory_space<hbm>> -> memref<128x128xf32, #tpu.memory_space<hbm>>
        %dma_start3A_52 = arith.constant 0 : i32
        %dma_start3A_53 = tpu.memref_slice %arg4[%add3A_32, %dma_start3A_52] : memref<131072x128xf32, #tpu.memory_space<hbm>> -> memref<128x128xf32, #tpu.memory_space<hbm>>
        tpu.enqueue_dma source(%arg6 : memref<128x128xf32, #tpu.memory_space<vmem>>) target(%dma_start3A_53 : memref<128x128xf32, #tpu.memory_space<hbm>>) target_semaphore(%run_scoped3A : memref<!tpu.dma_semaphore, #tpu.memory_space<semaphore_mem>>)
        %dma_wait3A_54 = arith.constant 0 : i32
        %dma_wait3A_55 = tpu.memref_slice %arg4[%add3A_32, %dma_wait3A_54] : memref<131072x128xf32, #tpu.memory_space<hbm>> -> memref<128x128xf32, #tpu.memory_space<hbm>>
        %dma_wait3A_56 = arith.constant 0 : i32
        %dma_wait3A_57 = tpu.memref_slice %arg4[%add3A_32, %dma_wait3A_56] : memref<131072x128xf32, #tpu.memory_space<hbm>> -> memref<128x128xf32, #tpu.memory_space<hbm>>
        tpu.wait_dma2 semaphore(%run_scoped3A : memref<!tpu.dma_semaphore, #tpu.memory_space<semaphore_mem>>) src(%arg6 : memref<128x128xf32, #tpu.memory_space<vmem>>) dst(%dma_wait3A_57 : memref<128x128xf32, #tpu.memory_space<hbm>>)
        tpu.yield
      }) : () -> ()
      %add3A_33 = arith.constant 2 : i32
      %add3A_34 = arith.addi %mul3A_14, %add3A_33 : i32
      %lt3A = arith.constant 32 : i32
      %lt3A_35 = arith.cmpi slt, %add3A_34, %lt3A : i32
      %convert_element_type3A = arith.extui %lt3A_35 : i1 to i32
      %cond3A = arith.constant 0 : i32
      %cond3A_36 = arith.cmpi ne, %convert_element_type3A, %cond3A : i32
      scf.if %cond3A_36 {
        %add3A_50 = arith.constant 2 : i32
        %add3A_51 = arith.addi %mul3A_14, %add3A_50 : i32
        %dma_start3A_52 = arith.constant 0 : i32
        %dma_start3A_53 = tpu.memref_slice %arg5[%add3A_51, %dma_start3A_52] : memref<32x128xi32, #tpu.memory_space<vmem>> -> memref<1x128xi32, #tpu.memory_space<vmem>>
        %dma_start3A_54 = tpu.memref_squeeze %dma_start3A_53 : memref<1x128xi32, #tpu.memory_space<vmem>> -> memref<128xi32, #tpu.memory_space<vmem>>
        %dma_start3A_55 = arith.constant 0 : i32
        %dma_start3A_56 = arith.constant 0 : i32
        %dma_start3A_57 = tpu.memref_slice %arg2[%dma_start3A_55, %dma_start3A_56] : memref<16384x128xf32, #tpu.memory_space<hbm>> -> memref<16384x128xf32, #tpu.memory_space<hbm>>
        tpu.enqueue_indirect_dma source(%dma_start3A_57 : memref<16384x128xf32, #tpu.memory_space<hbm>>) target(%arg6 : memref<128x128xf32, #tpu.memory_space<vmem>>) offsets(%dma_start3A_54 : memref<128xi32, #tpu.memory_space<vmem>>) semaphore(%arg8 : memref<!tpu.dma_semaphore, #tpu.memory_space<semaphore_mem>>)
      } else {
      }
      %add3A_37 = arith.constant 1 : i32
      %add3A_38 = arith.addi %mul3A_14, %add3A_37 : i32
      %dma_wait3A_39 = arith.constant 0 : i32
      %dma_wait3A_40 = tpu.memref_slice %arg5[%add3A_38, %dma_wait3A_39] : memref<32x128xi32, #tpu.memory_space<vmem>> -> memref<1x128xi32, #tpu.memory_space<vmem>>
      %dma_wait3A_41 = tpu.memref_squeeze %dma_wait3A_40 : memref<1x128xi32, #tpu.memory_space<vmem>> -> memref<128xi32, #tpu.memory_space<vmem>>
      %dma_wait3A_42 = arith.constant 0 : i32
      %dma_wait3A_43 = arith.constant 0 : i32
      %dma_wait3A_44 = tpu.memref_slice %arg2[%dma_wait3A_42, %dma_wait3A_43] : memref<16384x128xf32, #tpu.memory_space<hbm>> -> memref<16384x128xf32, #tpu.memory_space<hbm>>
      tpu.wait_indirect_dma semaphore(%arg9 : memref<!tpu.dma_semaphore, #tpu.memory_space<semaphore_mem>>) src(%dma_wait3A_44 : memref<16384x128xf32, #tpu.memory_space<hbm>>) dst(%arg7 : memref<128x128xf32, #tpu.memory_space<vmem>>)
      %mul3A_45 = arith.constant 4096 : i32
      %mul3A_46 = arith.muli %add3A, %mul3A_45 : i32
      %mul3A_47 = arith.constant 128 : i32
      %mul3A_48 = arith.muli %add3A_38, %mul3A_47 : i32
      %add3A_49 = arith.addi %mul3A_46, %mul3A_48 : i32
      "tpu.region"() ({
        %run_scoped3A = tpu.sem_alloc : memref<!tpu.dma_semaphore, #tpu.memory_space<semaphore_mem>>
        %dma_start3A_50 = arith.constant 0 : i32
        %dma_start3A_51 = tpu.memref_slice %arg4[%add3A_49, %dma_start3A_50] : memref<131072x128xf32, #tpu.memory_space<hbm>> -> memref<128x128xf32, #tpu.memory_space<hbm>>
        %dma_start3A_52 = arith.constant 0 : i32
        %dma_start3A_53 = tpu.memref_slice %arg4[%add3A_49, %dma_start3A_52] : memref<131072x128xf32, #tpu.memory_space<hbm>> -> memref<128x128xf32, #tpu.memory_space<hbm>>
        tpu.enqueue_dma source(%arg7 : memref<128x128xf32, #tpu.memory_space<vmem>>) target(%dma_start3A_53 : memref<128x128xf32, #tpu.memory_space<hbm>>) target_semaphore(%run_scoped3A : memref<!tpu.dma_semaphore, #tpu.memory_space<semaphore_mem>>)
        %dma_wait3A_54 = arith.constant 0 : i32
        %dma_wait3A_55 = tpu.memref_slice %arg4[%add3A_49, %dma_wait3A_54] : memref<131072x128xf32, #tpu.memory_space<hbm>> -> memref<128x128xf32, #tpu.memory_space<hbm>>
        %dma_wait3A_56 = arith.constant 0 : i32
        %dma_wait3A_57 = tpu.memref_slice %arg4[%add3A_49, %dma_wait3A_56] : memref<131072x128xf32, #tpu.memory_space<hbm>> -> memref<128x128xf32, #tpu.memory_space<hbm>>
        tpu.wait_dma2 semaphore(%run_scoped3A : memref<!tpu.dma_semaphore, #tpu.memory_space<semaphore_mem>>) src(%arg7 : memref<128x128xf32, #tpu.memory_space<vmem>>) dst(%dma_wait3A_57 : memref<128x128xf32, #tpu.memory_space<hbm>>)
        tpu.yield
      }) : () -> ()
    }
    %scan3A_11 = arith.constant 16 : i32
    return
  }
}

#map = affine_map<(d0, d1) -> (0, 0)>
#map1 = affine_map<(d0, d1) -> (0, 0, 0)>
module attributes {stable_mosaic.version = 14 : i64} {
  func.func @body(%arg0: i32, %arg1: i32, %arg2: memref<16384x128xf32, #tpu.memory_space<hbm>>, %arg3: memref<32x32x128xi32, #tpu.memory_space<hbm>>, %arg4: memref<131072x128xf32, #tpu.memory_space<hbm>>, %arg5: memref<32x128xi32, #tpu.memory_space<vmem>>, %arg6: memref<128x128xf32, #tpu.memory_space<vmem>>, %arg7: memref<128x128xf32, #tpu.memory_space<vmem>>, %arg8: memref<!tpu.dma_semaphore, #tpu.memory_space<semaphore_mem>>, %arg9: memref<!tpu.dma_semaphore, #tpu.memory_space<semaphore_mem>>) attributes {dimension_semantics = [#tpu.dimension_semantics<core_parallel>, #tpu.dimension_semantics<subcore_parallel>], iteration_bounds = array<i64: 2, 16>, scalar_prefetch = 0 : i64, scratch_operands = 5 : i64, tpu.core_type = #tpu.core_type<sc_vector_subcore>, window_params = [{transform_indices = #map}, {transform_indices = #map1}, {transform_indices = #map}]} {
    %mul3A = arith.constant 2 : i32
    %mul3A_0 = arith.muli %arg1, %mul3A : i32
    %add3A = arith.addi %mul3A_0, %arg0 : i32
    "tpu.region"() ({
      %run_scoped3A = tpu.sem_alloc : memref<!tpu.dma_semaphore, #tpu.memory_space<semaphore_mem>>
      %dma_start3A_12 = arith.constant 0 : i32
      %dma_start3A_13 = arith.constant 0 : i32
      %dma_start3A_14 = tpu.memref_slice %arg3[%add3A, %dma_start3A_12, %dma_start3A_13] : memref<32x32x128xi32, #tpu.memory_space<hbm>> -> memref<1x32x128xi32, #tpu.memory_space<hbm>>
      %dma_start3A_15 = tpu.memref_squeeze %dma_start3A_14 : memref<1x32x128xi32, #tpu.memory_space<hbm>> -> memref<32x128xi32, #tpu.memory_space<hbm>>
      %dma_start3A_16 = arith.constant 0 : i32
      %dma_start3A_17 = arith.constant 0 : i32
      %dma_start3A_18 = tpu.memref_slice %arg3[%add3A, %dma_start3A_16, %dma_start3A_17] : memref<32x32x128xi32, #tpu.memory_space<hbm>> -> memref<1x32x128xi32, #tpu.memory_space<hbm>>
      %dma_start3A_19 = tpu.memref_squeeze %dma_start3A_18 : memref<1x32x128xi32, #tpu.memory_space<hbm>> -> memref<32x128xi32, #tpu.memory_space<hbm>>
      tpu.enqueue_dma source(%dma_start3A_19 : memref<32x128xi32, #tpu.memory_space<hbm>>) target(%arg5 : memref<32x128xi32, #tpu.memory_space<vmem>>) target_semaphore(%run_scoped3A : memref<!tpu.dma_semaphore, #tpu.memory_space<semaphore_mem>>)
      %dma_wait3A = arith.constant 0 : i32
      %dma_wait3A_20 = arith.constant 0 : i32
      %dma_wait3A_21 = tpu.memref_slice %arg3[%add3A, %dma_wait3A, %dma_wait3A_20] : memref<32x32x128xi32, #tpu.memory_space<hbm>> -> memref<1x32x128xi32, #tpu.memory_space<hbm>>
      %dma_wait3A_22 = tpu.memref_squeeze %dma_wait3A_21 : memref<1x32x128xi32, #tpu.memory_space<hbm>> -> memref<32x128xi32, #tpu.memory_space<hbm>>
      %dma_wait3A_23 = arith.constant 0 : i32
      %dma_wait3A_24 = arith.constant 0 : i32
      %dma_wait3A_25 = tpu.memref_slice %arg3[%add3A, %dma_wait3A_23, %dma_wait3A_24] : memref<32x32x128xi32, #tpu.memory_space<hbm>> -> memref<1x32x128xi32, #tpu.memory_space<hbm>>
      %dma_wait3A_26 = tpu.memref_squeeze %dma_wait3A_25 : memref<1x32x128xi32, #tpu.memory_space<hbm>> -> memref<32x128xi32, #tpu.memory_space<hbm>>
      tpu.wait_dma2 semaphore(%run_scoped3A : memref<!tpu.dma_semaphore, #tpu.memory_space<semaphore_mem>>) src(%dma_wait3A_26 : memref<32x128xi32, #tpu.memory_space<hbm>>) dst(%arg5 : memref<32x128xi32, #tpu.memory_space<vmem>>)
      tpu.yield
    }) : () -> ()
    %dma_start3A = arith.constant 0 : i32
    %dma_start3A_1 = arith.constant 0 : i32
    %dma_start3A_2 = tpu.memref_slice %arg5[%dma_start3A, %dma_start3A_1] : memref<32x128xi32, #tpu.memory_space<vmem>> -> memref<1x128xi32, #tpu.memory_space<vmem>>
    %dma_start3A_3 = tpu.memref_squeeze %dma_start3A_2 : memref<1x128xi32, #tpu.memory_space<vmem>> -> memref<128xi32, #tpu.memory_space<vmem>>
    %dma_start3A_4 = arith.constant 0 : i32
    %dma_start3A_5 = arith.constant 0 : i32
    %dma_start3A_6 = tpu.memref_slice %arg2[%dma_start3A_4, %dma_start3A_5] : memref<16384x128xf32, #tpu.memory_space<hbm>> -> memref<16384x128xf32, #tpu.memory_space<hbm>>
    tpu.enqueue_indirect_dma source(%dma_start3A_6 : memref<16384x128xf32, #tpu.memory_space<hbm>>) target(%arg6 : memref<128x128xf32, #tpu.memory_space<vmem>>) offsets(%dma_start3A_3 : memref<128xi32, #tpu.memory_space<vmem>>) semaphore(%arg8 : memref<!tpu.dma_semaphore, #tpu.memory_space<semaphore_mem>>)
    %scan3A = arith.constant 0 : i32
    %scan3A_7 = arith.constant 0 : i32
    %scan3A_8 = arith.constant 16 : i32
    %scan3A_9 = arith.addi %scan3A_7, %scan3A_8 : i32
    %scan3A_10 = arith.constant 1 : i32
    scf.for %scan3A_12 = %scan3A_7 to %scan3A_9 step %scan3A_10  : i32 {
      %mul3A_13 = arith.constant 2 : i32
      %mul3A_14 = arith.muli %scan3A_12, %mul3A_13 : i32
      %add3A_15 = arith.constant 1 : i32
      %add3A_16 = arith.addi %mul3A_14, %add3A_15 : i32
      %dma_start3A_17 = arith.constant 0 : i32
      %dma_start3A_18 = tpu.memref_slice %arg5[%add3A_16, %dma_start3A_17] : memref<32x128xi32, #tpu.memory_space<vmem>> -> memref<1x128xi32, #tpu.memory_space<vmem>>
      %dma_start3A_19 = tpu.memref_squeeze %dma_start3A_18 : memref<1x128xi32, #tpu.memory_space<vmem>> -> memref<128xi32, #tpu.memory_space<vmem>>
      %dma_start3A_20 = arith.constant 0 : i32
      %dma_start3A_21 = arith.constant 0 : i32
      %dma_start3A_22 = tpu.memref_slice %arg2[%dma_start3A_20, %dma_start3A_21] : memref<16384x128xf32, #tpu.memory_space<hbm>> -> memref<16384x128xf32, #tpu.memory_space<hbm>>
      tpu.enqueue_indirect_dma source(%dma_start3A_22 : memref<16384x128xf32, #tpu.memory_space<hbm>>) target(%arg7 : memref<128x128xf32, #tpu.memory_space<vmem>>) offsets(%dma_start3A_19 : memref<128xi32, #tpu.memory_space<vmem>>) semaphore(%arg9 : memref<!tpu.dma_semaphore, #tpu.memory_space<semaphore_mem>>)
      %dma_wait3A = arith.constant 0 : i32
      %dma_wait3A_23 = tpu.memref_slice %arg5[%mul3A_14, %dma_wait3A] : memref<32x128xi32, #tpu.memory_space<vmem>> -> memref<1x128xi32, #tpu.memory_space<vmem>>
      %dma_wait3A_24 = tpu.memref_squeeze %dma_wait3A_23 : memref<1x128xi32, #tpu.memory_space<vmem>> -> memref<128xi32, #tpu.memory_space<vmem>>
      %dma_wait3A_25 = arith.constant 0 : i32
      %dma_wait3A_26 = arith.constant 0 : i32
      %dma_wait3A_27 = tpu.memref_slice %arg2[%dma_wait3A_25, %dma_wait3A_26] : memref<16384x128xf32, #tpu.memory_space<hbm>> -> memref<16384x128xf32, #tpu.memory_space<hbm>>
      tpu.wait_indirect_dma semaphore(%arg8 : memref<!tpu.dma_semaphore, #tpu.memory_space<semaphore_mem>>) src(%dma_wait3A_27 : memref<16384x128xf32, #tpu.memory_space<hbm>>) dst(%arg6 : memref<128x128xf32, #tpu.memory_space<vmem>>)
      %mul3A_28 = arith.constant 4096 : i32
      %mul3A_29 = arith.muli %add3A, %mul3A_28 : i32
      %mul3A_30 = arith.constant 128 : i32
      %mul3A_31 = arith.muli %mul3A_14, %mul3A_30 : i32
      %add3A_32 = arith.addi %mul3A_29, %mul3A_31 : i32
      "tpu.region"() ({
        %run_scoped3A = tpu.sem_alloc : memref<!tpu.dma_semaphore, #tpu.memory_space<semaphore_mem>>
        %dma_start3A_50 = arith.constant 0 : i32
        %dma_start3A_51 = tpu.memref_slice %arg4[%add3A_32, %dma_start3A_50] : memref<131072x128xf32, #tpu.memory_space<hbm>> -> memref<128x128xf32, #tpu.memory_space<hbm>>
        %dma_start3A_52 = arith.constant 0 : i32
        %dma_start3A_53 = tpu.memref_slice %arg4[%add3A_32, %dma_start3A_52] : memref<131072x128xf32, #tpu.memory_space<hbm>> -> memref<128x128xf32, #tpu.memory_space<hbm>>
        tpu.enqueue_dma source(%arg6 : memref<128x128xf32, #tpu.memory_space<vmem>>) target(%dma_start3A_53 : memref<128x128xf32, #tpu.memory_space<hbm>>) target_semaphore(%run_scoped3A : memref<!tpu.dma_semaphore, #tpu.memory_space<semaphore_mem>>)
        %dma_wait3A_54 = arith.constant 0 : i32
        %dma_wait3A_55 = tpu.memref_slice %arg4[%add3A_32, %dma_wait3A_54] : memref<131072x128xf32, #tpu.memory_space<hbm>> -> memref<128x128xf32, #tpu.memory_space<hbm>>
        %dma_wait3A_56 = arith.constant 0 : i32
        %dma_wait3A_57 = tpu.memref_slice %arg4[%add3A_32, %dma_wait3A_56] : memref<131072x128xf32, #tpu.memory_space<hbm>> -> memref<128x128xf32, #tpu.memory_space<hbm>>
        tpu.wait_dma2 semaphore(%run_scoped3A : memref<!tpu.dma_semaphore, #tpu.memory_space<semaphore_mem>>) src(%arg6 : memref<128x128xf32, #tpu.memory_space<vmem>>) dst(%dma_wait3A_57 : memref<128x128xf32, #tpu.memory_space<hbm>>)
        tpu.yield
      }) : () -> ()
      %add3A_33 = arith.constant 2 : i32
      %add3A_34 = arith.addi %mul3A_14, %add3A_33 : i32
      %lt3A = arith.constant 32 : i32
      %lt3A_35 = arith.cmpi slt, %add3A_34, %lt3A : i32
      %convert_element_type3A = arith.extui %lt3A_35 : i1 to i32
      %cond3A = arith.constant 0 : i32
      %cond3A_36 = arith.cmpi ne, %convert_element_type3A, %cond3A : i32
      scf.if %cond3A_36 {
        %add3A_50 = arith.constant 2 : i32
        %add3A_51 = arith.addi %mul3A_14, %add3A_50 : i32
        %dma_start3A_52 = arith.constant 0 : i32
        %dma_start3A_53 = tpu.memref_slice %arg5[%add3A_51, %dma_start3A_52] : memref<32x128xi32, #tpu.memory_space<vmem>> -> memref<1x128xi32, #tpu.memory_space<vmem>>
        %dma_start3A_54 = tpu.memref_squeeze %dma_start3A_53 : memref<1x128xi32, #tpu.memory_space<vmem>> -> memref<128xi32, #tpu.memory_space<vmem>>
        %dma_start3A_55 = arith.constant 0 : i32
        %dma_start3A_56 = arith.constant 0 : i32
        %dma_start3A_57 = tpu.memref_slice %arg2[%dma_start3A_55, %dma_start3A_56] : memref<16384x128xf32, #tpu.memory_space<hbm>> -> memref<16384x128xf32, #tpu.memory_space<hbm>>
        tpu.enqueue_indirect_dma source(%dma_start3A_57 : memref<16384x128xf32, #tpu.memory_space<hbm>>) target(%arg6 : memref<128x128xf32, #tpu.memory_space<vmem>>) offsets(%dma_start3A_54 : memref<128xi32, #tpu.memory_space<vmem>>) semaphore(%arg8 : memref<!tpu.dma_semaphore, #tpu.memory_space<semaphore_mem>>)
      } else {
      }
      %add3A_37 = arith.constant 1 : i32
      %add3A_38 = arith.addi %mul3A_14, %add3A_37 : i32
      %dma_wait3A_39 = arith.constant 0 : i32
      %dma_wait3A_40 = tpu.memref_slice %arg5[%add3A_38, %dma_wait3A_39] : memref<32x128xi32, #tpu.memory_space<vmem>> -> memref<1x128xi32, #tpu.memory_space<vmem>>
      %dma_wait3A_41 = tpu.memref_squeeze %dma_wait3A_40 : memref<1x128xi32, #tpu.memory_space<vmem>> -> memref<128xi32, #tpu.memory_space<vmem>>
      %dma_wait3A_42 = arith.constant 0 : i32
      %dma_wait3A_43 = arith.constant 0 : i32
      %dma_wait3A_44 = tpu.memref_slice %arg2[%dma_wait3A_42, %dma_wait3A_43] : memref<16384x128xf32, #tpu.memory_space<hbm>> -> memref<16384x128xf32, #tpu.memory_space<hbm>>
      tpu.wait_indirect_dma semaphore(%arg9 : memref<!tpu.dma_semaphore, #tpu.memory_space<semaphore_mem>>) src(%dma_wait3A_44 : memref<16384x128xf32, #tpu.memory_space<hbm>>) dst(%arg7 : memref<128x128xf32, #tpu.memory_space<vmem>>)
      %mul3A_45 = arith.constant 4096 : i32
      %mul3A_46 = arith.muli %add3A, %mul3A_45 : i32
      %mul3A_47 = arith.constant 128 : i32
      %mul3A_48 = arith.muli %add3A_38, %mul3A_47 : i32
      %add3A_49 = arith.addi %mul3A_46, %mul3A_48 : i32
      "tpu.region"() ({
        %run_scoped3A = tpu.sem_alloc : memref<!tpu.dma_semaphore, #tpu.memory_space<semaphore_mem>>
        %dma_start3A_50 = arith.constant 0 : i32
        %dma_start3A_51 = tpu.memref_slice %arg4[%add3A_49, %dma_start3A_50] : memref<131072x128xf32, #tpu.memory_space<hbm>> -> memref<128x128xf32, #tpu.memory_space<hbm>>
        %dma_start3A_52 = arith.constant 0 : i32
        %dma_start3A_53 = tpu.memref_slice %arg4[%add3A_49, %dma_start3A_52] : memref<131072x128xf32, #tpu.memory_space<hbm>> -> memref<128x128xf32, #tpu.memory_space<hbm>>
        tpu.enqueue_dma source(%arg7 : memref<128x128xf32, #tpu.memory_space<vmem>>) target(%dma_start3A_53 : memref<128x128xf32, #tpu.memory_space<hbm>>) target_semaphore(%run_scoped3A : memref<!tpu.dma_semaphore, #tpu.memory_space<semaphore_mem>>)
        %dma_wait3A_54 = arith.constant 0 : i32
        %dma_wait3A_55 = tpu.memref_slice %arg4[%add3A_49, %dma_wait3A_54] : memref<131072x128xf32, #tpu.memory_space<hbm>> -> memref<128x128xf32, #tpu.memory_space<hbm>>
        %dma_wait3A_56 = arith.constant 0 : i32
        %dma_wait3A_57 = tpu.memref_slice %arg4[%add3A_49, %dma_wait3A_56] : memref<131072x128xf32, #tpu.memory_space<hbm>> -> memref<128x128xf32, #tpu.memory_space<hbm>>
        tpu.wait_dma2 semaphore(%run_scoped3A : memref<!tpu.dma_semaphore, #tpu.memory_space<semaphore_mem>>) src(%arg7 : memref<128x128xf32, #tpu.memory_space<vmem>>) dst(%dma_wait3A_57 : memref<128x128xf32, #tpu.memory_space<hbm>>)
        tpu.yield
      }) : () -> ()
    }
    %scan3A_11 = arith.constant 16 : i32
    return
  }
}

#map = affine_map<(d0, d1) -> (0, 0)>
#map1 = affine_map<(d0, d1) -> (0, 0, 0)>
module attributes {stable_mosaic.version = 14 : i64} {
  func.func @body(%arg0: i32, %arg1: i32, %arg2: memref<16384x128xf32, #tpu.memory_space<hbm>>, %arg3: memref<32x32x128xi32, #tpu.memory_space<hbm>>, %arg4: memref<131072x128xf32, #tpu.memory_space<hbm>>, %arg5: memref<32x128xi32, #tpu.memory_space<vmem>>, %arg6: memref<128x128xf32, #tpu.memory_space<vmem>>, %arg7: memref<128x128xf32, #tpu.memory_space<vmem>>, %arg8: memref<!tpu.dma_semaphore, #tpu.memory_space<semaphore_mem>>, %arg9: memref<!tpu.dma_semaphore, #tpu.memory_space<semaphore_mem>>) attributes {dimension_semantics = [#tpu.dimension_semantics<core_parallel>, #tpu.dimension_semantics<subcore_parallel>], iteration_bounds = array<i64: 2, 16>, scalar_prefetch = 0 : i64, scratch_operands = 5 : i64, tpu.core_type = #tpu.core_type<sc_vector_subcore>, window_params = [{transform_indices = #map}, {transform_indices = #map1}, {transform_indices = #map}]} {
    %mul3A = arith.constant 2 : i32
    %mul3A_0 = arith.muli %arg1, %mul3A : i32
    %add3A = arith.addi %mul3A_0, %arg0 : i32
    "tpu.region"() ({
      %run_scoped3A = tpu.sem_alloc : memref<!tpu.dma_semaphore, #tpu.memory_space<semaphore_mem>>
      %dma_start3A_12 = arith.constant 0 : i32
      %dma_start3A_13 = arith.constant 0 : i32
      %dma_start3A_14 = tpu.memref_slice %arg3[%add3A, %dma_start3A_12, %dma_start3A_13] : memref<32x32x128xi32, #tpu.memory_space<hbm>> -> memref<1x32x128xi32, #tpu.memory_space<hbm>>
      %dma_start3A_15 = tpu.memref_squeeze %dma_start3A_14 : memref<1x32x128xi32, #tpu.memory_space<hbm>> -> memref<32x128xi32, #tpu.memory_space<hbm>>
      %dma_start3A_16 = arith.constant 0 : i32
      %dma_start3A_17 = arith.constant 0 : i32
      %dma_start3A_18 = tpu.memref_slice %arg3[%add3A, %dma_start3A_16, %dma_start3A_17] : memref<32x32x128xi32, #tpu.memory_space<hbm>> -> memref<1x32x128xi32, #tpu.memory_space<hbm>>
      %dma_start3A_19 = tpu.memref_squeeze %dma_start3A_18 : memref<1x32x128xi32, #tpu.memory_space<hbm>> -> memref<32x128xi32, #tpu.memory_space<hbm>>
      tpu.enqueue_dma source(%dma_start3A_19 : memref<32x128xi32, #tpu.memory_space<hbm>>) target(%arg5 : memref<32x128xi32, #tpu.memory_space<vmem>>) target_semaphore(%run_scoped3A : memref<!tpu.dma_semaphore, #tpu.memory_space<semaphore_mem>>)
      %dma_wait3A = arith.constant 0 : i32
      %dma_wait3A_20 = arith.constant 0 : i32
      %dma_wait3A_21 = tpu.memref_slice %arg3[%add3A, %dma_wait3A, %dma_wait3A_20] : memref<32x32x128xi32, #tpu.memory_space<hbm>> -> memref<1x32x128xi32, #tpu.memory_space<hbm>>
      %dma_wait3A_22 = tpu.memref_squeeze %dma_wait3A_21 : memref<1x32x128xi32, #tpu.memory_space<hbm>> -> memref<32x128xi32, #tpu.memory_space<hbm>>
      %dma_wait3A_23 = arith.constant 0 : i32
      %dma_wait3A_24 = arith.constant 0 : i32
      %dma_wait3A_25 = tpu.memref_slice %arg3[%add3A, %dma_wait3A_23, %dma_wait3A_24] : memref<32x32x128xi32, #tpu.memory_space<hbm>> -> memref<1x32x128xi32, #tpu.memory_space<hbm>>
      %dma_wait3A_26 = tpu.memref_squeeze %dma_wait3A_25 : memref<1x32x128xi32, #tpu.memory_space<hbm>> -> memref<32x128xi32, #tpu.memory_space<hbm>>
      tpu.wait_dma2 semaphore(%run_scoped3A : memref<!tpu.dma_semaphore, #tpu.memory_space<semaphore_mem>>) src(%dma_wait3A_26 : memref<32x128xi32, #tpu.memory_space<hbm>>) dst(%arg5 : memref<32x128xi32, #tpu.memory_space<vmem>>)
      tpu.yield
    }) : () -> ()
    %dma_start3A = arith.constant 0 : i32
    %dma_start3A_1 = arith.constant 0 : i32
    %dma_start3A_2 = tpu.memref_slice %arg5[%dma_start3A, %dma_start3A_1] : memref<32x128xi32, #tpu.memory_space<vmem>> -> memref<1x128xi32, #tpu.memory_space<vmem>>
    %dma_start3A_3 = tpu.memref_squeeze %dma_start3A_2 : memref<1x128xi32, #tpu.memory_space<vmem>> -> memref<128xi32, #tpu.memory_space<vmem>>
    %dma_start3A_4 = arith.constant 0 : i32
    %dma_start3A_5 = arith.constant 0 : i32
    %dma_start3A_6 = tpu.memref_slice %arg2[%dma_start3A_4, %dma_start3A_5] : memref<16384x128xf32, #tpu.memory_space<hbm>> -> memref<16384x128xf32, #tpu.memory_space<hbm>>
    tpu.enqueue_indirect_dma source(%dma_start3A_6 : memref<16384x128xf32, #tpu.memory_space<hbm>>) target(%arg6 : memref<128x128xf32, #tpu.memory_space<vmem>>) offsets(%dma_start3A_3 : memref<128xi32, #tpu.memory_space<vmem>>) semaphore(%arg8 : memref<!tpu.dma_semaphore, #tpu.memory_space<semaphore_mem>>)
    %scan3A = arith.constant 0 : i32
    %scan3A_7 = arith.constant 0 : i32
    %scan3A_8 = arith.constant 16 : i32
    %scan3A_9 = arith.addi %scan3A_7, %scan3A_8 : i32
    %scan3A_10 = arith.constant 1 : i32
    scf.for %scan3A_12 = %scan3A_7 to %scan3A_9 step %scan3A_10  : i32 {
      %mul3A_13 = arith.constant 2 : i32
      %mul3A_14 = arith.muli %scan3A_12, %mul3A_13 : i32
      %add3A_15 = arith.constant 1 : i32
      %add3A_16 = arith.addi %mul3A_14, %add3A_15 : i32
      %dma_start3A_17 = arith.constant 0 : i32
      %dma_start3A_18 = tpu.memref_slice %arg5[%add3A_16, %dma_start3A_17] : memref<32x128xi32, #tpu.memory_space<vmem>> -> memref<1x128xi32, #tpu.memory_space<vmem>>
      %dma_start3A_19 = tpu.memref_squeeze %dma_start3A_18 : memref<1x128xi32, #tpu.memory_space<vmem>> -> memref<128xi32, #tpu.memory_space<vmem>>
      %dma_start3A_20 = arith.constant 0 : i32
      %dma_start3A_21 = arith.constant 0 : i32
      %dma_start3A_22 = tpu.memref_slice %arg2[%dma_start3A_20, %dma_start3A_21] : memref<16384x128xf32, #tpu.memory_space<hbm>> -> memref<16384x128xf32, #tpu.memory_space<hbm>>
      tpu.enqueue_indirect_dma source(%dma_start3A_22 : memref<16384x128xf32, #tpu.memory_space<hbm>>) target(%arg7 : memref<128x128xf32, #tpu.memory_space<vmem>>) offsets(%dma_start3A_19 : memref<128xi32, #tpu.memory_space<vmem>>) semaphore(%arg9 : memref<!tpu.dma_semaphore, #tpu.memory_space<semaphore_mem>>)
      %dma_wait3A = arith.constant 0 : i32
      %dma_wait3A_23 = tpu.memref_slice %arg5[%mul3A_14, %dma_wait3A] : memref<32x128xi32, #tpu.memory_space<vmem>> -> memref<1x128xi32, #tpu.memory_space<vmem>>
      %dma_wait3A_24 = tpu.memref_squeeze %dma_wait3A_23 : memref<1x128xi32, #tpu.memory_space<vmem>> -> memref<128xi32, #tpu.memory_space<vmem>>
      %dma_wait3A_25 = arith.constant 0 : i32
      %dma_wait3A_26 = arith.constant 0 : i32
      %dma_wait3A_27 = tpu.memref_slice %arg2[%dma_wait3A_25, %dma_wait3A_26] : memref<16384x128xf32, #tpu.memory_space<hbm>> -> memref<16384x128xf32, #tpu.memory_space<hbm>>
      tpu.wait_indirect_dma semaphore(%arg8 : memref<!tpu.dma_semaphore, #tpu.memory_space<semaphore_mem>>) src(%dma_wait3A_27 : memref<16384x128xf32, #tpu.memory_space<hbm>>) dst(%arg6 : memref<128x128xf32, #tpu.memory_space<vmem>>)
      %mul3A_28 = arith.constant 4096 : i32
      %mul3A_29 = arith.muli %add3A, %mul3A_28 : i32
      %mul3A_30 = arith.constant 128 : i32
      %mul3A_31 = arith.muli %mul3A_14, %mul3A_30 : i32
      %add3A_32 = arith.addi %mul3A_29, %mul3A_31 : i32
      "tpu.region"() ({
        %run_scoped3A = tpu.sem_alloc : memref<!tpu.dma_semaphore, #tpu.memory_space<semaphore_mem>>
        %dma_start3A_50 = arith.constant 0 : i32
        %dma_start3A_51 = tpu.memref_slice %arg4[%add3A_32, %dma_start3A_50] : memref<131072x128xf32, #tpu.memory_space<hbm>> -> memref<128x128xf32, #tpu.memory_space<hbm>>
        %dma_start3A_52 = arith.constant 0 : i32
        %dma_start3A_53 = tpu.memref_slice %arg4[%add3A_32, %dma_start3A_52] : memref<131072x128xf32, #tpu.memory_space<hbm>> -> memref<128x128xf32, #tpu.memory_space<hbm>>
        tpu.enqueue_dma source(%arg6 : memref<128x128xf32, #tpu.memory_space<vmem>>) target(%dma_start3A_53 : memref<128x128xf32, #tpu.memory_space<hbm>>) target_semaphore(%run_scoped3A : memref<!tpu.dma_semaphore, #tpu.memory_space<semaphore_mem>>)
        %dma_wait3A_54 = arith.constant 0 : i32
        %dma_wait3A_55 = tpu.memref_slice %arg4[%add3A_32, %dma_wait3A_54] : memref<131072x128xf32, #tpu.memory_space<hbm>> -> memref<128x128xf32, #tpu.memory_space<hbm>>
        %dma_wait3A_56 = arith.constant 0 : i32
        %dma_wait3A_57 = tpu.memref_slice %arg4[%add3A_32, %dma_wait3A_56] : memref<131072x128xf32, #tpu.memory_space<hbm>> -> memref<128x128xf32, #tpu.memory_space<hbm>>
        tpu.wait_dma2 semaphore(%run_scoped3A : memref<!tpu.dma_semaphore, #tpu.memory_space<semaphore_mem>>) src(%arg6 : memref<128x128xf32, #tpu.memory_space<vmem>>) dst(%dma_wait3A_57 : memref<128x128xf32, #tpu.memory_space<hbm>>)
        tpu.yield
      }) : () -> ()
      %add3A_33 = arith.constant 2 : i32
      %add3A_34 = arith.addi %mul3A_14, %add3A_33 : i32
      %lt3A = arith.constant 32 : i32
      %lt3A_35 = arith.cmpi slt, %add3A_34, %lt3A : i32
      %convert_element_type3A = arith.extui %lt3A_35 : i1 to i32
      %cond3A = arith.constant 0 : i32
      %cond3A_36 = arith.cmpi ne, %convert_element_type3A, %cond3A : i32
      scf.if %cond3A_36 {
        %add3A_50 = arith.constant 2 : i32
        %add3A_51 = arith.addi %mul3A_14, %add3A_50 : i32
        %dma_start3A_52 = arith.constant 0 : i32
        %dma_start3A_53 = tpu.memref_slice %arg5[%add3A_51, %dma_start3A_52] : memref<32x128xi32, #tpu.memory_space<vmem>> -> memref<1x128xi32, #tpu.memory_space<vmem>>
        %dma_start3A_54 = tpu.memref_squeeze %dma_start3A_53 : memref<1x128xi32, #tpu.memory_space<vmem>> -> memref<128xi32, #tpu.memory_space<vmem>>
        %dma_start3A_55 = arith.constant 0 : i32
        %dma_start3A_56 = arith.constant 0 : i32
        %dma_start3A_57 = tpu.memref_slice %arg2[%dma_start3A_55, %dma_start3A_56] : memref<16384x128xf32, #tpu.memory_space<hbm>> -> memref<16384x128xf32, #tpu.memory_space<hbm>>
        tpu.enqueue_indirect_dma source(%dma_start3A_57 : memref<16384x128xf32, #tpu.memory_space<hbm>>) target(%arg6 : memref<128x128xf32, #tpu.memory_space<vmem>>) offsets(%dma_start3A_54 : memref<128xi32, #tpu.memory_space<vmem>>) semaphore(%arg8 : memref<!tpu.dma_semaphore, #tpu.memory_space<semaphore_mem>>)
      } else {
      }
      %add3A_37 = arith.constant 1 : i32
      %add3A_38 = arith.addi %mul3A_14, %add3A_37 : i32
      %dma_wait3A_39 = arith.constant 0 : i32
      %dma_wait3A_40 = tpu.memref_slice %arg5[%add3A_38, %dma_wait3A_39] : memref<32x128xi32, #tpu.memory_space<vmem>> -> memref<1x128xi32, #tpu.memory_space<vmem>>
      %dma_wait3A_41 = tpu.memref_squeeze %dma_wait3A_40 : memref<1x128xi32, #tpu.memory_space<vmem>> -> memref<128xi32, #tpu.memory_space<vmem>>
      %dma_wait3A_42 = arith.constant 0 : i32
      %dma_wait3A_43 = arith.constant 0 : i32
      %dma_wait3A_44 = tpu.memref_slice %arg2[%dma_wait3A_42, %dma_wait3A_43] : memref<16384x128xf32, #tpu.memory_space<hbm>> -> memref<16384x128xf32, #tpu.memory_space<hbm>>
      tpu.wait_indirect_dma semaphore(%arg9 : memref<!tpu.dma_semaphore, #tpu.memory_space<semaphore_mem>>) src(%dma_wait3A_44 : memref<16384x128xf32, #tpu.memory_space<hbm>>) dst(%arg7 : memref<128x128xf32, #tpu.memory_space<vmem>>)
      %mul3A_45 = arith.constant 4096 : i32
      %mul3A_46 = arith.muli %add3A, %mul3A_45 : i32
      %mul3A_47 = arith.constant 128 : i32
      %mul3A_48 = arith.muli %add3A_38, %mul3A_47 : i32
      %add3A_49 = arith.addi %mul3A_46, %mul3A_48 : i32
      "tpu.region"() ({
        %run_scoped3A = tpu.sem_alloc : memref<!tpu.dma_semaphore, #tpu.memory_space<semaphore_mem>>
        %dma_start3A_50 = arith.constant 0 : i32
        %dma_start3A_51 = tpu.memref_slice %arg4[%add3A_49, %dma_start3A_50] : memref<131072x128xf32, #tpu.memory_space<hbm>> -> memref<128x128xf32, #tpu.memory_space<hbm>>
        %dma_start3A_52 = arith.constant 0 : i32
        %dma_start3A_53 = tpu.memref_slice %arg4[%add3A_49, %dma_start3A_52] : memref<131072x128xf32, #tpu.memory_space<hbm>> -> memref<128x128xf32, #tpu.memory_space<hbm>>
        tpu.enqueue_dma source(%arg7 : memref<128x128xf32, #tpu.memory_space<vmem>>) target(%dma_start3A_53 : memref<128x128xf32, #tpu.memory_space<hbm>>) target_semaphore(%run_scoped3A : memref<!tpu.dma_semaphore, #tpu.memory_space<semaphore_mem>>)
        %dma_wait3A_54 = arith.constant 0 : i32
        %dma_wait3A_55 = tpu.memref_slice %arg4[%add3A_49, %dma_wait3A_54] : memref<131072x128xf32, #tpu.memory_space<hbm>> -> memref<128x128xf32, #tpu.memory_space<hbm>>
        %dma_wait3A_56 = arith.constant 0 : i32
        %dma_wait3A_57 = tpu.memref_slice %arg4[%add3A_49, %dma_wait3A_56] : memref<131072x128xf32, #tpu.memory_space<hbm>> -> memref<128x128xf32, #tpu.memory_space<hbm>>
        tpu.wait_dma2 semaphore(%run_scoped3A : memref<!tpu.dma_semaphore, #tpu.memory_space<semaphore_mem>>) src(%arg7 : memref<128x128xf32, #tpu.memory_space<vmem>>) dst(%dma_wait3A_57 : memref<128x128xf32, #tpu.memory_space<hbm>>)
        tpu.yield
      }) : () -> ()
    }
    %scan3A_11 = arith.constant 16 : i32
    return
  }
}

#map = affine_map<(d0, d1) -> (0, 0)>
#map1 = affine_map<(d0, d1) -> (0, 0, 0)>
module attributes {stable_mosaic.version = 14 : i64} {
  func.func @body(%arg0: i32, %arg1: i32, %arg2: memref<16384x128xf32, #tpu.memory_space<hbm>>, %arg3: memref<32x32x128xi32, #tpu.memory_space<hbm>>, %arg4: memref<131072x128xf32, #tpu.memory_space<hbm>>, %arg5: memref<32x128xi32, #tpu.memory_space<vmem>>, %arg6: memref<128x128xf32, #tpu.memory_space<vmem>>, %arg7: memref<128x128xf32, #tpu.memory_space<vmem>>, %arg8: memref<!tpu.dma_semaphore, #tpu.memory_space<semaphore_mem>>, %arg9: memref<!tpu.dma_semaphore, #tpu.memory_space<semaphore_mem>>) attributes {dimension_semantics = [#tpu.dimension_semantics<core_parallel>, #tpu.dimension_semantics<subcore_parallel>], iteration_bounds = array<i64: 2, 16>, scalar_prefetch = 0 : i64, scratch_operands = 5 : i64, tpu.core_type = #tpu.core_type<sc_vector_subcore>, window_params = [{transform_indices = #map}, {transform_indices = #map1}, {transform_indices = #map}]} {
    %mul3A = arith.constant 2 : i32
    %mul3A_0 = arith.muli %arg1, %mul3A : i32
    %add3A = arith.addi %mul3A_0, %arg0 : i32
    "tpu.region"() ({
      %run_scoped3A = tpu.sem_alloc : memref<!tpu.dma_semaphore, #tpu.memory_space<semaphore_mem>>
      %dma_start3A_12 = arith.constant 0 : i32
      %dma_start3A_13 = arith.constant 0 : i32
      %dma_start3A_14 = tpu.memref_slice %arg3[%add3A, %dma_start3A_12, %dma_start3A_13] : memref<32x32x128xi32, #tpu.memory_space<hbm>> -> memref<1x32x128xi32, #tpu.memory_space<hbm>>
      %dma_start3A_15 = tpu.memref_squeeze %dma_start3A_14 : memref<1x32x128xi32, #tpu.memory_space<hbm>> -> memref<32x128xi32, #tpu.memory_space<hbm>>
      %dma_start3A_16 = arith.constant 0 : i32
      %dma_start3A_17 = arith.constant 0 : i32
      %dma_start3A_18 = tpu.memref_slice %arg3[%add3A, %dma_start3A_16, %dma_start3A_17] : memref<32x32x128xi32, #tpu.memory_space<hbm>> -> memref<1x32x128xi32, #tpu.memory_space<hbm>>
      %dma_start3A_19 = tpu.memref_squeeze %dma_start3A_18 : memref<1x32x128xi32, #tpu.memory_space<hbm>> -> memref<32x128xi32, #tpu.memory_space<hbm>>
      tpu.enqueue_dma source(%dma_start3A_19 : memref<32x128xi32, #tpu.memory_space<hbm>>) target(%arg5 : memref<32x128xi32, #tpu.memory_space<vmem>>) target_semaphore(%run_scoped3A : memref<!tpu.dma_semaphore, #tpu.memory_space<semaphore_mem>>)
      %dma_wait3A = arith.constant 0 : i32
      %dma_wait3A_20 = arith.constant 0 : i32
      %dma_wait3A_21 = tpu.memref_slice %arg3[%add3A, %dma_wait3A, %dma_wait3A_20] : memref<32x32x128xi32, #tpu.memory_space<hbm>> -> memref<1x32x128xi32, #tpu.memory_space<hbm>>
      %dma_wait3A_22 = tpu.memref_squeeze %dma_wait3A_21 : memref<1x32x128xi32, #tpu.memory_space<hbm>> -> memref<32x128xi32, #tpu.memory_space<hbm>>
      %dma_wait3A_23 = arith.constant 0 : i32
      %dma_wait3A_24 = arith.constant 0 : i32
      %dma_wait3A_25 = tpu.memref_slice %arg3[%add3A, %dma_wait3A_23, %dma_wait3A_24] : memref<32x32x128xi32, #tpu.memory_space<hbm>> -> memref<1x32x128xi32, #tpu.memory_space<hbm>>
      %dma_wait3A_26 = tpu.memref_squeeze %dma_wait3A_25 : memref<1x32x128xi32, #tpu.memory_space<hbm>> -> memref<32x128xi32, #tpu.memory_space<hbm>>
      tpu.wait_dma2 semaphore(%run_scoped3A : memref<!tpu.dma_semaphore, #tpu.memory_space<semaphore_mem>>) src(%dma_wait3A_26 : memref<32x128xi32, #tpu.memory_space<hbm>>) dst(%arg5 : memref<32x128xi32, #tpu.memory_space<vmem>>)
      tpu.yield
    }) : () -> ()
    %dma_start3A = arith.constant 0 : i32
    %dma_start3A_1 = arith.constant 0 : i32
    %dma_start3A_2 = tpu.memref_slice %arg5[%dma_start3A, %dma_start3A_1] : memref<32x128xi32, #tpu.memory_space<vmem>> -> memref<1x128xi32, #tpu.memory_space<vmem>>
    %dma_start3A_3 = tpu.memref_squeeze %dma_start3A_2 : memref<1x128xi32, #tpu.memory_space<vmem>> -> memref<128xi32, #tpu.memory_space<vmem>>
    %dma_start3A_4 = arith.constant 0 : i32
    %dma_start3A_5 = arith.constant 0 : i32
    %dma_start3A_6 = tpu.memref_slice %arg2[%dma_start3A_4, %dma_start3A_5] : memref<16384x128xf32, #tpu.memory_space<hbm>> -> memref<16384x128xf32, #tpu.memory_space<hbm>>
    tpu.enqueue_indirect_dma source(%dma_start3A_6 : memref<16384x128xf32, #tpu.memory_space<hbm>>) target(%arg6 : memref<128x128xf32, #tpu.memory_space<vmem>>) offsets(%dma_start3A_3 : memref<128xi32, #tpu.memory_space<vmem>>) semaphore(%arg8 : memref<!tpu.dma_semaphore, #tpu.memory_space<semaphore_mem>>)
    %scan3A = arith.constant 0 : i32
    %scan3A_7 = arith.constant 0 : i32
    %scan3A_8 = arith.constant 16 : i32
    %scan3A_9 = arith.addi %scan3A_7, %scan3A_8 : i32
    %scan3A_10 = arith.constant 1 : i32
    scf.for %scan3A_12 = %scan3A_7 to %scan3A_9 step %scan3A_10  : i32 {
      %mul3A_13 = arith.constant 2 : i32
      %mul3A_14 = arith.muli %scan3A_12, %mul3A_13 : i32
      %add3A_15 = arith.constant 1 : i32
      %add3A_16 = arith.addi %mul3A_14, %add3A_15 : i32
      %dma_start3A_17 = arith.constant 0 : i32
      %dma_start3A_18 = tpu.memref_slice %arg5[%add3A_16, %dma_start3A_17] : memref<32x128xi32, #tpu.memory_space<vmem>> -> memref<1x128xi32, #tpu.memory_space<vmem>>
      %dma_start3A_19 = tpu.memref_squeeze %dma_start3A_18 : memref<1x128xi32, #tpu.memory_space<vmem>> -> memref<128xi32, #tpu.memory_space<vmem>>
      %dma_start3A_20 = arith.constant 0 : i32
      %dma_start3A_21 = arith.constant 0 : i32
      %dma_start3A_22 = tpu.memref_slice %arg2[%dma_start3A_20, %dma_start3A_21] : memref<16384x128xf32, #tpu.memory_space<hbm>> -> memref<16384x128xf32, #tpu.memory_space<hbm>>
      tpu.enqueue_indirect_dma source(%dma_start3A_22 : memref<16384x128xf32, #tpu.memory_space<hbm>>) target(%arg7 : memref<128x128xf32, #tpu.memory_space<vmem>>) offsets(%dma_start3A_19 : memref<128xi32, #tpu.memory_space<vmem>>) semaphore(%arg9 : memref<!tpu.dma_semaphore, #tpu.memory_space<semaphore_mem>>)
      %dma_wait3A = arith.constant 0 : i32
      %dma_wait3A_23 = tpu.memref_slice %arg5[%mul3A_14, %dma_wait3A] : memref<32x128xi32, #tpu.memory_space<vmem>> -> memref<1x128xi32, #tpu.memory_space<vmem>>
      %dma_wait3A_24 = tpu.memref_squeeze %dma_wait3A_23 : memref<1x128xi32, #tpu.memory_space<vmem>> -> memref<128xi32, #tpu.memory_space<vmem>>
      %dma_wait3A_25 = arith.constant 0 : i32
      %dma_wait3A_26 = arith.constant 0 : i32
      %dma_wait3A_27 = tpu.memref_slice %arg2[%dma_wait3A_25, %dma_wait3A_26] : memref<16384x128xf32, #tpu.memory_space<hbm>> -> memref<16384x128xf32, #tpu.memory_space<hbm>>
      tpu.wait_indirect_dma semaphore(%arg8 : memref<!tpu.dma_semaphore, #tpu.memory_space<semaphore_mem>>) src(%dma_wait3A_27 : memref<16384x128xf32, #tpu.memory_space<hbm>>) dst(%arg6 : memref<128x128xf32, #tpu.memory_space<vmem>>)
      %mul3A_28 = arith.constant 4096 : i32
      %mul3A_29 = arith.muli %add3A, %mul3A_28 : i32
      %mul3A_30 = arith.constant 128 : i32
      %mul3A_31 = arith.muli %mul3A_14, %mul3A_30 : i32
      %add3A_32 = arith.addi %mul3A_29, %mul3A_31 : i32
      "tpu.region"() ({
        %run_scoped3A = tpu.sem_alloc : memref<!tpu.dma_semaphore, #tpu.memory_space<semaphore_mem>>
        %dma_start3A_50 = arith.constant 0 : i32
        %dma_start3A_51 = tpu.memref_slice %arg4[%add3A_32, %dma_start3A_50] : memref<131072x128xf32, #tpu.memory_space<hbm>> -> memref<128x128xf32, #tpu.memory_space<hbm>>
        %dma_start3A_52 = arith.constant 0 : i32
        %dma_start3A_53 = tpu.memref_slice %arg4[%add3A_32, %dma_start3A_52] : memref<131072x128xf32, #tpu.memory_space<hbm>> -> memref<128x128xf32, #tpu.memory_space<hbm>>
        tpu.enqueue_dma source(%arg6 : memref<128x128xf32, #tpu.memory_space<vmem>>) target(%dma_start3A_53 : memref<128x128xf32, #tpu.memory_space<hbm>>) target_semaphore(%run_scoped3A : memref<!tpu.dma_semaphore, #tpu.memory_space<semaphore_mem>>)
        %dma_wait3A_54 = arith.constant 0 : i32
        %dma_wait3A_55 = tpu.memref_slice %arg4[%add3A_32, %dma_wait3A_54] : memref<131072x128xf32, #tpu.memory_space<hbm>> -> memref<128x128xf32, #tpu.memory_space<hbm>>
        %dma_wait3A_56 = arith.constant 0 : i32
        %dma_wait3A_57 = tpu.memref_slice %arg4[%add3A_32, %dma_wait3A_56] : memref<131072x128xf32, #tpu.memory_space<hbm>> -> memref<128x128xf32, #tpu.memory_space<hbm>>
        tpu.wait_dma2 semaphore(%run_scoped3A : memref<!tpu.dma_semaphore, #tpu.memory_space<semaphore_mem>>) src(%arg6 : memref<128x128xf32, #tpu.memory_space<vmem>>) dst(%dma_wait3A_57 : memref<128x128xf32, #tpu.memory_space<hbm>>)
        tpu.yield
      }) : () -> ()
      %add3A_33 = arith.constant 2 : i32
      %add3A_34 = arith.addi %mul3A_14, %add3A_33 : i32
      %lt3A = arith.constant 32 : i32
      %lt3A_35 = arith.cmpi slt, %add3A_34, %lt3A : i32
      %convert_element_type3A = arith.extui %lt3A_35 : i1 to i32
      %cond3A = arith.constant 0 : i32
      %cond3A_36 = arith.cmpi ne, %convert_element_type3A, %cond3A : i32
      scf.if %cond3A_36 {
        %add3A_50 = arith.constant 2 : i32
        %add3A_51 = arith.addi %mul3A_14, %add3A_50 : i32
        %dma_start3A_52 = arith.constant 0 : i32
        %dma_start3A_53 = tpu.memref_slice %arg5[%add3A_51, %dma_start3A_52] : memref<32x128xi32, #tpu.memory_space<vmem>> -> memref<1x128xi32, #tpu.memory_space<vmem>>
        %dma_start3A_54 = tpu.memref_squeeze %dma_start3A_53 : memref<1x128xi32, #tpu.memory_space<vmem>> -> memref<128xi32, #tpu.memory_space<vmem>>
        %dma_start3A_55 = arith.constant 0 : i32
        %dma_start3A_56 = arith.constant 0 : i32
        %dma_start3A_57 = tpu.memref_slice %arg2[%dma_start3A_55, %dma_start3A_56] : memref<16384x128xf32, #tpu.memory_space<hbm>> -> memref<16384x128xf32, #tpu.memory_space<hbm>>
        tpu.enqueue_indirect_dma source(%dma_start3A_57 : memref<16384x128xf32, #tpu.memory_space<hbm>>) target(%arg6 : memref<128x128xf32, #tpu.memory_space<vmem>>) offsets(%dma_start3A_54 : memref<128xi32, #tpu.memory_space<vmem>>) semaphore(%arg8 : memref<!tpu.dma_semaphore, #tpu.memory_space<semaphore_mem>>)
      } else {
      }
      %add3A_37 = arith.constant 1 : i32
      %add3A_38 = arith.addi %mul3A_14, %add3A_37 : i32
      %dma_wait3A_39 = arith.constant 0 : i32
      %dma_wait3A_40 = tpu.memref_slice %arg5[%add3A_38, %dma_wait3A_39] : memref<32x128xi32, #tpu.memory_space<vmem>> -> memref<1x128xi32, #tpu.memory_space<vmem>>
      %dma_wait3A_41 = tpu.memref_squeeze %dma_wait3A_40 : memref<1x128xi32, #tpu.memory_space<vmem>> -> memref<128xi32, #tpu.memory_space<vmem>>
      %dma_wait3A_42 = arith.constant 0 : i32
      %dma_wait3A_43 = arith.constant 0 : i32
      %dma_wait3A_44 = tpu.memref_slice %arg2[%dma_wait3A_42, %dma_wait3A_43] : memref<16384x128xf32, #tpu.memory_space<hbm>> -> memref<16384x128xf32, #tpu.memory_space<hbm>>
      tpu.wait_indirect_dma semaphore(%arg9 : memref<!tpu.dma_semaphore, #tpu.memory_space<semaphore_mem>>) src(%dma_wait3A_44 : memref<16384x128xf32, #tpu.memory_space<hbm>>) dst(%arg7 : memref<128x128xf32, #tpu.memory_space<vmem>>)
      %mul3A_45 = arith.constant 4096 : i32
      %mul3A_46 = arith.muli %add3A, %mul3A_45 : i32
      %mul3A_47 = arith.constant 128 : i32
      %mul3A_48 = arith.muli %add3A_38, %mul3A_47 : i32
      %add3A_49 = arith.addi %mul3A_46, %mul3A_48 : i32
      "tpu.region"() ({
        %run_scoped3A = tpu.sem_alloc : memref<!tpu.dma_semaphore, #tpu.memory_space<semaphore_mem>>
        %dma_start3A_50 = arith.constant 0 : i32
        %dma_start3A_51 = tpu.memref_slice %arg4[%add3A_49, %dma_start3A_50] : memref<131072x128xf32, #tpu.memory_space<hbm>> -> memref<128x128xf32, #tpu.memory_space<hbm>>
        %dma_start3A_52 = arith.constant 0 : i32
        %dma_start3A_53 = tpu.memref_slice %arg4[%add3A_49, %dma_start3A_52] : memref<131072x128xf32, #tpu.memory_space<hbm>> -> memref<128x128xf32, #tpu.memory_space<hbm>>
        tpu.enqueue_dma source(%arg7 : memref<128x128xf32, #tpu.memory_space<vmem>>) target(%dma_start3A_53 : memref<128x128xf32, #tpu.memory_space<hbm>>) target_semaphore(%run_scoped3A : memref<!tpu.dma_semaphore, #tpu.memory_space<semaphore_mem>>)
        %dma_wait3A_54 = arith.constant 0 : i32
        %dma_wait3A_55 = tpu.memref_slice %arg4[%add3A_49, %dma_wait3A_54] : memref<131072x128xf32, #tpu.memory_space<hbm>> -> memref<128x128xf32, #tpu.memory_space<hbm>>
        %dma_wait3A_56 = arith.constant 0 : i32
        %dma_wait3A_57 = tpu.memref_slice %arg4[%add3A_49, %dma_wait3A_56] : memref<131072x128xf32, #tpu.memory_space<hbm>> -> memref<128x128xf32, #tpu.memory_space<hbm>>
        tpu.wait_dma2 semaphore(%run_scoped3A : memref<!tpu.dma_semaphore, #tpu.memory_space<semaphore_mem>>) src(%arg7 : memref<128x128xf32, #tpu.memory_space<vmem>>) dst(%dma_wait3A_57 : memref<128x128xf32, #tpu.memory_space<hbm>>)
        tpu.yield
      }) : () -> ()
    }
    %scan3A_11 = arith.constant 16 : i32
    return
  }
}

#map = affine_map<(d0, d1) -> (0, 0)>
#map1 = affine_map<(d0, d1) -> (0, 0, 0)>
module attributes {stable_mosaic.version = 14 : i64} {
  func.func @body(%arg0: i32, %arg1: i32, %arg2: memref<16384x128xf32, #tpu.memory_space<hbm>>, %arg3: memref<32x32x128xi32, #tpu.memory_space<hbm>>, %arg4: memref<131072x128xf32, #tpu.memory_space<hbm>>, %arg5: memref<32x128xi32, #tpu.memory_space<vmem>>, %arg6: memref<128x128xf32, #tpu.memory_space<vmem>>, %arg7: memref<128x128xf32, #tpu.memory_space<vmem>>, %arg8: memref<!tpu.dma_semaphore, #tpu.memory_space<semaphore_mem>>, %arg9: memref<!tpu.dma_semaphore, #tpu.memory_space<semaphore_mem>>) attributes {dimension_semantics = [#tpu.dimension_semantics<core_parallel>, #tpu.dimension_semantics<subcore_parallel>], iteration_bounds = array<i64: 2, 16>, scalar_prefetch = 0 : i64, scratch_operands = 5 : i64, tpu.core_type = #tpu.core_type<sc_vector_subcore>, window_params = [{transform_indices = #map}, {transform_indices = #map1}, {transform_indices = #map}]} {
    %mul3A = arith.constant 2 : i32
    %mul3A_0 = arith.muli %arg1, %mul3A : i32
    %add3A = arith.addi %mul3A_0, %arg0 : i32
    "tpu.region"() ({
      %run_scoped3A = tpu.sem_alloc : memref<!tpu.dma_semaphore, #tpu.memory_space<semaphore_mem>>
      %dma_start3A_12 = arith.constant 0 : i32
      %dma_start3A_13 = arith.constant 0 : i32
      %dma_start3A_14 = tpu.memref_slice %arg3[%add3A, %dma_start3A_12, %dma_start3A_13] : memref<32x32x128xi32, #tpu.memory_space<hbm>> -> memref<1x32x128xi32, #tpu.memory_space<hbm>>
      %dma_start3A_15 = tpu.memref_squeeze %dma_start3A_14 : memref<1x32x128xi32, #tpu.memory_space<hbm>> -> memref<32x128xi32, #tpu.memory_space<hbm>>
      %dma_start3A_16 = arith.constant 0 : i32
      %dma_start3A_17 = arith.constant 0 : i32
      %dma_start3A_18 = tpu.memref_slice %arg3[%add3A, %dma_start3A_16, %dma_start3A_17] : memref<32x32x128xi32, #tpu.memory_space<hbm>> -> memref<1x32x128xi32, #tpu.memory_space<hbm>>
      %dma_start3A_19 = tpu.memref_squeeze %dma_start3A_18 : memref<1x32x128xi32, #tpu.memory_space<hbm>> -> memref<32x128xi32, #tpu.memory_space<hbm>>
      tpu.enqueue_dma source(%dma_start3A_19 : memref<32x128xi32, #tpu.memory_space<hbm>>) target(%arg5 : memref<32x128xi32, #tpu.memory_space<vmem>>) target_semaphore(%run_scoped3A : memref<!tpu.dma_semaphore, #tpu.memory_space<semaphore_mem>>)
      %dma_wait3A = arith.constant 0 : i32
      %dma_wait3A_20 = arith.constant 0 : i32
      %dma_wait3A_21 = tpu.memref_slice %arg3[%add3A, %dma_wait3A, %dma_wait3A_20] : memref<32x32x128xi32, #tpu.memory_space<hbm>> -> memref<1x32x128xi32, #tpu.memory_space<hbm>>
      %dma_wait3A_22 = tpu.memref_squeeze %dma_wait3A_21 : memref<1x32x128xi32, #tpu.memory_space<hbm>> -> memref<32x128xi32, #tpu.memory_space<hbm>>
      %dma_wait3A_23 = arith.constant 0 : i32
      %dma_wait3A_24 = arith.constant 0 : i32
      %dma_wait3A_25 = tpu.memref_slice %arg3[%add3A, %dma_wait3A_23, %dma_wait3A_24] : memref<32x32x128xi32, #tpu.memory_space<hbm>> -> memref<1x32x128xi32, #tpu.memory_space<hbm>>
      %dma_wait3A_26 = tpu.memref_squeeze %dma_wait3A_25 : memref<1x32x128xi32, #tpu.memory_space<hbm>> -> memref<32x128xi32, #tpu.memory_space<hbm>>
      tpu.wait_dma2 semaphore(%run_scoped3A : memref<!tpu.dma_semaphore, #tpu.memory_space<semaphore_mem>>) src(%dma_wait3A_26 : memref<32x128xi32, #tpu.memory_space<hbm>>) dst(%arg5 : memref<32x128xi32, #tpu.memory_space<vmem>>)
      tpu.yield
    }) : () -> ()
    %dma_start3A = arith.constant 0 : i32
    %dma_start3A_1 = arith.constant 0 : i32
    %dma_start3A_2 = tpu.memref_slice %arg5[%dma_start3A, %dma_start3A_1] : memref<32x128xi32, #tpu.memory_space<vmem>> -> memref<1x128xi32, #tpu.memory_space<vmem>>
    %dma_start3A_3 = tpu.memref_squeeze %dma_start3A_2 : memref<1x128xi32, #tpu.memory_space<vmem>> -> memref<128xi32, #tpu.memory_space<vmem>>
    %dma_start3A_4 = arith.constant 0 : i32
    %dma_start3A_5 = arith.constant 0 : i32
    %dma_start3A_6 = tpu.memref_slice %arg2[%dma_start3A_4, %dma_start3A_5] : memref<16384x128xf32, #tpu.memory_space<hbm>> -> memref<16384x128xf32, #tpu.memory_space<hbm>>
    tpu.enqueue_indirect_dma source(%dma_start3A_6 : memref<16384x128xf32, #tpu.memory_space<hbm>>) target(%arg6 : memref<128x128xf32, #tpu.memory_space<vmem>>) offsets(%dma_start3A_3 : memref<128xi32, #tpu.memory_space<vmem>>) semaphore(%arg8 : memref<!tpu.dma_semaphore, #tpu.memory_space<semaphore_mem>>)
    %scan3A = arith.constant 0 : i32
    %scan3A_7 = arith.constant 0 : i32
    %scan3A_8 = arith.constant 16 : i32
    %scan3A_9 = arith.addi %scan3A_7, %scan3A_8 : i32
    %scan3A_10 = arith.constant 1 : i32
    scf.for %scan3A_12 = %scan3A_7 to %scan3A_9 step %scan3A_10  : i32 {
      %mul3A_13 = arith.constant 2 : i32
      %mul3A_14 = arith.muli %scan3A_12, %mul3A_13 : i32
      %add3A_15 = arith.constant 1 : i32
      %add3A_16 = arith.addi %mul3A_14, %add3A_15 : i32
      %dma_start3A_17 = arith.constant 0 : i32
      %dma_start3A_18 = tpu.memref_slice %arg5[%add3A_16, %dma_start3A_17] : memref<32x128xi32, #tpu.memory_space<vmem>> -> memref<1x128xi32, #tpu.memory_space<vmem>>
      %dma_start3A_19 = tpu.memref_squeeze %dma_start3A_18 : memref<1x128xi32, #tpu.memory_space<vmem>> -> memref<128xi32, #tpu.memory_space<vmem>>
      %dma_start3A_20 = arith.constant 0 : i32
      %dma_start3A_21 = arith.constant 0 : i32
      %dma_start3A_22 = tpu.memref_slice %arg2[%dma_start3A_20, %dma_start3A_21] : memref<16384x128xf32, #tpu.memory_space<hbm>> -> memref<16384x128xf32, #tpu.memory_space<hbm>>
      tpu.enqueue_indirect_dma source(%dma_start3A_22 : memref<16384x128xf32, #tpu.memory_space<hbm>>) target(%arg7 : memref<128x128xf32, #tpu.memory_space<vmem>>) offsets(%dma_start3A_19 : memref<128xi32, #tpu.memory_space<vmem>>) semaphore(%arg9 : memref<!tpu.dma_semaphore, #tpu.memory_space<semaphore_mem>>)
      %dma_wait3A = arith.constant 0 : i32
      %dma_wait3A_23 = tpu.memref_slice %arg5[%mul3A_14, %dma_wait3A] : memref<32x128xi32, #tpu.memory_space<vmem>> -> memref<1x128xi32, #tpu.memory_space<vmem>>
      %dma_wait3A_24 = tpu.memref_squeeze %dma_wait3A_23 : memref<1x128xi32, #tpu.memory_space<vmem>> -> memref<128xi32, #tpu.memory_space<vmem>>
      %dma_wait3A_25 = arith.constant 0 : i32
      %dma_wait3A_26 = arith.constant 0 : i32
      %dma_wait3A_27 = tpu.memref_slice %arg2[%dma_wait3A_25, %dma_wait3A_26] : memref<16384x128xf32, #tpu.memory_space<hbm>> -> memref<16384x128xf32, #tpu.memory_space<hbm>>
      tpu.wait_indirect_dma semaphore(%arg8 : memref<!tpu.dma_semaphore, #tpu.memory_space<semaphore_mem>>) src(%dma_wait3A_27 : memref<16384x128xf32, #tpu.memory_space<hbm>>) dst(%arg6 : memref<128x128xf32, #tpu.memory_space<vmem>>)
      %mul3A_28 = arith.constant 4096 : i32
      %mul3A_29 = arith.muli %add3A, %mul3A_28 : i32
      %mul3A_30 = arith.constant 128 : i32
      %mul3A_31 = arith.muli %mul3A_14, %mul3A_30 : i32
      %add3A_32 = arith.addi %mul3A_29, %mul3A_31 : i32
      "tpu.region"() ({
        %run_scoped3A = tpu.sem_alloc : memref<!tpu.dma_semaphore, #tpu.memory_space<semaphore_mem>>
        %dma_start3A_50 = arith.constant 0 : i32
        %dma_start3A_51 = tpu.memref_slice %arg4[%add3A_32, %dma_start3A_50] : memref<131072x128xf32, #tpu.memory_space<hbm>> -> memref<128x128xf32, #tpu.memory_space<hbm>>
        %dma_start3A_52 = arith.constant 0 : i32
        %dma_start3A_53 = tpu.memref_slice %arg4[%add3A_32, %dma_start3A_52] : memref<131072x128xf32, #tpu.memory_space<hbm>> -> memref<128x128xf32, #tpu.memory_space<hbm>>
        tpu.enqueue_dma source(%arg6 : memref<128x128xf32, #tpu.memory_space<vmem>>) target(%dma_start3A_53 : memref<128x128xf32, #tpu.memory_space<hbm>>) target_semaphore(%run_scoped3A : memref<!tpu.dma_semaphore, #tpu.memory_space<semaphore_mem>>)
        %dma_wait3A_54 = arith.constant 0 : i32
        %dma_wait3A_55 = tpu.memref_slice %arg4[%add3A_32, %dma_wait3A_54] : memref<131072x128xf32, #tpu.memory_space<hbm>> -> memref<128x128xf32, #tpu.memory_space<hbm>>
        %dma_wait3A_56 = arith.constant 0 : i32
        %dma_wait3A_57 = tpu.memref_slice %arg4[%add3A_32, %dma_wait3A_56] : memref<131072x128xf32, #tpu.memory_space<hbm>> -> memref<128x128xf32, #tpu.memory_space<hbm>>
        tpu.wait_dma2 semaphore(%run_scoped3A : memref<!tpu.dma_semaphore, #tpu.memory_space<semaphore_mem>>) src(%arg6 : memref<128x128xf32, #tpu.memory_space<vmem>>) dst(%dma_wait3A_57 : memref<128x128xf32, #tpu.memory_space<hbm>>)
        tpu.yield
      }) : () -> ()
      %add3A_33 = arith.constant 2 : i32
      %add3A_34 = arith.addi %mul3A_14, %add3A_33 : i32
      %lt3A = arith.constant 32 : i32
      %lt3A_35 = arith.cmpi slt, %add3A_34, %lt3A : i32
      %convert_element_type3A = arith.extui %lt3A_35 : i1 to i32
      %cond3A = arith.constant 0 : i32
      %cond3A_36 = arith.cmpi ne, %convert_element_type3A, %cond3A : i32
      scf.if %cond3A_36 {
        %add3A_50 = arith.constant 2 : i32
        %add3A_51 = arith.addi %mul3A_14, %add3A_50 : i32
        %dma_start3A_52 = arith.constant 0 : i32
        %dma_start3A_53 = tpu.memref_slice %arg5[%add3A_51, %dma_start3A_52] : memref<32x128xi32, #tpu.memory_space<vmem>> -> memref<1x128xi32, #tpu.memory_space<vmem>>
        %dma_start3A_54 = tpu.memref_squeeze %dma_start3A_53 : memref<1x128xi32, #tpu.memory_space<vmem>> -> memref<128xi32, #tpu.memory_space<vmem>>
        %dma_start3A_55 = arith.constant 0 : i32
        %dma_start3A_56 = arith.constant 0 : i32
        %dma_start3A_57 = tpu.memref_slice %arg2[%dma_start3A_55, %dma_start3A_56] : memref<16384x128xf32, #tpu.memory_space<hbm>> -> memref<16384x128xf32, #tpu.memory_space<hbm>>
        tpu.enqueue_indirect_dma source(%dma_start3A_57 : memref<16384x128xf32, #tpu.memory_space<hbm>>) target(%arg6 : memref<128x128xf32, #tpu.memory_space<vmem>>) offsets(%dma_start3A_54 : memref<128xi32, #tpu.memory_space<vmem>>) semaphore(%arg8 : memref<!tpu.dma_semaphore, #tpu.memory_space<semaphore_mem>>)
      } else {
      }
      %add3A_37 = arith.constant 1 : i32
      %add3A_38 = arith.addi %mul3A_14, %add3A_37 : i32
      %dma_wait3A_39 = arith.constant 0 : i32
      %dma_wait3A_40 = tpu.memref_slice %arg5[%add3A_38, %dma_wait3A_39] : memref<32x128xi32, #tpu.memory_space<vmem>> -> memref<1x128xi32, #tpu.memory_space<vmem>>
      %dma_wait3A_41 = tpu.memref_squeeze %dma_wait3A_40 : memref<1x128xi32, #tpu.memory_space<vmem>> -> memref<128xi32, #tpu.memory_space<vmem>>
      %dma_wait3A_42 = arith.constant 0 : i32
      %dma_wait3A_43 = arith.constant 0 : i32
      %dma_wait3A_44 = tpu.memref_slice %arg2[%dma_wait3A_42, %dma_wait3A_43] : memref<16384x128xf32, #tpu.memory_space<hbm>> -> memref<16384x128xf32, #tpu.memory_space<hbm>>
      tpu.wait_indirect_dma semaphore(%arg9 : memref<!tpu.dma_semaphore, #tpu.memory_space<semaphore_mem>>) src(%dma_wait3A_44 : memref<16384x128xf32, #tpu.memory_space<hbm>>) dst(%arg7 : memref<128x128xf32, #tpu.memory_space<vmem>>)
      %mul3A_45 = arith.constant 4096 : i32
      %mul3A_46 = arith.muli %add3A, %mul3A_45 : i32
      %mul3A_47 = arith.constant 128 : i32
      %mul3A_48 = arith.muli %add3A_38, %mul3A_47 : i32
      %add3A_49 = arith.addi %mul3A_46, %mul3A_48 : i32
      "tpu.region"() ({
        %run_scoped3A = tpu.sem_alloc : memref<!tpu.dma_semaphore, #tpu.memory_space<semaphore_mem>>
        %dma_start3A_50 = arith.constant 0 : i32
        %dma_start3A_51 = tpu.memref_slice %arg4[%add3A_49, %dma_start3A_50] : memref<131072x128xf32, #tpu.memory_space<hbm>> -> memref<128x128xf32, #tpu.memory_space<hbm>>
        %dma_start3A_52 = arith.constant 0 : i32
        %dma_start3A_53 = tpu.memref_slice %arg4[%add3A_49, %dma_start3A_52] : memref<131072x128xf32, #tpu.memory_space<hbm>> -> memref<128x128xf32, #tpu.memory_space<hbm>>
        tpu.enqueue_dma source(%arg7 : memref<128x128xf32, #tpu.memory_space<vmem>>) target(%dma_start3A_53 : memref<128x128xf32, #tpu.memory_space<hbm>>) target_semaphore(%run_scoped3A : memref<!tpu.dma_semaphore, #tpu.memory_space<semaphore_mem>>)
        %dma_wait3A_54 = arith.constant 0 : i32
        %dma_wait3A_55 = tpu.memref_slice %arg4[%add3A_49, %dma_wait3A_54] : memref<131072x128xf32, #tpu.memory_space<hbm>> -> memref<128x128xf32, #tpu.memory_space<hbm>>
        %dma_wait3A_56 = arith.constant 0 : i32
        %dma_wait3A_57 = tpu.memref_slice %arg4[%add3A_49, %dma_wait3A_56] : memref<131072x128xf32, #tpu.memory_space<hbm>> -> memref<128x128xf32, #tpu.memory_space<hbm>>
        tpu.wait_dma2 semaphore(%run_scoped3A : memref<!tpu.dma_semaphore, #tpu.memory_space<semaphore_mem>>) src(%arg7 : memref<128x128xf32, #tpu.memory_space<vmem>>) dst(%dma_wait3A_57 : memref<128x128xf32, #tpu.memory_space<hbm>>)
        tpu.yield
      }) : () -> ()
    }
    %scan3A_11 = arith.constant 16 : i32
    return
  }
}

#map = affine_map<(d0, d1) -> (0, 0)>
#map1 = affine_map<(d0, d1) -> (0, 0, 0)>
module attributes {stable_mosaic.version = 14 : i64} {
  func.func @body(%arg0: i32, %arg1: i32, %arg2: memref<16384x128xf32, #tpu.memory_space<hbm>>, %arg3: memref<32x32x128xi32, #tpu.memory_space<hbm>>, %arg4: memref<131072x128xf32, #tpu.memory_space<hbm>>, %arg5: memref<32x128xi32, #tpu.memory_space<vmem>>, %arg6: memref<128x128xf32, #tpu.memory_space<vmem>>, %arg7: memref<128x128xf32, #tpu.memory_space<vmem>>, %arg8: memref<!tpu.dma_semaphore, #tpu.memory_space<semaphore_mem>>, %arg9: memref<!tpu.dma_semaphore, #tpu.memory_space<semaphore_mem>>) attributes {dimension_semantics = [#tpu.dimension_semantics<core_parallel>, #tpu.dimension_semantics<subcore_parallel>], iteration_bounds = array<i64: 2, 16>, scalar_prefetch = 0 : i64, scratch_operands = 5 : i64, tpu.core_type = #tpu.core_type<sc_vector_subcore>, window_params = [{transform_indices = #map}, {transform_indices = #map1}, {transform_indices = #map}]} {
    %mul3A = arith.constant 2 : i32
    %mul3A_0 = arith.muli %arg1, %mul3A : i32
    %add3A = arith.addi %mul3A_0, %arg0 : i32
    "tpu.region"() ({
      %run_scoped3A = tpu.sem_alloc : memref<!tpu.dma_semaphore, #tpu.memory_space<semaphore_mem>>
      %dma_start3A_12 = arith.constant 0 : i32
      %dma_start3A_13 = arith.constant 0 : i32
      %dma_start3A_14 = tpu.memref_slice %arg3[%add3A, %dma_start3A_12, %dma_start3A_13] : memref<32x32x128xi32, #tpu.memory_space<hbm>> -> memref<1x32x128xi32, #tpu.memory_space<hbm>>
      %dma_start3A_15 = tpu.memref_squeeze %dma_start3A_14 : memref<1x32x128xi32, #tpu.memory_space<hbm>> -> memref<32x128xi32, #tpu.memory_space<hbm>>
      %dma_start3A_16 = arith.constant 0 : i32
      %dma_start3A_17 = arith.constant 0 : i32
      %dma_start3A_18 = tpu.memref_slice %arg3[%add3A, %dma_start3A_16, %dma_start3A_17] : memref<32x32x128xi32, #tpu.memory_space<hbm>> -> memref<1x32x128xi32, #tpu.memory_space<hbm>>
      %dma_start3A_19 = tpu.memref_squeeze %dma_start3A_18 : memref<1x32x128xi32, #tpu.memory_space<hbm>> -> memref<32x128xi32, #tpu.memory_space<hbm>>
      tpu.enqueue_dma source(%dma_start3A_19 : memref<32x128xi32, #tpu.memory_space<hbm>>) target(%arg5 : memref<32x128xi32, #tpu.memory_space<vmem>>) target_semaphore(%run_scoped3A : memref<!tpu.dma_semaphore, #tpu.memory_space<semaphore_mem>>)
      %dma_wait3A = arith.constant 0 : i32
      %dma_wait3A_20 = arith.constant 0 : i32
      %dma_wait3A_21 = tpu.memref_slice %arg3[%add3A, %dma_wait3A, %dma_wait3A_20] : memref<32x32x128xi32, #tpu.memory_space<hbm>> -> memref<1x32x128xi32, #tpu.memory_space<hbm>>
      %dma_wait3A_22 = tpu.memref_squeeze %dma_wait3A_21 : memref<1x32x128xi32, #tpu.memory_space<hbm>> -> memref<32x128xi32, #tpu.memory_space<hbm>>
      %dma_wait3A_23 = arith.constant 0 : i32
      %dma_wait3A_24 = arith.constant 0 : i32
      %dma_wait3A_25 = tpu.memref_slice %arg3[%add3A, %dma_wait3A_23, %dma_wait3A_24] : memref<32x32x128xi32, #tpu.memory_space<hbm>> -> memref<1x32x128xi32, #tpu.memory_space<hbm>>
      %dma_wait3A_26 = tpu.memref_squeeze %dma_wait3A_25 : memref<1x32x128xi32, #tpu.memory_space<hbm>> -> memref<32x128xi32, #tpu.memory_space<hbm>>
      tpu.wait_dma2 semaphore(%run_scoped3A : memref<!tpu.dma_semaphore, #tpu.memory_space<semaphore_mem>>) src(%dma_wait3A_26 : memref<32x128xi32, #tpu.memory_space<hbm>>) dst(%arg5 : memref<32x128xi32, #tpu.memory_space<vmem>>)
      tpu.yield
    }) : () -> ()
    %dma_start3A = arith.constant 0 : i32
    %dma_start3A_1 = arith.constant 0 : i32
    %dma_start3A_2 = tpu.memref_slice %arg5[%dma_start3A, %dma_start3A_1] : memref<32x128xi32, #tpu.memory_space<vmem>> -> memref<1x128xi32, #tpu.memory_space<vmem>>
    %dma_start3A_3 = tpu.memref_squeeze %dma_start3A_2 : memref<1x128xi32, #tpu.memory_space<vmem>> -> memref<128xi32, #tpu.memory_space<vmem>>
    %dma_start3A_4 = arith.constant 0 : i32
    %dma_start3A_5 = arith.constant 0 : i32
    %dma_start3A_6 = tpu.memref_slice %arg2[%dma_start3A_4, %dma_start3A_5] : memref<16384x128xf32, #tpu.memory_space<hbm>> -> memref<16384x128xf32, #tpu.memory_space<hbm>>
    tpu.enqueue_indirect_dma source(%dma_start3A_6 : memref<16384x128xf32, #tpu.memory_space<hbm>>) target(%arg6 : memref<128x128xf32, #tpu.memory_space<vmem>>) offsets(%dma_start3A_3 : memref<128xi32, #tpu.memory_space<vmem>>) semaphore(%arg8 : memref<!tpu.dma_semaphore, #tpu.memory_space<semaphore_mem>>)
    %scan3A = arith.constant 0 : i32
    %scan3A_7 = arith.constant 0 : i32
    %scan3A_8 = arith.constant 16 : i32
    %scan3A_9 = arith.addi %scan3A_7, %scan3A_8 : i32
    %scan3A_10 = arith.constant 1 : i32
    scf.for %scan3A_12 = %scan3A_7 to %scan3A_9 step %scan3A_10  : i32 {
      %mul3A_13 = arith.constant 2 : i32
      %mul3A_14 = arith.muli %scan3A_12, %mul3A_13 : i32
      %add3A_15 = arith.constant 1 : i32
      %add3A_16 = arith.addi %mul3A_14, %add3A_15 : i32
      %dma_start3A_17 = arith.constant 0 : i32
      %dma_start3A_18 = tpu.memref_slice %arg5[%add3A_16, %dma_start3A_17] : memref<32x128xi32, #tpu.memory_space<vmem>> -> memref<1x128xi32, #tpu.memory_space<vmem>>
      %dma_start3A_19 = tpu.memref_squeeze %dma_start3A_18 : memref<1x128xi32, #tpu.memory_space<vmem>> -> memref<128xi32, #tpu.memory_space<vmem>>
      %dma_start3A_20 = arith.constant 0 : i32
      %dma_start3A_21 = arith.constant 0 : i32
      %dma_start3A_22 = tpu.memref_slice %arg2[%dma_start3A_20, %dma_start3A_21] : memref<16384x128xf32, #tpu.memory_space<hbm>> -> memref<16384x128xf32, #tpu.memory_space<hbm>>
      tpu.enqueue_indirect_dma source(%dma_start3A_22 : memref<16384x128xf32, #tpu.memory_space<hbm>>) target(%arg7 : memref<128x128xf32, #tpu.memory_space<vmem>>) offsets(%dma_start3A_19 : memref<128xi32, #tpu.memory_space<vmem>>) semaphore(%arg9 : memref<!tpu.dma_semaphore, #tpu.memory_space<semaphore_mem>>)
      %dma_wait3A = arith.constant 0 : i32
      %dma_wait3A_23 = tpu.memref_slice %arg5[%mul3A_14, %dma_wait3A] : memref<32x128xi32, #tpu.memory_space<vmem>> -> memref<1x128xi32, #tpu.memory_space<vmem>>
      %dma_wait3A_24 = tpu.memref_squeeze %dma_wait3A_23 : memref<1x128xi32, #tpu.memory_space<vmem>> -> memref<128xi32, #tpu.memory_space<vmem>>
      %dma_wait3A_25 = arith.constant 0 : i32
      %dma_wait3A_26 = arith.constant 0 : i32
      %dma_wait3A_27 = tpu.memref_slice %arg2[%dma_wait3A_25, %dma_wait3A_26] : memref<16384x128xf32, #tpu.memory_space<hbm>> -> memref<16384x128xf32, #tpu.memory_space<hbm>>
      tpu.wait_indirect_dma semaphore(%arg8 : memref<!tpu.dma_semaphore, #tpu.memory_space<semaphore_mem>>) src(%dma_wait3A_27 : memref<16384x128xf32, #tpu.memory_space<hbm>>) dst(%arg6 : memref<128x128xf32, #tpu.memory_space<vmem>>)
      %mul3A_28 = arith.constant 4096 : i32
      %mul3A_29 = arith.muli %add3A, %mul3A_28 : i32
      %mul3A_30 = arith.constant 128 : i32
      %mul3A_31 = arith.muli %mul3A_14, %mul3A_30 : i32
      %add3A_32 = arith.addi %mul3A_29, %mul3A_31 : i32
      "tpu.region"() ({
        %run_scoped3A = tpu.sem_alloc : memref<!tpu.dma_semaphore, #tpu.memory_space<semaphore_mem>>
        %dma_start3A_50 = arith.constant 0 : i32
        %dma_start3A_51 = tpu.memref_slice %arg4[%add3A_32, %dma_start3A_50] : memref<131072x128xf32, #tpu.memory_space<hbm>> -> memref<128x128xf32, #tpu.memory_space<hbm>>
        %dma_start3A_52 = arith.constant 0 : i32
        %dma_start3A_53 = tpu.memref_slice %arg4[%add3A_32, %dma_start3A_52] : memref<131072x128xf32, #tpu.memory_space<hbm>> -> memref<128x128xf32, #tpu.memory_space<hbm>>
        tpu.enqueue_dma source(%arg6 : memref<128x128xf32, #tpu.memory_space<vmem>>) target(%dma_start3A_53 : memref<128x128xf32, #tpu.memory_space<hbm>>) target_semaphore(%run_scoped3A : memref<!tpu.dma_semaphore, #tpu.memory_space<semaphore_mem>>)
        %dma_wait3A_54 = arith.constant 0 : i32
        %dma_wait3A_55 = tpu.memref_slice %arg4[%add3A_32, %dma_wait3A_54] : memref<131072x128xf32, #tpu.memory_space<hbm>> -> memref<128x128xf32, #tpu.memory_space<hbm>>
        %dma_wait3A_56 = arith.constant 0 : i32
        %dma_wait3A_57 = tpu.memref_slice %arg4[%add3A_32, %dma_wait3A_56] : memref<131072x128xf32, #tpu.memory_space<hbm>> -> memref<128x128xf32, #tpu.memory_space<hbm>>
        tpu.wait_dma2 semaphore(%run_scoped3A : memref<!tpu.dma_semaphore, #tpu.memory_space<semaphore_mem>>) src(%arg6 : memref<128x128xf32, #tpu.memory_space<vmem>>) dst(%dma_wait3A_57 : memref<128x128xf32, #tpu.memory_space<hbm>>)
        tpu.yield
      }) : () -> ()
      %add3A_33 = arith.constant 2 : i32
      %add3A_34 = arith.addi %mul3A_14, %add3A_33 : i32
      %lt3A = arith.constant 32 : i32
      %lt3A_35 = arith.cmpi slt, %add3A_34, %lt3A : i32
      %convert_element_type3A = arith.extui %lt3A_35 : i1 to i32
      %cond3A = arith.constant 0 : i32
      %cond3A_36 = arith.cmpi ne, %convert_element_type3A, %cond3A : i32
      scf.if %cond3A_36 {
        %add3A_50 = arith.constant 2 : i32
        %add3A_51 = arith.addi %mul3A_14, %add3A_50 : i32
        %dma_start3A_52 = arith.constant 0 : i32
        %dma_start3A_53 = tpu.memref_slice %arg5[%add3A_51, %dma_start3A_52] : memref<32x128xi32, #tpu.memory_space<vmem>> -> memref<1x128xi32, #tpu.memory_space<vmem>>
        %dma_start3A_54 = tpu.memref_squeeze %dma_start3A_53 : memref<1x128xi32, #tpu.memory_space<vmem>> -> memref<128xi32, #tpu.memory_space<vmem>>
        %dma_start3A_55 = arith.constant 0 : i32
        %dma_start3A_56 = arith.constant 0 : i32
        %dma_start3A_57 = tpu.memref_slice %arg2[%dma_start3A_55, %dma_start3A_56] : memref<16384x128xf32, #tpu.memory_space<hbm>> -> memref<16384x128xf32, #tpu.memory_space<hbm>>
        tpu.enqueue_indirect_dma source(%dma_start3A_57 : memref<16384x128xf32, #tpu.memory_space<hbm>>) target(%arg6 : memref<128x128xf32, #tpu.memory_space<vmem>>) offsets(%dma_start3A_54 : memref<128xi32, #tpu.memory_space<vmem>>) semaphore(%arg8 : memref<!tpu.dma_semaphore, #tpu.memory_space<semaphore_mem>>)
      } else {
      }
      %add3A_37 = arith.constant 1 : i32
      %add3A_38 = arith.addi %mul3A_14, %add3A_37 : i32
      %dma_wait3A_39 = arith.constant 0 : i32
      %dma_wait3A_40 = tpu.memref_slice %arg5[%add3A_38, %dma_wait3A_39] : memref<32x128xi32, #tpu.memory_space<vmem>> -> memref<1x128xi32, #tpu.memory_space<vmem>>
      %dma_wait3A_41 = tpu.memref_squeeze %dma_wait3A_40 : memref<1x128xi32, #tpu.memory_space<vmem>> -> memref<128xi32, #tpu.memory_space<vmem>>
      %dma_wait3A_42 = arith.constant 0 : i32
      %dma_wait3A_43 = arith.constant 0 : i32
      %dma_wait3A_44 = tpu.memref_slice %arg2[%dma_wait3A_42, %dma_wait3A_43] : memref<16384x128xf32, #tpu.memory_space<hbm>> -> memref<16384x128xf32, #tpu.memory_space<hbm>>
      tpu.wait_indirect_dma semaphore(%arg9 : memref<!tpu.dma_semaphore, #tpu.memory_space<semaphore_mem>>) src(%dma_wait3A_44 : memref<16384x128xf32, #tpu.memory_space<hbm>>) dst(%arg7 : memref<128x128xf32, #tpu.memory_space<vmem>>)
      %mul3A_45 = arith.constant 4096 : i32
      %mul3A_46 = arith.muli %add3A, %mul3A_45 : i32
      %mul3A_47 = arith.constant 128 : i32
      %mul3A_48 = arith.muli %add3A_38, %mul3A_47 : i32
      %add3A_49 = arith.addi %mul3A_46, %mul3A_48 : i32
      "tpu.region"() ({
        %run_scoped3A = tpu.sem_alloc : memref<!tpu.dma_semaphore, #tpu.memory_space<semaphore_mem>>
        %dma_start3A_50 = arith.constant 0 : i32
        %dma_start3A_51 = tpu.memref_slice %arg4[%add3A_49, %dma_start3A_50] : memref<131072x128xf32, #tpu.memory_space<hbm>> -> memref<128x128xf32, #tpu.memory_space<hbm>>
        %dma_start3A_52 = arith.constant 0 : i32
        %dma_start3A_53 = tpu.memref_slice %arg4[%add3A_49, %dma_start3A_52] : memref<131072x128xf32, #tpu.memory_space<hbm>> -> memref<128x128xf32, #tpu.memory_space<hbm>>
        tpu.enqueue_dma source(%arg7 : memref<128x128xf32, #tpu.memory_space<vmem>>) target(%dma_start3A_53 : memref<128x128xf32, #tpu.memory_space<hbm>>) target_semaphore(%run_scoped3A : memref<!tpu.dma_semaphore, #tpu.memory_space<semaphore_mem>>)
        %dma_wait3A_54 = arith.constant 0 : i32
        %dma_wait3A_55 = tpu.memref_slice %arg4[%add3A_49, %dma_wait3A_54] : memref<131072x128xf32, #tpu.memory_space<hbm>> -> memref<128x128xf32, #tpu.memory_space<hbm>>
        %dma_wait3A_56 = arith.constant 0 : i32
        %dma_wait3A_57 = tpu.memref_slice %arg4[%add3A_49, %dma_wait3A_56] : memref<131072x128xf32, #tpu.memory_space<hbm>> -> memref<128x128xf32, #tpu.memory_space<hbm>>
        tpu.wait_dma2 semaphore(%run_scoped3A : memref<!tpu.dma_semaphore, #tpu.memory_space<semaphore_mem>>) src(%arg7 : memref<128x128xf32, #tpu.memory_space<vmem>>) dst(%dma_wait3A_57 : memref<128x128xf32, #tpu.memory_space<hbm>>)
        tpu.yield
      }) : () -> ()
    }
    %scan3A_11 = arith.constant 16 : i32
    return
  }
}

#map = affine_map<(d0, d1) -> (0, 0)>
#map1 = affine_map<(d0, d1) -> (0, 0, 0)>
module attributes {stable_mosaic.version = 14 : i64} {
  func.func @body(%arg0: i32, %arg1: i32, %arg2: memref<16384x128xf32, #tpu.memory_space<hbm>>, %arg3: memref<32x32x128xi32, #tpu.memory_space<hbm>>, %arg4: memref<131072x128xf32, #tpu.memory_space<hbm>>, %arg5: memref<32x128xi32, #tpu.memory_space<vmem>>, %arg6: memref<128x128xf32, #tpu.memory_space<vmem>>, %arg7: memref<128x128xf32, #tpu.memory_space<vmem>>, %arg8: memref<!tpu.dma_semaphore, #tpu.memory_space<semaphore_mem>>, %arg9: memref<!tpu.dma_semaphore, #tpu.memory_space<semaphore_mem>>) attributes {dimension_semantics = [#tpu.dimension_semantics<core_parallel>, #tpu.dimension_semantics<subcore_parallel>], iteration_bounds = array<i64: 2, 16>, scalar_prefetch = 0 : i64, scratch_operands = 5 : i64, tpu.core_type = #tpu.core_type<sc_vector_subcore>, window_params = [{transform_indices = #map}, {transform_indices = #map1}, {transform_indices = #map}]} {
    %mul3A = arith.constant 2 : i32
    %mul3A_0 = arith.muli %arg1, %mul3A : i32
    %add3A = arith.addi %mul3A_0, %arg0 : i32
    "tpu.region"() ({
      %run_scoped3A = tpu.sem_alloc : memref<!tpu.dma_semaphore, #tpu.memory_space<semaphore_mem>>
      %dma_start3A_12 = arith.constant 0 : i32
      %dma_start3A_13 = arith.constant 0 : i32
      %dma_start3A_14 = tpu.memref_slice %arg3[%add3A, %dma_start3A_12, %dma_start3A_13] : memref<32x32x128xi32, #tpu.memory_space<hbm>> -> memref<1x32x128xi32, #tpu.memory_space<hbm>>
      %dma_start3A_15 = tpu.memref_squeeze %dma_start3A_14 : memref<1x32x128xi32, #tpu.memory_space<hbm>> -> memref<32x128xi32, #tpu.memory_space<hbm>>
      %dma_start3A_16 = arith.constant 0 : i32
      %dma_start3A_17 = arith.constant 0 : i32
      %dma_start3A_18 = tpu.memref_slice %arg3[%add3A, %dma_start3A_16, %dma_start3A_17] : memref<32x32x128xi32, #tpu.memory_space<hbm>> -> memref<1x32x128xi32, #tpu.memory_space<hbm>>
      %dma_start3A_19 = tpu.memref_squeeze %dma_start3A_18 : memref<1x32x128xi32, #tpu.memory_space<hbm>> -> memref<32x128xi32, #tpu.memory_space<hbm>>
      tpu.enqueue_dma source(%dma_start3A_19 : memref<32x128xi32, #tpu.memory_space<hbm>>) target(%arg5 : memref<32x128xi32, #tpu.memory_space<vmem>>) target_semaphore(%run_scoped3A : memref<!tpu.dma_semaphore, #tpu.memory_space<semaphore_mem>>)
      %dma_wait3A = arith.constant 0 : i32
      %dma_wait3A_20 = arith.constant 0 : i32
      %dma_wait3A_21 = tpu.memref_slice %arg3[%add3A, %dma_wait3A, %dma_wait3A_20] : memref<32x32x128xi32, #tpu.memory_space<hbm>> -> memref<1x32x128xi32, #tpu.memory_space<hbm>>
      %dma_wait3A_22 = tpu.memref_squeeze %dma_wait3A_21 : memref<1x32x128xi32, #tpu.memory_space<hbm>> -> memref<32x128xi32, #tpu.memory_space<hbm>>
      %dma_wait3A_23 = arith.constant 0 : i32
      %dma_wait3A_24 = arith.constant 0 : i32
      %dma_wait3A_25 = tpu.memref_slice %arg3[%add3A, %dma_wait3A_23, %dma_wait3A_24] : memref<32x32x128xi32, #tpu.memory_space<hbm>> -> memref<1x32x128xi32, #tpu.memory_space<hbm>>
      %dma_wait3A_26 = tpu.memref_squeeze %dma_wait3A_25 : memref<1x32x128xi32, #tpu.memory_space<hbm>> -> memref<32x128xi32, #tpu.memory_space<hbm>>
      tpu.wait_dma2 semaphore(%run_scoped3A : memref<!tpu.dma_semaphore, #tpu.memory_space<semaphore_mem>>) src(%dma_wait3A_26 : memref<32x128xi32, #tpu.memory_space<hbm>>) dst(%arg5 : memref<32x128xi32, #tpu.memory_space<vmem>>)
      tpu.yield
    }) : () -> ()
    %dma_start3A = arith.constant 0 : i32
    %dma_start3A_1 = arith.constant 0 : i32
    %dma_start3A_2 = tpu.memref_slice %arg5[%dma_start3A, %dma_start3A_1] : memref<32x128xi32, #tpu.memory_space<vmem>> -> memref<1x128xi32, #tpu.memory_space<vmem>>
    %dma_start3A_3 = tpu.memref_squeeze %dma_start3A_2 : memref<1x128xi32, #tpu.memory_space<vmem>> -> memref<128xi32, #tpu.memory_space<vmem>>
    %dma_start3A_4 = arith.constant 0 : i32
    %dma_start3A_5 = arith.constant 0 : i32
    %dma_start3A_6 = tpu.memref_slice %arg2[%dma_start3A_4, %dma_start3A_5] : memref<16384x128xf32, #tpu.memory_space<hbm>> -> memref<16384x128xf32, #tpu.memory_space<hbm>>
    tpu.enqueue_indirect_dma source(%dma_start3A_6 : memref<16384x128xf32, #tpu.memory_space<hbm>>) target(%arg6 : memref<128x128xf32, #tpu.memory_space<vmem>>) offsets(%dma_start3A_3 : memref<128xi32, #tpu.memory_space<vmem>>) semaphore(%arg8 : memref<!tpu.dma_semaphore, #tpu.memory_space<semaphore_mem>>)
    %scan3A = arith.constant 0 : i32
    %scan3A_7 = arith.constant 0 : i32
    %scan3A_8 = arith.constant 16 : i32
    %scan3A_9 = arith.addi %scan3A_7, %scan3A_8 : i32
    %scan3A_10 = arith.constant 1 : i32
    scf.for %scan3A_12 = %scan3A_7 to %scan3A_9 step %scan3A_10  : i32 {
      %mul3A_13 = arith.constant 2 : i32
      %mul3A_14 = arith.muli %scan3A_12, %mul3A_13 : i32
      %add3A_15 = arith.constant 1 : i32
      %add3A_16 = arith.addi %mul3A_14, %add3A_15 : i32
      %dma_start3A_17 = arith.constant 0 : i32
      %dma_start3A_18 = tpu.memref_slice %arg5[%add3A_16, %dma_start3A_17] : memref<32x128xi32, #tpu.memory_space<vmem>> -> memref<1x128xi32, #tpu.memory_space<vmem>>
      %dma_start3A_19 = tpu.memref_squeeze %dma_start3A_18 : memref<1x128xi32, #tpu.memory_space<vmem>> -> memref<128xi32, #tpu.memory_space<vmem>>
      %dma_start3A_20 = arith.constant 0 : i32
      %dma_start3A_21 = arith.constant 0 : i32
      %dma_start3A_22 = tpu.memref_slice %arg2[%dma_start3A_20, %dma_start3A_21] : memref<16384x128xf32, #tpu.memory_space<hbm>> -> memref<16384x128xf32, #tpu.memory_space<hbm>>
      tpu.enqueue_indirect_dma source(%dma_start3A_22 : memref<16384x128xf32, #tpu.memory_space<hbm>>) target(%arg7 : memref<128x128xf32, #tpu.memory_space<vmem>>) offsets(%dma_start3A_19 : memref<128xi32, #tpu.memory_space<vmem>>) semaphore(%arg9 : memref<!tpu.dma_semaphore, #tpu.memory_space<semaphore_mem>>)
      %dma_wait3A = arith.constant 0 : i32
      %dma_wait3A_23 = tpu.memref_slice %arg5[%mul3A_14, %dma_wait3A] : memref<32x128xi32, #tpu.memory_space<vmem>> -> memref<1x128xi32, #tpu.memory_space<vmem>>
      %dma_wait3A_24 = tpu.memref_squeeze %dma_wait3A_23 : memref<1x128xi32, #tpu.memory_space<vmem>> -> memref<128xi32, #tpu.memory_space<vmem>>
      %dma_wait3A_25 = arith.constant 0 : i32
      %dma_wait3A_26 = arith.constant 0 : i32
      %dma_wait3A_27 = tpu.memref_slice %arg2[%dma_wait3A_25, %dma_wait3A_26] : memref<16384x128xf32, #tpu.memory_space<hbm>> -> memref<16384x128xf32, #tpu.memory_space<hbm>>
      tpu.wait_indirect_dma semaphore(%arg8 : memref<!tpu.dma_semaphore, #tpu.memory_space<semaphore_mem>>) src(%dma_wait3A_27 : memref<16384x128xf32, #tpu.memory_space<hbm>>) dst(%arg6 : memref<128x128xf32, #tpu.memory_space<vmem>>)
      %mul3A_28 = arith.constant 4096 : i32
      %mul3A_29 = arith.muli %add3A, %mul3A_28 : i32
      %mul3A_30 = arith.constant 128 : i32
      %mul3A_31 = arith.muli %mul3A_14, %mul3A_30 : i32
      %add3A_32 = arith.addi %mul3A_29, %mul3A_31 : i32
      "tpu.region"() ({
        %run_scoped3A = tpu.sem_alloc : memref<!tpu.dma_semaphore, #tpu.memory_space<semaphore_mem>>
        %dma_start3A_50 = arith.constant 0 : i32
        %dma_start3A_51 = tpu.memref_slice %arg4[%add3A_32, %dma_start3A_50] : memref<131072x128xf32, #tpu.memory_space<hbm>> -> memref<128x128xf32, #tpu.memory_space<hbm>>
        %dma_start3A_52 = arith.constant 0 : i32
        %dma_start3A_53 = tpu.memref_slice %arg4[%add3A_32, %dma_start3A_52] : memref<131072x128xf32, #tpu.memory_space<hbm>> -> memref<128x128xf32, #tpu.memory_space<hbm>>
        tpu.enqueue_dma source(%arg6 : memref<128x128xf32, #tpu.memory_space<vmem>>) target(%dma_start3A_53 : memref<128x128xf32, #tpu.memory_space<hbm>>) target_semaphore(%run_scoped3A : memref<!tpu.dma_semaphore, #tpu.memory_space<semaphore_mem>>)
        %dma_wait3A_54 = arith.constant 0 : i32
        %dma_wait3A_55 = tpu.memref_slice %arg4[%add3A_32, %dma_wait3A_54] : memref<131072x128xf32, #tpu.memory_space<hbm>> -> memref<128x128xf32, #tpu.memory_space<hbm>>
        %dma_wait3A_56 = arith.constant 0 : i32
        %dma_wait3A_57 = tpu.memref_slice %arg4[%add3A_32, %dma_wait3A_56] : memref<131072x128xf32, #tpu.memory_space<hbm>> -> memref<128x128xf32, #tpu.memory_space<hbm>>
        tpu.wait_dma2 semaphore(%run_scoped3A : memref<!tpu.dma_semaphore, #tpu.memory_space<semaphore_mem>>) src(%arg6 : memref<128x128xf32, #tpu.memory_space<vmem>>) dst(%dma_wait3A_57 : memref<128x128xf32, #tpu.memory_space<hbm>>)
        tpu.yield
      }) : () -> ()
      %add3A_33 = arith.constant 2 : i32
      %add3A_34 = arith.addi %mul3A_14, %add3A_33 : i32
      %lt3A = arith.constant 32 : i32
      %lt3A_35 = arith.cmpi slt, %add3A_34, %lt3A : i32
      %convert_element_type3A = arith.extui %lt3A_35 : i1 to i32
      %cond3A = arith.constant 0 : i32
      %cond3A_36 = arith.cmpi ne, %convert_element_type3A, %cond3A : i32
      scf.if %cond3A_36 {
        %add3A_50 = arith.constant 2 : i32
        %add3A_51 = arith.addi %mul3A_14, %add3A_50 : i32
        %dma_start3A_52 = arith.constant 0 : i32
        %dma_start3A_53 = tpu.memref_slice %arg5[%add3A_51, %dma_start3A_52] : memref<32x128xi32, #tpu.memory_space<vmem>> -> memref<1x128xi32, #tpu.memory_space<vmem>>
        %dma_start3A_54 = tpu.memref_squeeze %dma_start3A_53 : memref<1x128xi32, #tpu.memory_space<vmem>> -> memref<128xi32, #tpu.memory_space<vmem>>
        %dma_start3A_55 = arith.constant 0 : i32
        %dma_start3A_56 = arith.constant 0 : i32
        %dma_start3A_57 = tpu.memref_slice %arg2[%dma_start3A_55, %dma_start3A_56] : memref<16384x128xf32, #tpu.memory_space<hbm>> -> memref<16384x128xf32, #tpu.memory_space<hbm>>
        tpu.enqueue_indirect_dma source(%dma_start3A_57 : memref<16384x128xf32, #tpu.memory_space<hbm>>) target(%arg6 : memref<128x128xf32, #tpu.memory_space<vmem>>) offsets(%dma_start3A_54 : memref<128xi32, #tpu.memory_space<vmem>>) semaphore(%arg8 : memref<!tpu.dma_semaphore, #tpu.memory_space<semaphore_mem>>)
      } else {
      }
      %add3A_37 = arith.constant 1 : i32
      %add3A_38 = arith.addi %mul3A_14, %add3A_37 : i32
      %dma_wait3A_39 = arith.constant 0 : i32
      %dma_wait3A_40 = tpu.memref_slice %arg5[%add3A_38, %dma_wait3A_39] : memref<32x128xi32, #tpu.memory_space<vmem>> -> memref<1x128xi32, #tpu.memory_space<vmem>>
      %dma_wait3A_41 = tpu.memref_squeeze %dma_wait3A_40 : memref<1x128xi32, #tpu.memory_space<vmem>> -> memref<128xi32, #tpu.memory_space<vmem>>
      %dma_wait3A_42 = arith.constant 0 : i32
      %dma_wait3A_43 = arith.constant 0 : i32
      %dma_wait3A_44 = tpu.memref_slice %arg2[%dma_wait3A_42, %dma_wait3A_43] : memref<16384x128xf32, #tpu.memory_space<hbm>> -> memref<16384x128xf32, #tpu.memory_space<hbm>>
      tpu.wait_indirect_dma semaphore(%arg9 : memref<!tpu.dma_semaphore, #tpu.memory_space<semaphore_mem>>) src(%dma_wait3A_44 : memref<16384x128xf32, #tpu.memory_space<hbm>>) dst(%arg7 : memref<128x128xf32, #tpu.memory_space<vmem>>)
      %mul3A_45 = arith.constant 4096 : i32
      %mul3A_46 = arith.muli %add3A, %mul3A_45 : i32
      %mul3A_47 = arith.constant 128 : i32
      %mul3A_48 = arith.muli %add3A_38, %mul3A_47 : i32
      %add3A_49 = arith.addi %mul3A_46, %mul3A_48 : i32
      "tpu.region"() ({
        %run_scoped3A = tpu.sem_alloc : memref<!tpu.dma_semaphore, #tpu.memory_space<semaphore_mem>>
        %dma_start3A_50 = arith.constant 0 : i32
        %dma_start3A_51 = tpu.memref_slice %arg4[%add3A_49, %dma_start3A_50] : memref<131072x128xf32, #tpu.memory_space<hbm>> -> memref<128x128xf32, #tpu.memory_space<hbm>>
        %dma_start3A_52 = arith.constant 0 : i32
        %dma_start3A_53 = tpu.memref_slice %arg4[%add3A_49, %dma_start3A_52] : memref<131072x128xf32, #tpu.memory_space<hbm>> -> memref<128x128xf32, #tpu.memory_space<hbm>>
        tpu.enqueue_dma source(%arg7 : memref<128x128xf32, #tpu.memory_space<vmem>>) target(%dma_start3A_53 : memref<128x128xf32, #tpu.memory_space<hbm>>) target_semaphore(%run_scoped3A : memref<!tpu.dma_semaphore, #tpu.memory_space<semaphore_mem>>)
        %dma_wait3A_54 = arith.constant 0 : i32
        %dma_wait3A_55 = tpu.memref_slice %arg4[%add3A_49, %dma_wait3A_54] : memref<131072x128xf32, #tpu.memory_space<hbm>> -> memref<128x128xf32, #tpu.memory_space<hbm>>
        %dma_wait3A_56 = arith.constant 0 : i32
        %dma_wait3A_57 = tpu.memref_slice %arg4[%add3A_49, %dma_wait3A_56] : memref<131072x128xf32, #tpu.memory_space<hbm>> -> memref<128x128xf32, #tpu.memory_space<hbm>>
        tpu.wait_dma2 semaphore(%run_scoped3A : memref<!tpu.dma_semaphore, #tpu.memory_space<semaphore_mem>>) src(%arg7 : memref<128x128xf32, #tpu.memory_space<vmem>>) dst(%dma_wait3A_57 : memref<128x128xf32, #tpu.memory_space<hbm>>)
        tpu.yield
      }) : () -> ()
    }
    %scan3A_11 = arith.constant 16 : i32
    return
  }
}

module attributes {stable_mosaic.version = 14 : i64} {
  func.func @body(%arg0: i32, %arg1: memref<2048x128xf32, #tpu.memory_space<vmem>>, %arg2: memref<16384x128xf32, #tpu.memory_space<vmem>>, %arg3: memref<4x64xf32, #tpu.memory_space<vmem>>, %arg4: memref<1x64xf32, #tpu.memory_space<vmem>>, %arg5: memref<2048x128xf32, #tpu.memory_space<vmem>>) attributes {dimension_semantics = [#tpu.dimension_semantics<arbitrary>], iteration_bounds = array<i64: 8>, scalar_prefetch = 0 : i64, scratch_operands = 0 : i64, tpu.core_type = #tpu.core_type<tc>, window_params = [{transform_indices = @transform_0, window_bounds = array<i64: 2048, 128>}, {transform_indices = @transform_1, window_bounds = array<i64: 16384, 128>}, {pipeline_mode = #tpu.pipeline_mode<synchronous>, transform_indices = @transform_2, window_bounds = array<i64: 4, 64>}, {pipeline_mode = #tpu.pipeline_mode<synchronous>, transform_indices = @transform_3, window_bounds = array<i64: 1, 64>}, {transform_indices = @transform_4, window_bounds = array<i64: 2048, 128>}]} {
    %get3A = arith.constant 0 : index
    %get3A_0 = arith.constant 0 : index
    %get3A_1 = vector.load %arg1[%get3A, %get3A_0] : memref<2048x128xf32, #tpu.memory_space<vmem>>, vector<2048x128xf32>
    %slice3A = vector.extract_strided_slice %get3A_1 {offsets = [0, 0], sizes = [2048, 2], strides = [1, 1]} : vector<2048x128xf32> to vector<2048x2xf32>
    %get3A_2 = arith.constant 0 : index
    %get3A_3 = arith.constant 0 : index
    %get3A_4 = vector.load %arg2[%get3A_2, %get3A_3] : memref<16384x128xf32, #tpu.memory_space<vmem>>, vector<16384x128xf32>
    %slice3A_5 = vector.extract_strided_slice %get3A_4 {offsets = [0, 0], sizes = [16384, 2], strides = [1, 1]} : vector<16384x128xf32> to vector<16384x2xf32>
    %broadcast_in_dim3A = vector.shape_cast %slice3A : vector<2048x2xf32> to vector<2048x1x2xf32>
    %broadcast_in_dim3A_6 = vector.shape_cast %broadcast_in_dim3A : vector<2048x1x2xf32> to vector<2048x1x2xf32>
    %broadcast_in_dim3A_7 = vector.broadcast %broadcast_in_dim3A_6 : vector<2048x1x2xf32> to vector<2048x8x2xf32>
    %reshape3A = vector.shape_cast %broadcast_in_dim3A_7 : vector<2048x8x2xf32> to vector<16384x2xf32>
    %sub3A = arith.subf %slice3A_5, %reshape3A : vector<16384x2xf32>
    %concatenate3A = tpu.concatenate %reshape3A, %sub3A in 1 : vector<16384x2xf32>, vector<16384x2xf32> -> vector<16384x4xf32>
    %get3A_8 = arith.constant 0 : index
    %get3A_9 = arith.constant 0 : index
    %get3A_10 = vector.load %arg3[%get3A_8, %get3A_9] : memref<4x64xf32, #tpu.memory_space<vmem>>, vector<4x64xf32>
    %dot_general3A = arith.constant dense<0.000000e+00> : vector<16384x64xf32>
    %dot_general3A_11 = tpu.matmul %concatenate3A, %get3A_10, %dot_general3A {dimension_numbers = #tpu.dot_dimension_numbers<[1], [0], [0], [1], [0, 0, 1, 1], [], []>, transpose_lhs_hint = false} : vector<16384x4xf32>, vector<4x64xf32>, vector<16384x64xf32> -> vector<16384x64xf32>
    %get3A_12 = arith.constant 0 : index
    %get3A_13 = arith.constant 0 : index
    %get3A_14 = vector.load %arg4[%get3A_12, %get3A_13] : memref<1x64xf32, #tpu.memory_space<vmem>>, vector<1x64xf32>
    %add3A = vector.broadcast %get3A_14 : vector<1x64xf32> to vector<16384x64xf32>
    %add3A_15 = arith.addf %dot_general3A_11, %add3A : vector<16384x64xf32>
    %max3A = arith.constant 0.000000e+00 : f32
    %max3A_16 = vector.broadcast %max3A : f32 to vector<16384x64xf32>
    %max3A_17 = arith.maximumf %add3A_15, %max3A_16 : vector<16384x64xf32>
    %reshape3A_18 = vector.shape_cast %max3A_17 : vector<16384x64xf32> to vector<2048x8x64xf32>
    %slice3A_19 = vector.extract_strided_slice %reshape3A_18 {offsets = [0, 0, 0], sizes = [2048, 1, 64], strides = [1, 1, 1]} : vector<2048x8x64xf32> to vector<2048x1x64xf32>
    %squeeze3A = vector.shape_cast %slice3A_19 : vector<2048x1x64xf32> to vector<2048x64xf32>
    %slice3A_20 = vector.extract_strided_slice %reshape3A_18 {offsets = [0, 1, 0], sizes = [2048, 1, 64], strides = [1, 1, 1]} : vector<2048x8x64xf32> to vector<2048x1x64xf32>
    %squeeze3A_21 = vector.shape_cast %slice3A_20 : vector<2048x1x64xf32> to vector<2048x64xf32>
    %max3A_22 = arith.maximumf %squeeze3A, %squeeze3A_21 : vector<2048x64xf32>
    %slice3A_23 = vector.extract_strided_slice %reshape3A_18 {offsets = [0, 2, 0], sizes = [2048, 1, 64], strides = [1, 1, 1]} : vector<2048x8x64xf32> to vector<2048x1x64xf32>
    %squeeze3A_24 = vector.shape_cast %slice3A_23 : vector<2048x1x64xf32> to vector<2048x64xf32>
    %max3A_25 = arith.maximumf %max3A_22, %squeeze3A_24 : vector<2048x64xf32>
    %slice3A_26 = vector.extract_strided_slice %reshape3A_18 {offsets = [0, 3, 0], sizes = [2048, 1, 64], strides = [1, 1, 1]} : vector<2048x8x64xf32> to vector<2048x1x64xf32>
    %squeeze3A_27 = vector.shape_cast %slice3A_26 : vector<2048x1x64xf32> to vector<2048x64xf32>
    %max3A_28 = arith.maximumf %max3A_25, %squeeze3A_27 : vector<2048x64xf32>
    %slice3A_29 = vector.extract_strided_slice %reshape3A_18 {offsets = [0, 4, 0], sizes = [2048, 1, 64], strides = [1, 1, 1]} : vector<2048x8x64xf32> to vector<2048x1x64xf32>
    %squeeze3A_30 = vector.shape_cast %slice3A_29 : vector<2048x1x64xf32> to vector<2048x64xf32>
    %max3A_31 = arith.maximumf %max3A_28, %squeeze3A_30 : vector<2048x64xf32>
    %slice3A_32 = vector.extract_strided_slice %reshape3A_18 {offsets = [0, 5, 0], sizes = [2048, 1, 64], strides = [1, 1, 1]} : vector<2048x8x64xf32> to vector<2048x1x64xf32>
    %squeeze3A_33 = vector.shape_cast %slice3A_32 : vector<2048x1x64xf32> to vector<2048x64xf32>
    %max3A_34 = arith.maximumf %max3A_31, %squeeze3A_33 : vector<2048x64xf32>
    %slice3A_35 = vector.extract_strided_slice %reshape3A_18 {offsets = [0, 6, 0], sizes = [2048, 1, 64], strides = [1, 1, 1]} : vector<2048x8x64xf32> to vector<2048x1x64xf32>
    %squeeze3A_36 = vector.shape_cast %slice3A_35 : vector<2048x1x64xf32> to vector<2048x64xf32>
    %max3A_37 = arith.maximumf %max3A_34, %squeeze3A_36 : vector<2048x64xf32>
    %slice3A_38 = vector.extract_strided_slice %reshape3A_18 {offsets = [0, 7, 0], sizes = [2048, 1, 64], strides = [1, 1, 1]} : vector<2048x8x64xf32> to vector<2048x1x64xf32>
    %squeeze3A_39 = vector.shape_cast %slice3A_38 : vector<2048x1x64xf32> to vector<2048x64xf32>
    %max3A_40 = arith.maximumf %max3A_37, %squeeze3A_39 : vector<2048x64xf32>
    %broadcast_in_dim3A_41 = arith.constant 0.000000e+00 : f32
    %broadcast_in_dim3A_42 = vector.broadcast %broadcast_in_dim3A_41 : f32 to vector<2048x64xf32>
    %concatenate3A_43 = tpu.concatenate %max3A_40, %broadcast_in_dim3A_42 in 1 : vector<2048x64xf32>, vector<2048x64xf32> -> vector<2048x128xf32>
    %swap3A = arith.constant 0 : index
    %swap3A_44 = arith.constant 0 : index
    %swap3A_45 = vector.load %arg5[%swap3A, %swap3A_44] : memref<2048x128xf32, #tpu.memory_space<vmem>>, vector<2048x128xf32>
    tpu.vector_store %arg5[%swap3A, %swap3A_44], %concatenate3A_43 {strides = array<i32>} : memref<2048x128xf32, #tpu.memory_space<vmem>>, vector<2048x128xf32>,
    return
  }
  func.func @transform_0(%arg0: i32) -> (i32, i32) {
    %c0_i32 = arith.constant 0 : i32
    %c0_i32_0 = arith.constant 0 : i32
    return %arg0, %c0_i32 : i32, i32
  }
  func.func @transform_1(%arg0: i32) -> (i32, i32) {
    %c0_i32 = arith.constant 0 : i32
    %c0_i32_0 = arith.constant 0 : i32
    return %arg0, %c0_i32 : i32, i32
  }
  func.func @transform_2(%arg0: i32) -> (i32, i32) {
    %c0_i32 = arith.constant 0 : i32
    %c0_i32_0 = arith.constant 0 : i32
    %c0_i32_1 = arith.constant 0 : i32
    return %c0_i32, %c0_i32_0 : i32, i32
  }
  func.func @transform_3(%arg0: i32) -> (i32, i32) {
    %c0_i32 = arith.constant 0 : i32
    %c0_i32_0 = arith.constant 0 : i32
    %c0_i32_1 = arith.constant 0 : i32
    return %c0_i32, %c0_i32_0 : i32, i32
  }
  func.func @transform_4(%arg0: i32) -> (i32, i32) {
    %c0_i32 = arith.constant 0 : i32
    %c0_i32_0 = arith.constant 0 : i32
    return %arg0, %c0_i32 : i32, i32
  }
}

module attributes {stable_mosaic.version = 14 : i64} {
  func.func @body(%arg0: i32, %arg1: memref<2048x128xf32, #tpu.memory_space<vmem>>, %arg2: memref<16384x128xf32, #tpu.memory_space<vmem>>, %arg3: memref<128x128xf32, #tpu.memory_space<vmem>>, %arg4: memref<1x128xf32, #tpu.memory_space<vmem>>, %arg5: memref<2048x128xf32, #tpu.memory_space<vmem>>) attributes {dimension_semantics = [#tpu.dimension_semantics<arbitrary>], iteration_bounds = array<i64: 8>, scalar_prefetch = 0 : i64, scratch_operands = 0 : i64, tpu.core_type = #tpu.core_type<tc>, window_params = [{transform_indices = @transform_0, window_bounds = array<i64: 2048, 128>}, {transform_indices = @transform_1, window_bounds = array<i64: 16384, 128>}, {pipeline_mode = #tpu.pipeline_mode<synchronous>, transform_indices = @transform_2, window_bounds = array<i64: 128, 128>}, {pipeline_mode = #tpu.pipeline_mode<synchronous>, transform_indices = @transform_3, window_bounds = array<i64: 1, 128>}, {transform_indices = @transform_4, window_bounds = array<i64: 2048, 128>}]} {
    %get3A = arith.constant 0 : index
    %get3A_0 = arith.constant 0 : index
    %get3A_1 = vector.load %arg1[%get3A, %get3A_0] : memref<2048x128xf32, #tpu.memory_space<vmem>>, vector<2048x128xf32>
    %slice3A = vector.extract_strided_slice %get3A_1 {offsets = [0, 0], sizes = [2048, 64], strides = [1, 1]} : vector<2048x128xf32> to vector<2048x64xf32>
    %get3A_2 = arith.constant 0 : index
    %get3A_3 = arith.constant 0 : index
    %get3A_4 = vector.load %arg2[%get3A_2, %get3A_3] : memref<16384x128xf32, #tpu.memory_space<vmem>>, vector<16384x128xf32>
    %slice3A_5 = vector.extract_strided_slice %get3A_4 {offsets = [0, 0], sizes = [16384, 64], strides = [1, 1]} : vector<16384x128xf32> to vector<16384x64xf32>
    %broadcast_in_dim3A = vector.shape_cast %slice3A : vector<2048x64xf32> to vector<2048x1x64xf32>
    %broadcast_in_dim3A_6 = vector.shape_cast %broadcast_in_dim3A : vector<2048x1x64xf32> to vector<2048x1x64xf32>
    %broadcast_in_dim3A_7 = vector.broadcast %broadcast_in_dim3A_6 : vector<2048x1x64xf32> to vector<2048x8x64xf32>
    %reshape3A = vector.shape_cast %broadcast_in_dim3A_7 : vector<2048x8x64xf32> to vector<16384x64xf32>
    %sub3A = arith.subf %slice3A_5, %reshape3A : vector<16384x64xf32>
    %concatenate3A = tpu.concatenate %reshape3A, %sub3A in 1 : vector<16384x64xf32>, vector<16384x64xf32> -> vector<16384x128xf32>
    %get3A_8 = arith.constant 0 : index
    %get3A_9 = arith.constant 0 : index
    %get3A_10 = vector.load %arg3[%get3A_8, %get3A_9] : memref<128x128xf32, #tpu.memory_space<vmem>>, vector<128x128xf32>
    %dot_general3A = arith.constant dense<0.000000e+00> : vector<16384x128xf32>
    %dot_general3A_11 = tpu.matmul %concatenate3A, %get3A_10, %dot_general3A {dimension_numbers = #tpu.dot_dimension_numbers<[1], [0], [0], [1], [0, 0, 1, 1], [], []>, transpose_lhs_hint = false} : vector<16384x128xf32>, vector<128x128xf32>, vector<16384x128xf32> -> vector<16384x128xf32>
    %get3A_12 = arith.constant 0 : index
    %get3A_13 = arith.constant 0 : index
    %get3A_14 = vector.load %arg4[%get3A_12, %get3A_13] : memref<1x128xf32, #tpu.memory_space<vmem>>, vector<1x128xf32>
    %add3A = vector.broadcast %get3A_14 : vector<1x128xf32> to vector<16384x128xf32>
    %add3A_15 = arith.addf %dot_general3A_11, %add3A : vector<16384x128xf32>
    %max3A = arith.constant 0.000000e+00 : f32
    %max3A_16 = vector.broadcast %max3A : f32 to vector<16384x128xf32>
    %max3A_17 = arith.maximumf %add3A_15, %max3A_16 : vector<16384x128xf32>
    %reshape3A_18 = vector.shape_cast %max3A_17 : vector<16384x128xf32> to vector<2048x8x128xf32>
    %slice3A_19 = vector.extract_strided_slice %reshape3A_18 {offsets = [0, 0, 0], sizes = [2048, 1, 128], strides = [1, 1, 1]} : vector<2048x8x128xf32> to vector<2048x1x128xf32>
    %squeeze3A = vector.shape_cast %slice3A_19 : vector<2048x1x128xf32> to vector<2048x128xf32>
    %slice3A_20 = vector.extract_strided_slice %reshape3A_18 {offsets = [0, 1, 0], sizes = [2048, 1, 128], strides = [1, 1, 1]} : vector<2048x8x128xf32> to vector<2048x1x128xf32>
    %squeeze3A_21 = vector.shape_cast %slice3A_20 : vector<2048x1x128xf32> to vector<2048x128xf32>
    %max3A_22 = arith.maximumf %squeeze3A, %squeeze3A_21 : vector<2048x128xf32>
    %slice3A_23 = vector.extract_strided_slice %reshape3A_18 {offsets = [0, 2, 0], sizes = [2048, 1, 128], strides = [1, 1, 1]} : vector<2048x8x128xf32> to vector<2048x1x128xf32>
    %squeeze3A_24 = vector.shape_cast %slice3A_23 : vector<2048x1x128xf32> to vector<2048x128xf32>
    %max3A_25 = arith.maximumf %max3A_22, %squeeze3A_24 : vector<2048x128xf32>
    %slice3A_26 = vector.extract_strided_slice %reshape3A_18 {offsets = [0, 3, 0], sizes = [2048, 1, 128], strides = [1, 1, 1]} : vector<2048x8x128xf32> to vector<2048x1x128xf32>
    %squeeze3A_27 = vector.shape_cast %slice3A_26 : vector<2048x1x128xf32> to vector<2048x128xf32>
    %max3A_28 = arith.maximumf %max3A_25, %squeeze3A_27 : vector<2048x128xf32>
    %slice3A_29 = vector.extract_strided_slice %reshape3A_18 {offsets = [0, 4, 0], sizes = [2048, 1, 128], strides = [1, 1, 1]} : vector<2048x8x128xf32> to vector<2048x1x128xf32>
    %squeeze3A_30 = vector.shape_cast %slice3A_29 : vector<2048x1x128xf32> to vector<2048x128xf32>
    %max3A_31 = arith.maximumf %max3A_28, %squeeze3A_30 : vector<2048x128xf32>
    %slice3A_32 = vector.extract_strided_slice %reshape3A_18 {offsets = [0, 5, 0], sizes = [2048, 1, 128], strides = [1, 1, 1]} : vector<2048x8x128xf32> to vector<2048x1x128xf32>
    %squeeze3A_33 = vector.shape_cast %slice3A_32 : vector<2048x1x128xf32> to vector<2048x128xf32>
    %max3A_34 = arith.maximumf %max3A_31, %squeeze3A_33 : vector<2048x128xf32>
    %slice3A_35 = vector.extract_strided_slice %reshape3A_18 {offsets = [0, 6, 0], sizes = [2048, 1, 128], strides = [1, 1, 1]} : vector<2048x8x128xf32> to vector<2048x1x128xf32>
    %squeeze3A_36 = vector.shape_cast %slice3A_35 : vector<2048x1x128xf32> to vector<2048x128xf32>
    %max3A_37 = arith.maximumf %max3A_34, %squeeze3A_36 : vector<2048x128xf32>
    %slice3A_38 = vector.extract_strided_slice %reshape3A_18 {offsets = [0, 7, 0], sizes = [2048, 1, 128], strides = [1, 1, 1]} : vector<2048x8x128xf32> to vector<2048x1x128xf32>
    %squeeze3A_39 = vector.shape_cast %slice3A_38 : vector<2048x1x128xf32> to vector<2048x128xf32>
    %max3A_40 = arith.maximumf %max3A_37, %squeeze3A_39 : vector<2048x128xf32>
    %swap3A = arith.constant 0 : index
    %swap3A_41 = arith.constant 0 : index
    %swap3A_42 = vector.load %arg5[%swap3A, %swap3A_41] : memref<2048x128xf32, #tpu.memory_space<vmem>>, vector<2048x128xf32>
    tpu.vector_store %arg5[%swap3A, %swap3A_41], %max3A_40 {strides = array<i32>} : memref<2048x128xf32, #tpu.memory_space<vmem>>, vector<2048x128xf32>,
    return
  }
  func.func @transform_0(%arg0: i32) -> (i32, i32) {
    %c0_i32 = arith.constant 0 : i32
    %c0_i32_0 = arith.constant 0 : i32
    return %arg0, %c0_i32 : i32, i32
  }
  func.func @transform_1(%arg0: i32) -> (i32, i32) {
    %c0_i32 = arith.constant 0 : i32
    %c0_i32_0 = arith.constant 0 : i32
    return %arg0, %c0_i32 : i32, i32
  }
  func.func @transform_2(%arg0: i32) -> (i32, i32) {
    %c0_i32 = arith.constant 0 : i32
    %c0_i32_0 = arith.constant 0 : i32
    %c0_i32_1 = arith.constant 0 : i32
    return %c0_i32, %c0_i32_0 : i32, i32
  }
  func.func @transform_3(%arg0: i32) -> (i32, i32) {
    %c0_i32 = arith.constant 0 : i32
    %c0_i32_0 = arith.constant 0 : i32
    %c0_i32_1 = arith.constant 0 : i32
    return %c0_i32, %c0_i32_0 : i32, i32
  }
  func.func @transform_4(%arg0: i32) -> (i32, i32) {
    %c0_i32 = arith.constant 0 : i32
    %c0_i32_0 = arith.constant 0 : i32
    return %arg0, %c0_i32 : i32, i32
  }
}

module attributes {stable_mosaic.version = 14 : i64} {
  func.func @body(%arg0: i32, %arg1: memref<2048x128xf32, #tpu.memory_space<vmem>>, %arg2: memref<16384x128xf32, #tpu.memory_space<vmem>>, %arg3: memref<256x128xf32, #tpu.memory_space<vmem>>, %arg4: memref<1x128xf32, #tpu.memory_space<vmem>>, %arg5: memref<2048x128xf32, #tpu.memory_space<vmem>>) attributes {dimension_semantics = [#tpu.dimension_semantics<arbitrary>], iteration_bounds = array<i64: 8>, scalar_prefetch = 0 : i64, scratch_operands = 0 : i64, tpu.core_type = #tpu.core_type<tc>, window_params = [{transform_indices = @transform_0, window_bounds = array<i64: 2048, 128>}, {transform_indices = @transform_1, window_bounds = array<i64: 16384, 128>}, {pipeline_mode = #tpu.pipeline_mode<synchronous>, transform_indices = @transform_2, window_bounds = array<i64: 256, 128>}, {pipeline_mode = #tpu.pipeline_mode<synchronous>, transform_indices = @transform_3, window_bounds = array<i64: 1, 128>}, {transform_indices = @transform_4, window_bounds = array<i64: 2048, 128>}]} {
    %get3A = arith.constant 0 : index
    %get3A_0 = arith.constant 0 : index
    %get3A_1 = vector.load %arg1[%get3A, %get3A_0] : memref<2048x128xf32, #tpu.memory_space<vmem>>, vector<2048x128xf32>
    %get3A_2 = arith.constant 0 : index
    %get3A_3 = arith.constant 0 : index
    %get3A_4 = vector.load %arg2[%get3A_2, %get3A_3] : memref<16384x128xf32, #tpu.memory_space<vmem>>, vector<16384x128xf32>
    %broadcast_in_dim3A = vector.shape_cast %get3A_1 : vector<2048x128xf32> to vector<2048x1x128xf32>
    %broadcast_in_dim3A_5 = vector.shape_cast %broadcast_in_dim3A : vector<2048x1x128xf32> to vector<2048x1x128xf32>
    %broadcast_in_dim3A_6 = vector.broadcast %broadcast_in_dim3A_5 : vector<2048x1x128xf32> to vector<2048x8x128xf32>
    %reshape3A = vector.shape_cast %broadcast_in_dim3A_6 : vector<2048x8x128xf32> to vector<16384x128xf32>
    %sub3A = arith.subf %get3A_4, %reshape3A : vector<16384x128xf32>
    %concatenate3A = tpu.concatenate %reshape3A, %sub3A in 1 : vector<16384x128xf32>, vector<16384x128xf32> -> vector<16384x256xf32>
    %get3A_7 = arith.constant 0 : index
    %get3A_8 = arith.constant 0 : index
    %get3A_9 = vector.load %arg3[%get3A_7, %get3A_8] : memref<256x128xf32, #tpu.memory_space<vmem>>, vector<256x128xf32>
    %dot_general3A = arith.constant dense<0.000000e+00> : vector<16384x128xf32>
    %dot_general3A_10 = tpu.matmul %concatenate3A, %get3A_9, %dot_general3A {dimension_numbers = #tpu.dot_dimension_numbers<[1], [0], [0], [1], [0, 0, 1, 1], [], []>, transpose_lhs_hint = false} : vector<16384x256xf32>, vector<256x128xf32>, vector<16384x128xf32> -> vector<16384x128xf32>
    %get3A_11 = arith.constant 0 : index
    %get3A_12 = arith.constant 0 : index
    %get3A_13 = vector.load %arg4[%get3A_11, %get3A_12] : memref<1x128xf32, #tpu.memory_space<vmem>>, vector<1x128xf32>
    %add3A = vector.broadcast %get3A_13 : vector<1x128xf32> to vector<16384x128xf32>
    %add3A_14 = arith.addf %dot_general3A_10, %add3A : vector<16384x128xf32>
    %max3A = arith.constant 0.000000e+00 : f32
    %max3A_15 = vector.broadcast %max3A : f32 to vector<16384x128xf32>
    %max3A_16 = arith.maximumf %add3A_14, %max3A_15 : vector<16384x128xf32>
    %reshape3A_17 = vector.shape_cast %max3A_16 : vector<16384x128xf32> to vector<2048x8x128xf32>
    %slice3A = vector.extract_strided_slice %reshape3A_17 {offsets = [0, 0, 0], sizes = [2048, 1, 128], strides = [1, 1, 1]} : vector<2048x8x128xf32> to vector<2048x1x128xf32>
    %squeeze3A = vector.shape_cast %slice3A : vector<2048x1x128xf32> to vector<2048x128xf32>
    %slice3A_18 = vector.extract_strided_slice %reshape3A_17 {offsets = [0, 1, 0], sizes = [2048, 1, 128], strides = [1, 1, 1]} : vector<2048x8x128xf32> to vector<2048x1x128xf32>
    %squeeze3A_19 = vector.shape_cast %slice3A_18 : vector<2048x1x128xf32> to vector<2048x128xf32>
    %max3A_20 = arith.maximumf %squeeze3A, %squeeze3A_19 : vector<2048x128xf32>
    %slice3A_21 = vector.extract_strided_slice %reshape3A_17 {offsets = [0, 2, 0], sizes = [2048, 1, 128], strides = [1, 1, 1]} : vector<2048x8x128xf32> to vector<2048x1x128xf32>
    %squeeze3A_22 = vector.shape_cast %slice3A_21 : vector<2048x1x128xf32> to vector<2048x128xf32>
    %max3A_23 = arith.maximumf %max3A_20, %squeeze3A_22 : vector<2048x128xf32>
    %slice3A_24 = vector.extract_strided_slice %reshape3A_17 {offsets = [0, 3, 0], sizes = [2048, 1, 128], strides = [1, 1, 1]} : vector<2048x8x128xf32> to vector<2048x1x128xf32>
    %squeeze3A_25 = vector.shape_cast %slice3A_24 : vector<2048x1x128xf32> to vector<2048x128xf32>
    %max3A_26 = arith.maximumf %max3A_23, %squeeze3A_25 : vector<2048x128xf32>
    %slice3A_27 = vector.extract_strided_slice %reshape3A_17 {offsets = [0, 4, 0], sizes = [2048, 1, 128], strides = [1, 1, 1]} : vector<2048x8x128xf32> to vector<2048x1x128xf32>
    %squeeze3A_28 = vector.shape_cast %slice3A_27 : vector<2048x1x128xf32> to vector<2048x128xf32>
    %max3A_29 = arith.maximumf %max3A_26, %squeeze3A_28 : vector<2048x128xf32>
    %slice3A_30 = vector.extract_strided_slice %reshape3A_17 {offsets = [0, 5, 0], sizes = [2048, 1, 128], strides = [1, 1, 1]} : vector<2048x8x128xf32> to vector<2048x1x128xf32>
    %squeeze3A_31 = vector.shape_cast %slice3A_30 : vector<2048x1x128xf32> to vector<2048x128xf32>
    %max3A_32 = arith.maximumf %max3A_29, %squeeze3A_31 : vector<2048x128xf32>
    %slice3A_33 = vector.extract_strided_slice %reshape3A_17 {offsets = [0, 6, 0], sizes = [2048, 1, 128], strides = [1, 1, 1]} : vector<2048x8x128xf32> to vector<2048x1x128xf32>
    %squeeze3A_34 = vector.shape_cast %slice3A_33 : vector<2048x1x128xf32> to vector<2048x128xf32>
    %max3A_35 = arith.maximumf %max3A_32, %squeeze3A_34 : vector<2048x128xf32>
    %slice3A_36 = vector.extract_strided_slice %reshape3A_17 {offsets = [0, 7, 0], sizes = [2048, 1, 128], strides = [1, 1, 1]} : vector<2048x8x128xf32> to vector<2048x1x128xf32>
    %squeeze3A_37 = vector.shape_cast %slice3A_36 : vector<2048x1x128xf32> to vector<2048x128xf32>
    %max3A_38 = arith.maximumf %max3A_35, %squeeze3A_37 : vector<2048x128xf32>
    %swap3A = arith.constant 0 : index
    %swap3A_39 = arith.constant 0 : index
    %swap3A_40 = vector.load %arg5[%swap3A, %swap3A_39] : memref<2048x128xf32, #tpu.memory_space<vmem>>, vector<2048x128xf32>
    tpu.vector_store %arg5[%swap3A, %swap3A_39], %max3A_38 {strides = array<i32>} : memref<2048x128xf32, #tpu.memory_space<vmem>>, vector<2048x128xf32>,
    return
  }
  func.func @transform_0(%arg0: i32) -> (i32, i32) {
    %c0_i32 = arith.constant 0 : i32
    %c0_i32_0 = arith.constant 0 : i32
    return %arg0, %c0_i32 : i32, i32
  }
  func.func @transform_1(%arg0: i32) -> (i32, i32) {
    %c0_i32 = arith.constant 0 : i32
    %c0_i32_0 = arith.constant 0 : i32
    return %arg0, %c0_i32 : i32, i32
  }
  func.func @transform_2(%arg0: i32) -> (i32, i32) {
    %c0_i32 = arith.constant 0 : i32
    %c0_i32_0 = arith.constant 0 : i32
    %c0_i32_1 = arith.constant 0 : i32
    return %c0_i32, %c0_i32_0 : i32, i32
  }
  func.func @transform_3(%arg0: i32) -> (i32, i32) {
    %c0_i32 = arith.constant 0 : i32
    %c0_i32_0 = arith.constant 0 : i32
    %c0_i32_1 = arith.constant 0 : i32
    return %c0_i32, %c0_i32_0 : i32, i32
  }
  func.func @transform_4(%arg0: i32) -> (i32, i32) {
    %c0_i32 = arith.constant 0 : i32
    %c0_i32_0 = arith.constant 0 : i32
    return %arg0, %c0_i32 : i32, i32
  }
}

module attributes {stable_mosaic.version = 14 : i64} {
  func.func @body(%arg0: i32, %arg1: memref<2048x128xf32, #tpu.memory_space<vmem>>, %arg2: memref<256x128xf32, #tpu.memory_space<vmem>>, %arg3: memref<1x128xf32, #tpu.memory_space<vmem>>, %arg4: memref<128x8xf32, #tpu.memory_space<vmem>>, %arg5: memref<2048x8xf32, #tpu.memory_space<vmem>>, %arg6: memref<2048x8xf32, #tpu.memory_space<vmem>>, %arg7: memref<2048x1xi32, #tpu.memory_space<vmem>>) attributes {dimension_semantics = [#tpu.dimension_semantics<arbitrary>], iteration_bounds = array<i64: 8>, scalar_prefetch = 0 : i64, scratch_operands = 0 : i64, tpu.core_type = #tpu.core_type<tc>, window_params = [{transform_indices = @transform_0, window_bounds = array<i64: 2048, 128>}, {pipeline_mode = #tpu.pipeline_mode<synchronous>, transform_indices = @transform_1, window_bounds = array<i64: 256, 128>}, {pipeline_mode = #tpu.pipeline_mode<synchronous>, transform_indices = @transform_2, window_bounds = array<i64: 1, 128>}, {pipeline_mode = #tpu.pipeline_mode<synchronous>, transform_indices = @transform_3, window_bounds = array<i64: 128, 8>}, {transform_indices = @transform_4, window_bounds = array<i64: 2048, 8>}, {transform_indices = @transform_5, window_bounds = array<i64: 2048, 8>}, {transform_indices = @transform_6, window_bounds = array<i64: 2048, 1>}]} {
    %get3A = arith.constant 0 : index
    %get3A_0 = arith.constant 0 : index
    %get3A_1 = vector.load %arg1[%get3A, %get3A_0] : memref<2048x128xf32, #tpu.memory_space<vmem>>, vector<2048x128xf32>
    %reduce_sum3A = arith.constant dense<0.000000e+00> : vector<128xf32>
    %reduce_sum3A_2 = vector.multi_reduction <add>, %get3A_1, %reduce_sum3A [0] : vector<2048x128xf32> to vector<128xf32>
    %broadcast_in_dim3A = vector.shape_cast %reduce_sum3A_2 : vector<128xf32> to vector<1x128xf32>
    %div3A = arith.constant 2.048000e+03 : f32
    %div3A_3 = vector.broadcast %div3A : f32 to vector<1x128xf32>
    %div3A_4 = arith.divf %broadcast_in_dim3A, %div3A_3 : vector<1x128xf32>
    %broadcast_in_dim3A_5 = vector.shape_cast %div3A_4 : vector<1x128xf32> to vector<1x128xf32>
    %broadcast_in_dim3A_6 = vector.broadcast %broadcast_in_dim3A_5 : vector<1x128xf32> to vector<2048x128xf32>
    %concatenate3A = tpu.concatenate %get3A_1, %broadcast_in_dim3A_6 in 1 : vector<2048x128xf32>, vector<2048x128xf32> -> vector<2048x256xf32>
    %get3A_7 = arith.constant 0 : index
    %get3A_8 = arith.constant 0 : index
    %get3A_9 = vector.load %arg2[%get3A_7, %get3A_8] : memref<256x128xf32, #tpu.memory_space<vmem>>, vector<256x128xf32>
    %dot_general3A = arith.constant dense<0.000000e+00> : vector<2048x128xf32>
    %dot_general3A_10 = tpu.matmul %concatenate3A, %get3A_9, %dot_general3A {dimension_numbers = #tpu.dot_dimension_numbers<[1], [0], [0], [1], [0, 0, 1, 1], [], []>, transpose_lhs_hint = false} : vector<2048x256xf32>, vector<256x128xf32>, vector<2048x128xf32> -> vector<2048x128xf32>
    %get3A_11 = arith.constant 0 : index
    %get3A_12 = arith.constant 0 : index
    %get3A_13 = vector.load %arg3[%get3A_11, %get3A_12] : memref<1x128xf32, #tpu.memory_space<vmem>>, vector<1x128xf32>
    %add3A = vector.broadcast %get3A_13 : vector<1x128xf32> to vector<2048x128xf32>
    %add3A_14 = arith.addf %dot_general3A_10, %add3A : vector<2048x128xf32>
    %max3A = arith.constant 0.000000e+00 : f32
    %max3A_15 = vector.broadcast %max3A : f32 to vector<2048x128xf32>
    %max3A_16 = arith.maximumf %add3A_14, %max3A_15 : vector<2048x128xf32>
    %get3A_17 = arith.constant 0 : index
    %get3A_18 = arith.constant 0 : index
    %get3A_19 = vector.load %arg4[%get3A_17, %get3A_18] : memref<128x8xf32, #tpu.memory_space<vmem>>, vector<128x8xf32>
    %dot_general3A_20 = arith.constant dense<0.000000e+00> : vector<2048x8xf32>
    %dot_general3A_21 = tpu.matmul %max3A_16, %get3A_19, %dot_general3A_20 {dimension_numbers = #tpu.dot_dimension_numbers<[1], [0], [0], [1], [0, 0, 1, 1], [], []>, transpose_lhs_hint = false} : vector<2048x128xf32>, vector<128x8xf32>, vector<2048x8xf32> -> vector<2048x8xf32>
    %div3A_22 = arith.constant 11.3137083 : f32
    %div3A_23 = vector.broadcast %div3A_22 : f32 to vector<2048x8xf32>
    %div3A_24 = arith.divf %dot_general3A_21, %div3A_23 : vector<2048x8xf32>
    %reduce_max3A = arith.constant dense<0xFF800000> : vector<2048xf32>
    %reduce_max3A_25 = vector.multi_reduction <maximumf>, %div3A_24, %reduce_max3A [1] : vector<2048x8xf32> to vector<2048xf32>
    %broadcast_in_dim3A_26 = vector.shape_cast %reduce_max3A_25 : vector<2048xf32> to vector<2048x1xf32>
    %sub3A = vector.broadcast %broadcast_in_dim3A_26 : vector<2048x1xf32> to vector<2048x8xf32>
    %sub3A_27 = arith.subf %div3A_24, %sub3A : vector<2048x8xf32>
    %exp3A = math.exp %sub3A_27 : vector<2048x8xf32>
    %reduce_sum3A_28 = arith.constant dense<0.000000e+00> : vector<2048xf32>
    %reduce_sum3A_29 = vector.multi_reduction <add>, %exp3A, %reduce_sum3A_28 [1] : vector<2048x8xf32> to vector<2048xf32>
    %broadcast_in_dim3A_30 = vector.shape_cast %reduce_sum3A_29 : vector<2048xf32> to vector<2048x1xf32>
    %div3A_31 = vector.broadcast %broadcast_in_dim3A_30 : vector<2048x1xf32> to vector<2048x8xf32>
    %div3A_32 = arith.divf %exp3A, %div3A_31 : vector<2048x8xf32>
    %swap3A = arith.constant 0 : index
    %swap3A_33 = arith.constant 0 : index
    %swap3A_34 = vector.load %arg6[%swap3A, %swap3A_33] : memref<2048x8xf32, #tpu.memory_space<vmem>>, vector<2048x8xf32>
    tpu.vector_store %arg6[%swap3A, %swap3A_33], %div3A_32 {strides = array<i32>} : memref<2048x8xf32, #tpu.memory_space<vmem>>, vector<2048x8xf32>,
    %add3A_35 = arith.constant 9.99999971E-10 : f32
    %add3A_36 = vector.broadcast %add3A_35 : f32 to vector<2048x8xf32>
    %add3A_37 = arith.addf %div3A_32, %add3A_36 : vector<2048x8xf32>
    %log3A = math.log %add3A_37 : vector<2048x8xf32>
    %get3A_38 = arith.constant 0 : index
    %get3A_39 = arith.constant 0 : index
    %get3A_40 = vector.load %arg5[%get3A_38, %get3A_39] : memref<2048x8xf32, #tpu.memory_space<vmem>>, vector<2048x8xf32>
    %add3A_41 = arith.addf %log3A, %get3A_40 : vector<2048x8xf32>
    %reduce_max3A_42 = arith.constant dense<0xFF800000> : vector<2048xf32>
    %reduce_max3A_43 = vector.multi_reduction <maximumf>, %add3A_41, %reduce_max3A_42 [1] : vector<2048x8xf32> to vector<2048xf32>
    %broadcast_in_dim3A_44 = vector.shape_cast %reduce_max3A_43 : vector<2048xf32> to vector<2048x1xf32>
    %iota3A = tpu.iota {dimensions = array<i32: 1>} : vector<2048x8xi32>
    %ge3A = vector.broadcast %broadcast_in_dim3A_44 : vector<2048x1xf32> to vector<2048x8xf32>
    %ge3A_45 = arith.cmpf oge, %add3A_41, %ge3A : vector<2048x8xf32>
    %jit3A = arith.constant 8 : i32
    %broadcast_in_dim3A_46 = vector.broadcast %jit3A : i32 to vector<2048x8xi32>
    %select_n3A = arith.select %ge3A_45, %iota3A, %broadcast_in_dim3A_46 : vector<2048x8xi1>, vector<2048x8xi32>
    %reduce_min3A = arith.constant dense<2147483647> : vector<2048xi32>
    %reduce_min3A_47 = vector.multi_reduction <minsi>, %select_n3A, %reduce_min3A [1] : vector<2048x8xi32> to vector<2048xi32>
    %broadcast_in_dim3A_48 = vector.shape_cast %reduce_min3A_47 : vector<2048xi32> to vector<2048x1xi32>
    %swap3A_49 = arith.constant 0 : index
    %swap3A_50 = arith.constant 0 : index
    %swap3A_51 = vector.load %arg7[%swap3A_49, %swap3A_50] : memref<2048x1xi32, #tpu.memory_space<vmem>>, vector<2048x1xi32>
    tpu.vector_store %arg7[%swap3A_49, %swap3A_50], %broadcast_in_dim3A_48 {strides = array<i32>} : memref<2048x1xi32, #tpu.memory_space<vmem>>, vector<2048x1xi32>,
    return
  }
  func.func @transform_0(%arg0: i32) -> (i32, i32) {
    %c0_i32 = arith.constant 0 : i32
    %c0_i32_0 = arith.constant 0 : i32
    return %arg0, %c0_i32 : i32, i32
  }
  func.func @transform_1(%arg0: i32) -> (i32, i32) {
    %c0_i32 = arith.constant 0 : i32
    %c0_i32_0 = arith.constant 0 : i32
    %c0_i32_1 = arith.constant 0 : i32
    return %c0_i32, %c0_i32_0 : i32, i32
  }
  func.func @transform_2(%arg0: i32) -> (i32, i32) {
    %c0_i32 = arith.constant 0 : i32
    %c0_i32_0 = arith.constant 0 : i32
    %c0_i32_1 = arith.constant 0 : i32
    return %c0_i32, %c0_i32_0 : i32, i32
  }
  func.func @transform_3(%arg0: i32) -> (i32, i32) {
    %c0_i32 = arith.constant 0 : i32
    %c0_i32_0 = arith.constant 0 : i32
    %c0_i32_1 = arith.constant 0 : i32
    return %c0_i32, %c0_i32_0 : i32, i32
  }
  func.func @transform_4(%arg0: i32) -> (i32, i32) {
    %c0_i32 = arith.constant 0 : i32
    %c0_i32_0 = arith.constant 0 : i32
    return %arg0, %c0_i32 : i32, i32
  }
  func.func @transform_5(%arg0: i32) -> (i32, i32) {
    %c0_i32 = arith.constant 0 : i32
    %c0_i32_0 = arith.constant 0 : i32
    return %arg0, %c0_i32 : i32, i32
  }
  func.func @transform_6(%arg0: i32) -> (i32, i32) {
    %c0_i32 = arith.constant 0 : i32
    %c0_i32_0 = arith.constant 0 : i32
    return %arg0, %c0_i32 : i32, i32
  }
}

</mosaic_0001>

<sc_bundles>
// kernel: kernel.20.cloned.1.call-start
scs
__scs_entry_jumppad:
0x0: {  	(pc) =	sbr.rel $0x88, $3  }
0x1: {  	(tag) =	ssettag $0x0;
	lr =	simm.s32 $0x1  }
0x2: {  	[smem:$0x3F94] =	sst lr;
	_ =	strace $0xD0000000  }
0x3: {  	_ = 	snop  }
0x4: {  	_ = 	snop  }
0x5: {  	_ = 	snop  }
0x6: {  	_ = 	snop  }
0x7: {  	_ = 	snop  }
__scs_overlays_trampoline_lowered:
0x8: {  	[smem:$0x3FA3] =	sst s0  }
0x9: {  	[smem:$0x3FA4] =	sst s1  }
0xa: {  	[smem:$0x3FA5] =	sst s2  }
0xb: {  	[smem:$0x3FA6] =	sst s3  }
0xc: {  	[smem:$0x3FA7] =	sst s4  }
0xd: {  	[smem:$0x3FA8] =	sst s5  }
0xe: {  	[smem:$0x3FA9] =	sst s6  }
0xf: {  	[smem:$0x3FAA] =	sst s7  }
0x10: {  	[smem:$0x3FAB] =	sst s8  }
0x11: {  	[smem:$0x3FAC] =	sst s9;
	s0 =	simm.s32 @!p0 $0x0  }
0x12: {  	s1 =	sld [smem:$0x3F92];
	s0 =	simm.s32 @p0 $0x1  }
0x13: {  	[smem:$0x3FAD] =	sst s0;
	s0 =	simm.s32 @!p1 $0x0  }
0x14: {  	s2 =	sld [smem:$0x3F91];
	s0 =	simm.s32 @p1 $0x1  }
0x15: {  	[smem:$0x3FAE] =	sst s0;
	s0 =	simm.s32 @!p2 $0x0  }
0x16: {  	s3 =	sld [smem:$0x3FDB];
	s0 =	simm.s32 @p2 $0x1  }
0x17: {  	s4 =	simm.s32 $0x1BF5;
	[smem:$0x3FB0] =	sst s0  }
0x18: {  	s0 =	sld [smem:$0x3F93];
	_ =	swait.ge [sflag:s4], $0x0  }
0x19: {  	s7 =	sld [smem:$0x3F94]  }
0x1a: {  	s8 =	sadd.s32 $0xFFFFE003, lr  }
0x1b: {  	s9 =	sadd.s32 $0xFFFFFEF7, lr;
	s5 =	simm.s32 $0xFFFFFFFF;
	p2 =	slt.u32 s8, $0xFFFFF086  }
0x1c: {  	p1 =	slt.u32 s9, $0xF7A;
	s5 =	simm.s32 @!p2 $0x0  }
0x1d: {  	s5 =	simm.s32 @p1 $0x1;
	p0 =	seq.s32 s7, s2  }
0x1e: {  	s7 =	smul.u32 @!p0 $0xF7A, s2;
	p2 =	seq.s32 @!p0 s5, $0x0  }
0x1f: {  	s9 =	smul.u32 $0xF7A, s1;
	s8 =	simm.s32 @!p0 $0x1BF5;
	p2 =	por !p2, p0  }
0x20: {  	[sflag:s8] =	ssyncset.s32 @!p0 $0xFFFFF086;
	s6 =	sadd.s32 @!p0 s3, s7;
	s7 =	simm.s32 @!p0 $0x108  }
0x21: {  	s3 =	sadd.s32 s3, s9;
	s6 =	sadd.s32 @!p0 $0x88, s6;
	s7 =	simm.s32 @p2 $0x1082  }
0x22: {  	[simem:s7], [sflag:s8] =	dma.local @!p0 [hbm:s6], $0xF7A  }
0x23: {  	s9 =	sor.u32 $0xD0000000, s2;
	s6 =	simm.s32 $0x108;
	_ =	swait.ge @!p0 [sflag:s8], $0x0  }
0x24: {  	s3 =	sadd.s32 $0x88, s3;
	s6 =	simm.s32 @!p1 $0x1082;
	[sflag:s4] =	ssyncset.s32 $0xFFFFF086  }
0x25: {  	[simem:s6], [sflag:s4] =	dma.local [hbm:s3], $0xF7A  }
0x26: {  	[smem:$0x3F94] =	sst s1;
	(tag) =	ssettag s2;
	_ =	strace s9  }
0x27: {  	s1 =	sld [smem:$0x3FA4]  }
0x28: {  	s2 =	sld [smem:$0x3FA5]  }
0x29: {  	s4 =	sld [smem:$0x3FA7]  }
0x2a: {  	p0 =	seq.s32 s5, $0x0;
	s5 =	sld [smem:$0x3FA8]  }
0x2b: {  	s6 =	sld [smem:$0x3FA9]  }
0x2c: {  	s7 =	sld [smem:$0x3FAA]  }
0x2d: {  	s3 =	simm.s32 $0x108;
	s8 =	sld [smem:$0x3FAB]  }
0x2e: {  	s3 =	simm.s32 @!p0 $0x1082;
	s9 =	sld [smem:$0x3FAC]  }
0x2f: {  	lr =	sadd.s32 s0, s3;
	s0 =	sld [smem:$0x3FA3]  }
0x30: {  	s3 =	sld [smem:$0x3FA6]  }
0x31: {  	[smem:$0x3FAF] =	sst s10  }
0x32: {  	s10 =	sld [smem:$0x3FAD];
	_ =	sdelay $0x3  }
0x33: {  	p0 =	seq.s32 s10, $0x1;
	s10 =	sld [smem:$0x3FAF];
	_ =	sdelay $0x3  }
0x34: {  	[smem:$0x3FAF] =	sst s10  }
0x35: {  	s10 =	sld [smem:$0x3FAE];
	_ =	sdelay $0x3  }
0x36: {  	p1 =	seq.s32 s10, $0x1;
	s10 =	sld [smem:$0x3FAF];
	_ =	sdelay $0x3  }
0x37: {  	[smem:$0x3FAF] =	sst s10  }
0x38: {  	s10 =	sld [smem:$0x3FB0]  }
0x39: {  	_ = 	snop;
	(pc) =	sbr.ind lr, $3  }
0x3a: {  	_ = 	snop  }
0x3b: {  	_ = 	snop  }
0x3c: {  	p2 =	seq.s32 s10, $0x1;
	s10 =	sld [smem:$0x3FAF]  }
0x3d: {  	_ =	shalt  }
0x3e: {  	_ =	shalt  }
0x3f: {  	_ =	shalt  }
0x40: {  	_ =	shalt  }
0x41: {  	_ =	shalt  }
0x42: {  	_ =	shalt  }
0x43: {  	_ =	shalt  }
0x44: {  	_ =	shalt  }
0x45: {  	_ =	shalt  }
0x46: {  	_ =	shalt  }
0x47: {  	_ =	shalt  }
0x48: {  	_ =	shalt  }
0x49: {  	_ =	shalt  }
0x4a: {  	_ =	shalt  }
0x4b: {  	_ =	shalt  }
0x4c: {  	_ =	shalt  }
0x4d: {  	_ =	shalt  }
0x4e: {  	_ =	shalt  }
0x4f: {  	_ =	shalt  }
0x50: {  	_ =	shalt  }
0x51: {  	_ =	shalt  }
0x52: {  	_ =	shalt  }
0x53: {  	_ =	shalt  }
0x54: {  	_ =	shalt  }
0x55: {  	_ =	shalt  }
0x56: {  	_ =	shalt  }
0x57: {  	_ =	shalt  }
0x58: {  	_ =	shalt  }
0x59: {  	_ =	shalt  }
0x5a: {  	_ =	shalt  }
0x5b: {  	_ =	shalt  }
0x5c: {  	_ =	shalt  }
0x5d: {  	_ =	shalt  }
0x5e: {  	_ =	shalt  }
0x5f: {  	_ =	shalt  }
0x60: {  	_ =	shalt  }
0x61: {  	_ =	shalt  }
0x62: {  	_ =	shalt  }
0x63: {  	_ =	shalt  }
0x64: {  	_ =	shalt  }
0x65: {  	_ =	shalt  }
0x66: {  	_ =	shalt  }
0x67: {  	_ =	shalt  }
0x68: {  	_ =	shalt  }
0x69: {  	_ =	shalt  }
0x6a: {  	_ =	shalt  }
0x6b: {  	_ =	shalt  }
0x6c: {  	_ =	shalt  }
0x6d: {  	_ =	shalt  }
0x6e: {  	_ =	shalt  }
0x6f: {  	_ =	shalt  }
0x70: {  	_ =	shalt  }
0x71: {  	_ =	shalt  }
0x72: {  	_ =	shalt  }
0x73: {  	_ =	shalt  }
0x74: {  	_ =	shalt  }
0x75: {  	_ =	shalt  }
0x76: {  	_ =	shalt  }
0x77: {  	_ =	shalt  }
0x78: {  	_ =	shalt  }
0x79: {  	_ =	shalt  }
0x7a: {  	_ =	shalt  }
0x7b: {  	_ =	shalt  }
0x7c: {  	_ =	shalt  }
0x7d: {  	_ =	shalt  }
0x7e: {  	_ =	shalt  }
0x7f: {  	_ =	shalt  }
0x80: {  	_ =	shalt  }
0x81: {  	_ =	shalt  }
0x82: {  	_ =	shalt  }
0x83: {  	_ =	shalt  }
0x84: {  	_ =	shalt  }
0x85: {  	_ =	shalt  }
0x86: {  	_ =	shalt  }
0x87: {  	_ =	shalt  }
.Lfunc_end0:
.L_simem_size_0:
called_computation_lowered:
.L_overlay_start_0:
0x88: {  	s2 =	sld [smem:$0x3FD9]  }
0x89: {  	s3 =	sld [smem:$0x3FFE];
	_ =	sdelay $0x1  }
0x8a: {  	s1 =	srdreg.scid  }
0x8b: {  	s0 =	sand.u32 $0x1, s1  }
0x8c: {  	s16 =	sshll.u32 s0, $0xA;
	s2 =	sadd.s32 s3, s2  }
0x8d: {  	s2 =	sadd.s32 s2, s16  }
0x8e: {  	[smem:$0x3FBB] =	sst s2  }
0x8f: {  	_ = 	snop  }
0x90: {  	(tm) =	ssettm $0x1  }
0x91: {  	s17 =	sld [smem:$0x3FFB];
	_ =	sdelay $0x3  }
0x92: {  	_ =	strace s17  }
0x93: {  	s2 =	sld [smem:$0x3FFC];
	_ =	sdelay $0x3  }
0x94: {  	_ =	strace s2  }
0x95: {  	s2 =	sld [smem:$0x3FFD];
	_ =	sdelay $0x3  }
0x96: {  	_ =	strace s2  }
0x97: {  	_ =	strace $0x8FFFFFFF  }
0x98: {  	s18 =	sld [smem:$0x3FDB];
	_ =	sdelay $0x1  }
0x99: {  	s19 =	simm.s32 $_scs_section_size  }
0x9a: {  	s4 =	simm.s32 $_size__tile_overlayer_lowered;
	s5 =	simm.s32 $_tile_overlayer_lowered  }
0x9b: {  	s22 =	simm.s32 $0x1BFF;
	s21 =	sshll.u32 s5, $0x1;
	s2 =	sadd.s32 s19, s18  }
0x9c: {  	s6 =	simm.s32 $0x0;
	s20 =	sshll.u32 s4, $0x1;
	s4 =	sadd.s32 s21, s2  }
0x9d: {  	[timem:s6], [sflag:s22] =	dma.local [hbm:s4], s20  }
0x9e: {  	_ =	swait.ge [sflag:s22], s20  }
0x9f: {  	s3 =	ssub.s32 $0x0, s20;
	[sflag:s22] =	ssyncset.done $0x0  }
0xa0: {  	[sflag:s22] =	ssyncadd.s32 s3;
	_ =	sdelay $0x1  }
0xa1: {  	s23 =	simm.s32 $0x1B8B  }
0xa2: {  	_ =	swait.ge [sflag:s23], $0x1  }
0xa3: {  	[sflag:s23] =	ssyncset.done $0x0  }
0xa4: {  	s25 =	simm.s32 $0x1B8E;
	s24 =	sld [smem:$0x3FFE];
	[sflag:s23] =	ssyncadd.s32 $0xFFFFFFFF  }
0xa5: {  	s26 =	simm.s32 $execute0_lowered;
	[smem:$0x3FD2] =	sst s25  }
0xa6: {  	s4 =	sshll.u32 s26, $0x1;
	_ =	strace $0x80000046;
	[dreg:$0x1] =	wrdreg $0xFFFFFFFF  }
0xa7: {  	s28 =	simm.s32 $_size_execute0_lowered;
	s2 =	sadd.s32 s2, s4;
	[dreg:$0x0] =	wrdreg $0x0  }
0xa8: {  	s4 =	sshll.u32 s28, $0x1;
	[dreg:$0x2] =	wrdreg s2  }
0xa9: {  	[dreg:$0x3] =	wrdreg s4  }
0xaa: {  	[dreg:$0x4] =	wrdreg $0xC0  }
0xab: {  	_ =	task [dreg:s6], $0x5FFFF  }
0xac: {  	[dreg:$0x1] =	wrdreg $0xFFFFFFFF  }
0xad: {  	[dreg:$0x0] =	wrdreg $0x60  }
0xae: {  	[dreg:$0x2] =	wrdreg s24  }
0xaf: {  	[dreg:$0x3] =	wrdreg $0x9  }
0xb0: {  	_ =	task.clear_ibuf [dreg:s6], $0x4FFFF;
	_ =	strace $0x90000046  }
0xb1: {  	s29 =	simm.s32 $0x9;
	_ =	strace $0x80000048  }
0xb2: {  	_ =	swait.ge [sflag:s29], $0x1  }
0xb3: {  	[sflag:s29] =	ssyncadd.s32 $0xFFFFFFFF  }
0xb4: {  	_ =	strace $0x90000048  }
0xb5: {  	_ =	sfence  }
0xb6: {  	s30 =	sld [smem:$0x0];
	_ =	sdelay $0x2  }
0xb7: {  	s31 =	sshll.u32 s1, $0xD;
	s1 =	sshrl.u32 s1, $0x2  }
0xb8: {  	s3 =	sand.u32 $0x4000, s31;
	s1 =	sadd.s32 s1, s30  }
0xb9: {  	s0 =	sor.u32 s3, s0;
	s1 =	sshll.u32 s1, $0x11  }
0xba: {  	s0 =	sor.u32 s1, s0  }
0xbb: {  	s0 =	sadd.s32 $0x8F2B, s0  }
0xbc: {  	[sflag:s0] =	ssyncadd.remote.s32 $0x1  }
0xbd: {  	_ =	sfence.sel $0xFFFF  }
0xbe: {  	[dreg:$0x0] =	wrdreg $0xFFFFFFFF;
	(pc) =	sbr.abs _section_cstart, $3  }
0xbf: {  	[dreg:$0x1] =	wrdreg $0xFFFFFFFF  }
0xc0: {  	_ =	task.clear_ibuf [dreg:s6], $0x2FFFF;
	_ =	strace $0x9FFFFFFF  }
0xc1: {  	(tm) =	ssettm $0x7FFFFFFF  }
tec
execute0_lowered:
.L_overlay_start_1:
0x0: {  	(tag) =	ssettag $0x1  }
0x1: {  	s4 =	rddreg [dreg:$0x0]  }
0x2: {  	s2 =	srdreg.scid;
	s0 =	rddreg [dreg:$0x1]  }
0x3: {  	s1 =	stileid.u32;
	s12 =	simm.s32 $0x5000;
	s13 =	simm.s32 $0x1  }
0x4: {  	s14 =	simm.s32 $0x2;
	s15 =	simm.s32 $0xF80;
	s16 =	simm.s32 $0x0  }
0x5: {  	s8 =	sand.u32 $0x1, s2;
	s2 =	simm.s32 $0x0;
	s3 =	sshll.u32 s1, $0xD  }
0x6: {  	s9 =	sadd.s32 $0x4E000, s4;
	s11 =	sshll.u32 s1, $0x11;
	s5 =	sshll.u32 s8, $0xC  }
0x7: {  	[smem:$0x7FF] =	sst s2;
	s7 =	ssub.s32 $0x2, s8;
	s8 =	sshll.u32 s8, $0x10  }
0x8: {  	s5 =	sor.u32 s5, s3;
	_ =	strace $0x80000047;
	s3 =	sadd.s32 $0xE000, s4  }
0x9: {  	s31 =	sshrl.u32 s7, $0x1;
	s6 =	sshrl.u32 s5, $0x3;
	s5 =	sshll.u32 s5, $0x4  }
0xa: {  	s7 =	ssub.s32 s7, s31;
	s6 =	sadd.s32 s6, s4;
	s10 =	sadd.s32 s9, s5  }
0xb: {  	s5 =	smax.u32 s7, $0x1;
	s9 =	sadd.s32 s11, s9;
	s11 =	simm.s32 $0x80  }
0xc: {  	s4 =	sadd.s32 $0xA000, s6;
	s6 =	sadd.s32 $0xF000, s10;
	s7 =	sadd.s32 $0xF800, s10  }
0xd: {  	s8 =	sadd.s32 s8, s9;
	s9 =	simm.s32 $0x3;
	s10 =	simm.s32 $0x1000  }
.LBB2_1:
0xe: {  	[tilespmem:s2], [sflag:$0x3] =	stream.linear.gather [hbm4b:s4+s2], $0x1000, $0x38;
	[tilespmem:$0x9000] =	vst v63  }
0xf: {  	_ =	swait.ge [sflag:s9], $0x1000  }
0x10: {  	[sflag:s9] =	ssyncset.done $0x0  }
0x11: {  	[sflag:s9] =	ssyncadd.s32 $0xFFFFF000  }
0x12: {  	[tilespmem:s10], [sflag:$0x1] =	stream.indirect.gather [hbm4b:s3+s11], $0x80, s2, s11, $0xb8;
	[tilespmem:$0x9000] =	vst v63  }
0x13: {  	_ = 	snop  }
0x14: {  	[tilespmem:s12], [sflag:$0x2] =	stream.indirect.gather [hbm4b:s3+s11], $0x80, s11, s11, $0xb8;
	[tilespmem:$0x9000] =	vst v63  }
0x15: {  	_ =	swait.ge [sflag:s13], $0x4000  }
0x16: {  	[sflag:s13] =	ssyncset.done $0x0  }
0x17: {  	s17 =	sadd.s32 $0x0, s8;
	[sflag:s13] =	ssyncadd.s32 $0xFFFFC000  }
0x18: {  	[hbm4b:s17+s2] =	stream.linear.scatter [tilespmem:s10], [sflag:$0x3], $0x4000, $0x38;
	[tilespmem:$0x9000] =	vst v63  }
0x19: {  	_ =	swait.ge [sflag:s9], $0x4000  }
0x1a: {  	[sflag:s9] =	ssyncset.done $0x0  }
0x1b: {  	s18 =	simm.s32 $0x100;
	[sflag:s9] =	ssyncadd.s32 $0xFFFFC000  }
0x1c: {  	[tilespmem:s10], [sflag:$0x1] =	stream.indirect.gather [hbm4b:s3+s11], $0x80, s18, s11, $0xb8;
	[tilespmem:$0x9000] =	vst v63  }
0x1d: {  	_ =	swait.ge [sflag:s14], $0x4000  }
0x1e: {  	[sflag:s14] =	ssyncset.done $0x0  }
0x1f: {  	s17 =	sadd.s32 $0x800, s17;
	[sflag:s14] =	ssyncadd.s32 $0xFFFFC000  }
0x20: {  	[hbm4b:s17+s2] =	stream.linear.scatter [tilespmem:s12], [sflag:$0x3], $0x4000, $0x38;
	[tilespmem:$0x9000] =	vst v63  }
0x21: {  	_ =	swait.ge [sflag:s9], $0x4000  }
0x22: {  	s18 =	simm.s32 $0x80;
	s17 =	simm.s32 $0x1000;
	[sflag:s9] =	ssyncset.done $0x0  }
.LBB2_2:
0x23: {  	p0 =	sne.s32 s17, $0xE000;
	[sflag:s9] =	ssyncadd.s32 $0xFFFFC000;
	s18 =	sadd.s32 $0x100, s18  }
0x24: {  	[tilespmem:s12], [sflag:$0x2] =	stream.indirect.gather [hbm4b:s3+s11], $0x80, s18, s11, $0xb8;
	[tilespmem:$0x9000] =	vst v63  }
0x25: {  	s19 =	smov.u32 s17;
	s17 =	sadd.s32 $0x1000, s17;
	_ =	swait.ge [sflag:s13], $0x4000  }
0x26: {  	[sflag:s13] =	ssyncset.done $0x0  }
0x27: {  	s19 =	sadd.s32 s19, s8;
	[sflag:s13] =	ssyncadd.s32 $0xFFFFC000  }
0x28: {  	[hbm4b:s19+s2] =	stream.linear.scatter [tilespmem:s10], [sflag:$0x3], $0x4000, $0x38;
	[tilespmem:$0x9000] =	vst v63  }
0x29: {  	_ =	swait.ge [sflag:s9], $0x4000  }
0x2a: {  	[sflag:s9] =	ssyncset.done $0x0  }
0x2b: {  	s20 =	sadd.s32 $0x80, s18;
	[sflag:s9] =	ssyncadd.s32 $0xFFFFC000  }
0x2c: {  	[tilespmem:s10], [sflag:$0x1] =	stream.indirect.gather [hbm4b:s3+s11], $0x80, s20, s11, $0xb8;
	[tilespmem:$0x9000] =	vst v63  }
0x2d: {  	_ =	swait.ge [sflag:s14], $0x4000  }
.Ltmp0:
0x2e: {  	[sflag:s14] =	ssyncset.done $0x0;
	(pc) =	sbr.rel @p0 .LBB2_2-.Ltmp0, $4  }
0x2f: {  	s19 =	sadd.s32 $0x800, s19;
	[sflag:s14] =	ssyncadd.s32 $0xFFFFC000  }
0x30: {  	[hbm4b:s19+s2] =	stream.linear.scatter [tilespmem:s12], [sflag:$0x3], $0x4000, $0x38;
	[tilespmem:$0x9000] =	vst v63  }
0x31: {  	_ =	swait.ge [sflag:s9], $0x4000  }
0x32: {  	[sflag:s9] =	ssyncset.done $0x0  }
0x33: {  	[sflag:s9] =	ssyncadd.s32 $0xFFFFC000  }
0x34: {  	[tilespmem:s12], [sflag:$0x2] =	stream.indirect.gather [hbm4b:s3+s11], $0x80, s15, s11, $0xb8;
	[tilespmem:$0x9000] =	vst v63  }
0x35: {  	_ =	swait.ge [sflag:s13], $0x4000  }
0x36: {  	[sflag:s13] =	ssyncset.done $0x0  }
0x37: {  	[sflag:s13] =	ssyncadd.s32 $0xFFFFC000  }
0x38: {  	[hbm4b:s6+s2] =	stream.linear.scatter [tilespmem:s10], [sflag:$0x3], $0x4000, $0x38;
	[tilespmem:$0x9000] =	vst v63  }
0x39: {  	_ =	swait.ge [sflag:s9], $0x4000  }
0x3a: {  	[sflag:s9] =	ssyncset.done $0x0  }
0x3b: {  	[sflag:s9] =	ssyncadd.s32 $0xFFFFC000  }
0x3c: {  	s16 =	sadd.s32 $0x1, s16;
	_ =	swait.ge [sflag:s14], $0x4000  }
0x3d: {  	p0 =	sne.s32 s16, s5;
	[sflag:s14] =	ssyncset.done $0x0  }
.Ltmp1:
0x3e: {  	[sflag:s14] =	ssyncadd.s32 $0xFFFFC000;
	(pc) =	sbr.rel @p0 .LBB2_1-.Ltmp1, $4  }
0x3f: {  	[hbm4b:s7+s2] =	stream.linear.scatter [tilespmem:s12], [sflag:$0x3], $0x4000, $0x38;
	[tilespmem:$0x9000] =	vst v63  }
0x40: {  	_ =	swait.ge [sflag:s9], $0x4000  }
0x41: {  	[sflag:s9] =	ssyncset.done $0x0  }
0x42: {  	[sflag:s9] =	ssyncadd.s32 $0xFFFFC000  }
0x43: {  	_ =	sfence.sel $0x180000  }
0x44: {  	[bflag:$0x0] =	sbarrier.arrive $0xFFFF  }
0x45: {  	p0 =	sne.s32 s1, $0x0;
	_ =	strace $0x90000047  }
0x46: {  	s0 =	sadd.s32 @!p0 $0x100000, s0;
	[bflag:$0x2] =	sbarrier.arrive $0xFFFF  }
0x47: {  	[sflag:s0] =	ssyncadd.tile.s32 @!p0 $0x1;
	_ =	shalt  }
.Lfunc_end2:
_tile_overlayer_lowered:
.L_overlay_start_2:
0x48: {  	(tag) =	ssettag $0x2  }
0x49: {  	s0 =	rddreg [dreg:$0x0];
	s2 =	stileid.u32  }
0x4a: {  	s1 =	rddreg [dreg:$0x1];
	p0 =	sne.s32 s2, $0x0  }
0x4b: {  	s3 =	rddreg [dreg:$0x2];
	[bflag:$0x3] =	sbarrier.arrive $0xFFFF;
	s2 =	simm.s32 @!p0 $0x1C03  }
0x4c: {  	[timem:s3], [sflag:s2] =	dma.local @!p0 [hbm:s0], s1  }
0x4d: {  	s0 =	simm.s32 @!p0 $0x3  }
0x4e: {  	_ =	swait.ge @!p0 [sflag:s0], s1  }
0x4f: {  	s1 =	ssub.s32 @!p0 $0x0, s1;
	[sflag:s0] =	ssyncset.done @!p0 $0x0  }
0x50: {  	[sflag:s0] =	ssyncadd.s32 @!p0 s1  }
0x51: {  	[bflag:$0x3] =	sbarrier.arrive $0xFFFF  }
0x52: {  	_ =	shalt  }

// kernel: kernel.23.cloned.1.call-start
scs
__scs_entry_jumppad:
0x0: {  	(pc) =	sbr.rel $0x88, $3  }
0x1: {  	(tag) =	ssettag $0x0;
	lr =	simm.s32 $0x1  }
0x2: {  	[smem:$0x3F94] =	sst lr;
	_ =	strace $0xD0000000  }
0x3: {  	_ = 	snop  }
0x4: {  	_ = 	snop  }
0x5: {  	_ = 	snop  }
0x6: {  	_ = 	snop  }
0x7: {  	_ = 	snop  }
__scs_overlays_trampoline_lowered:
0x8: {  	[smem:$0x3FA3] =	sst s0  }
0x9: {  	[smem:$0x3FA4] =	sst s1  }
0xa: {  	[smem:$0x3FA5] =	sst s2  }
0xb: {  	[smem:$0x3FA6] =	sst s3  }
0xc: {  	[smem:$0x3FA7] =	sst s4  }
0xd: {  	[smem:$0x3FA8] =	sst s5  }
0xe: {  	[smem:$0x3FA9] =	sst s6  }
0xf: {  	[smem:$0x3FAA] =	sst s7  }
0x10: {  	[smem:$0x3FAB] =	sst s8  }
0x11: {  	[smem:$0x3FAC] =	sst s9;
	s0 =	simm.s32 @!p0 $0x0  }
0x12: {  	s1 =	sld [smem:$0x3F92];
	s0 =	simm.s32 @p0 $0x1  }
0x13: {  	[smem:$0x3FAD] =	sst s0;
	s0 =	simm.s32 @!p1 $0x0  }
0x14: {  	s2 =	sld [smem:$0x3F91];
	s0 =	simm.s32 @p1 $0x1  }
0x15: {  	[smem:$0x3FAE] =	sst s0;
	s0 =	simm.s32 @!p2 $0x0  }
0x16: {  	s3 =	sld [smem:$0x3FDB];
	s0 =	simm.s32 @p2 $0x1  }
0x17: {  	s4 =	simm.s32 $0x1BF5;
	[smem:$0x3FB0] =	sst s0  }
0x18: {  	s0 =	sld [smem:$0x3F93];
	_ =	swait.ge [sflag:s4], $0x0  }
0x19: {  	s7 =	sld [smem:$0x3F94]  }
0x1a: {  	s8 =	sadd.s32 $0xFFFFE003, lr  }
0x1b: {  	s9 =	sadd.s32 $0xFFFFFEF7, lr;
	s5 =	simm.s32 $0xFFFFFFFF;
	p2 =	slt.u32 s8, $0xFFFFF086  }
0x1c: {  	p1 =	slt.u32 s9, $0xF7A;
	s5 =	simm.s32 @!p2 $0x0  }
0x1d: {  	s5 =	simm.s32 @p1 $0x1;
	p0 =	seq.s32 s7, s2  }
0x1e: {  	s7 =	smul.u32 @!p0 $0xF7A, s2;
	p2 =	seq.s32 @!p0 s5, $0x0  }
0x1f: {  	s9 =	smul.u32 $0xF7A, s1;
	s8 =	simm.s32 @!p0 $0x1BF5;
	p2 =	por !p2, p0  }
0x20: {  	[sflag:s8] =	ssyncset.s32 @!p0 $0xFFFFF086;
	s6 =	sadd.s32 @!p0 s3, s7;
	s7 =	simm.s32 @!p0 $0x108  }
0x21: {  	s3 =	sadd.s32 s3, s9;
	s6 =	sadd.s32 @!p0 $0x88, s6;
	s7 =	simm.s32 @p2 $0x1082  }
0x22: {  	[simem:s7], [sflag:s8] =	dma.local @!p0 [hbm:s6], $0xF7A  }
0x23: {  	s9 =	sor.u32 $0xD0000000, s2;
	s6 =	simm.s32 $0x108;
	_ =	swait.ge @!p0 [sflag:s8], $0x0  }
0x24: {  	s3 =	sadd.s32 $0x88, s3;
	s6 =	simm.s32 @!p1 $0x1082;
	[sflag:s4] =	ssyncset.s32 $0xFFFFF086  }
0x25: {  	[simem:s6], [sflag:s4] =	dma.local [hbm:s3], $0xF7A  }
0x26: {  	[smem:$0x3F94] =	sst s1;
	(tag) =	ssettag s2;
	_ =	strace s9  }
0x27: {  	s1 =	sld [smem:$0x3FA4]  }
0x28: {  	s2 =	sld [smem:$0x3FA5]  }
0x29: {  	s4 =	sld [smem:$0x3FA7]  }
0x2a: {  	p0 =	seq.s32 s5, $0x0;
	s5 =	sld [smem:$0x3FA8]  }
0x2b: {  	s6 =	sld [smem:$0x3FA9]  }
0x2c: {  	s7 =	sld [smem:$0x3FAA]  }
0x2d: {  	s3 =	simm.s32 $0x108;
	s8 =	sld [smem:$0x3FAB]  }
0x2e: {  	s3 =	simm.s32 @!p0 $0x1082;
	s9 =	sld [smem:$0x3FAC]  }
0x2f: {  	lr =	sadd.s32 s0, s3;
	s0 =	sld [smem:$0x3FA3]  }
0x30: {  	s3 =	sld [smem:$0x3FA6]  }
0x31: {  	[smem:$0x3FAF] =	sst s10  }
0x32: {  	s10 =	sld [smem:$0x3FAD];
	_ =	sdelay $0x3  }
0x33: {  	p0 =	seq.s32 s10, $0x1;
	s10 =	sld [smem:$0x3FAF];
	_ =	sdelay $0x3  }
0x34: {  	[smem:$0x3FAF] =	sst s10  }
0x35: {  	s10 =	sld [smem:$0x3FAE];
	_ =	sdelay $0x3  }
0x36: {  	p1 =	seq.s32 s10, $0x1;
	s10 =	sld [smem:$0x3FAF];
	_ =	sdelay $0x3  }
0x37: {  	[smem:$0x3FAF] =	sst s10  }
0x38: {  	s10 =	sld [smem:$0x3FB0]  }
0x39: {  	_ = 	snop;
	(pc) =	sbr.ind lr, $3  }
0x3a: {  	_ = 	snop  }
0x3b: {  	_ = 	snop  }
0x3c: {  	p2 =	seq.s32 s10, $0x1;
	s10 =	sld [smem:$0x3FAF]  }
0x3d: {  	_ =	shalt  }
0x3e: {  	_ =	shalt  }
0x3f: {  	_ =	shalt  }
0x40: {  	_ =	shalt  }
0x41: {  	_ =	shalt  }
0x42: {  	_ =	shalt  }
0x43: {  	_ =	shalt  }
0x44: {  	_ =	shalt  }
0x45: {  	_ =	shalt  }
0x46: {  	_ =	shalt  }
0x47: {  	_ =	shalt  }
0x48: {  	_ =	shalt  }
0x49: {  	_ =	shalt  }
0x4a: {  	_ =	shalt  }
0x4b: {  	_ =	shalt  }
0x4c: {  	_ =	shalt  }
0x4d: {  	_ =	shalt  }
0x4e: {  	_ =	shalt  }
0x4f: {  	_ =	shalt  }
0x50: {  	_ =	shalt  }
0x51: {  	_ =	shalt  }
0x52: {  	_ =	shalt  }
0x53: {  	_ =	shalt  }
0x54: {  	_ =	shalt  }
0x55: {  	_ =	shalt  }
0x56: {  	_ =	shalt  }
0x57: {  	_ =	shalt  }
0x58: {  	_ =	shalt  }
0x59: {  	_ =	shalt  }
0x5a: {  	_ =	shalt  }
0x5b: {  	_ =	shalt  }
0x5c: {  	_ =	shalt  }
0x5d: {  	_ =	shalt  }
0x5e: {  	_ =	shalt  }
0x5f: {  	_ =	shalt  }
0x60: {  	_ =	shalt  }
0x61: {  	_ =	shalt  }
0x62: {  	_ =	shalt  }
0x63: {  	_ =	shalt  }
0x64: {  	_ =	shalt  }
0x65: {  	_ =	shalt  }
0x66: {  	_ =	shalt  }
0x67: {  	_ =	shalt  }
0x68: {  	_ =	shalt  }
0x69: {  	_ =	shalt  }
0x6a: {  	_ =	shalt  }
0x6b: {  	_ =	shalt  }
0x6c: {  	_ =	shalt  }
0x6d: {  	_ =	shalt  }
0x6e: {  	_ =	shalt  }
0x6f: {  	_ =	shalt  }
0x70: {  	_ =	shalt  }
0x71: {  	_ =	shalt  }
0x72: {  	_ =	shalt  }
0x73: {  	_ =	shalt  }
0x74: {  	_ =	shalt  }
0x75: {  	_ =	shalt  }
0x76: {  	_ =	shalt  }
0x77: {  	_ =	shalt  }
0x78: {  	_ =	shalt  }
0x79: {  	_ =	shalt  }
0x7a: {  	_ =	shalt  }
0x7b: {  	_ =	shalt  }
0x7c: {  	_ =	shalt  }
0x7d: {  	_ =	shalt  }
0x7e: {  	_ =	shalt  }
0x7f: {  	_ =	shalt  }
0x80: {  	_ =	shalt  }
0x81: {  	_ =	shalt  }
0x82: {  	_ =	shalt  }
0x83: {  	_ =	shalt  }
0x84: {  	_ =	shalt  }
0x85: {  	_ =	shalt  }
0x86: {  	_ =	shalt  }
0x87: {  	_ =	shalt  }
.Lfunc_end0:
.L_simem_size_0:
called_computation.1_lowered:
.L_overlay_start_0:
0x88: {  	s2 =	sld [smem:$0x3FD9]  }
0x89: {  	s3 =	sld [smem:$0x3FFE];
	_ =	sdelay $0x1  }
0x8a: {  	s1 =	srdreg.scid  }
0x8b: {  	s0 =	sand.u32 $0x1, s1  }
0x8c: {  	s17 =	sshll.u32 s0, $0xA;
	s2 =	sadd.s32 s3, s2  }
0x8d: {  	s2 =	sadd.s32 s2, s17  }
0x8e: {  	[smem:$0x3FBB] =	sst s2  }
0x8f: {  	_ = 	snop  }
0x90: {  	(tm) =	ssettm $0x1  }
0x91: {  	s18 =	sld [smem:$0x3FFB];
	_ =	sdelay $0x3  }
0x92: {  	_ =	strace s18  }
0x93: {  	s2 =	sld [smem:$0x3FFC];
	_ =	sdelay $0x3  }
0x94: {  	_ =	strace s2  }
0x95: {  	s2 =	sld [smem:$0x3FFD];
	_ =	sdelay $0x3  }
0x96: {  	_ =	strace s2  }
0x97: {  	_ =	strace $0x8FFFFFFF  }
0x98: {  	s19 =	sld [smem:$0x3FDB];
	_ =	sdelay $0x1  }
0x99: {  	s20 =	simm.s32 $_scs_section_size  }
0x9a: {  	s4 =	simm.s32 $_size__tile_overlayer_lowered;
	s5 =	simm.s32 $_tile_overlayer_lowered  }
0x9b: {  	s6 =	simm.s32 $0x1BFF;
	s21 =	sshll.u32 s5, $0x1;
	s3 =	sadd.s32 s20, s19  }
0x9c: {  	s22 =	simm.s32 $0x0;
	s4 =	sshll.u32 s4, $0x1;
	s5 =	sadd.s32 s21, s3  }
0x9d: {  	[timem:s22], [sflag:s6] =	dma.local [hbm:s5], s4  }
0x9e: {  	_ =	swait.ge [sflag:s6], s4  }
0x9f: {  	s4 =	ssub.s32 $0x0, s4;
	[sflag:s6] =	ssyncset.done $0x0  }
0xa0: {  	[sflag:s6] =	ssyncadd.s32 s4;
	_ =	sdelay $0x1  }
0xa1: {  	s23 =	simm.s32 $0x1B8B  }
0xa2: {  	_ =	swait.ge [sflag:s23], $0x1  }
0xa3: {  	[sflag:s23] =	ssyncset.done $0x0  }
0xa4: {  	[sflag:s23] =	ssyncadd.s32 $0xFFFFFFFF  }
0xa5: {  	s4 =	sld [smem:$0x0]  }
0xa6: {  	s5 =	sand.u32 $0xFFFFFFFE, s1  }
0xa7: {  	p0 =	sne.s32 s1, s5  }
0xa8: {  	s5 =	sshll.u32 @p0 s5, $0xE  }
0xa9: {  	s5 =	sadd.s32 @p0 $0x11B8D, s5;
	s6 =	sshll.u32 @p0 s4, $0x11  }
0xaa: {  	s5 =	sor.u32 @p0 s6, s5  }
0xab: {  	[sflag:s5] =	ssyncadd.remote.s32 @p0 $0x1;
	_ =	sdelay $0x1  }
0xac: {  	s5 =	simm.s32 @p0 $0x1B8D  }
0xad: {  	_ =	swait.eq @p0 [sflag:s5], $0x1  }
0xae: {  	[sflag:s5] =	ssyncadd.s32 @p0 $0xFFFFFFFF  }
0xaf: {  	s6 =	sshll.u32 @!p0 s1, $0xE  }
0xb0: {  	s6 =	sor.u32 @!p0 $0x4000, s6;
	s5 =	simm.s32 @!p0 $0x1B8D  }
0xb1: {  	s4 =	sshll.u32 @!p0 s4, $0x11;
	s6 =	sadd.s32 @!p0 $0x11B8D, s6;
	_ =	swait.eq @!p0 [sflag:s5], $0x1  }
0xb2: {  	s4 =	sor.u32 @!p0 s4, s6;
	[sflag:s5] =	ssyncadd.s32 @!p0 $0xFFFFFFFF  }
0xb3: {  	s25 =	simm.s32 $0x1B8E;
	s24 =	sld [smem:$0x3FFE];
	[sflag:s4] =	ssyncadd.remote.s32 @!p0 $0x1  }
0xb4: {  	s26 =	simm.s32 $execute0_lowered;
	[smem:$0x3FD2] =	sst s25  }
0xb5: {  	s5 =	sshll.u32 s26, $0x1;
	_ =	strace $0x8000004C;
	[dreg:$0x1] =	wrdreg $0xFFFFFFFF  }
0xb6: {  	s28 =	simm.s32 $_size_execute0_lowered;
	s3 =	sadd.s32 s3, s5;
	[dreg:$0x0] =	wrdreg $0x0  }
0xb7: {  	s5 =	sshll.u32 s28, $0x1;
	[dreg:$0x2] =	wrdreg s3  }
0xb8: {  	[dreg:$0x3] =	wrdreg s5  }
0xb9: {  	[dreg:$0x4] =	wrdreg $0xC0  }
0xba: {  	_ =	task [dreg:s22], $0x5FFFF  }
0xbb: {  	[dreg:$0x1] =	wrdreg $0xFFFFFFFF  }
0xbc: {  	[dreg:$0x0] =	wrdreg $0x60  }
0xbd: {  	[dreg:$0x2] =	wrdreg s24  }
0xbe: {  	[dreg:$0x3] =	wrdreg $0x9  }
0xbf: {  	_ =	task.clear_ibuf [dreg:s22], $0x4FFFF;
	_ =	strace $0x9000004C  }
0xc0: {  	s29 =	simm.s32 $0x9;
	_ =	strace $0x8000004E  }
0xc1: {  	_ =	swait.ge [sflag:s29], $0x1  }
0xc2: {  	[sflag:s29] =	ssyncadd.s32 $0xFFFFFFFF  }
0xc3: {  	_ =	strace $0x9000004E  }
0xc4: {  	_ =	sfence  }
0xc5: {  	s30 =	sld [smem:$0x0];
	_ =	sdelay $0x2  }
0xc6: {  	s31 =	sshll.u32 s1, $0xD;
	s1 =	sshrl.u32 s1, $0x2  }
0xc7: {  	s4 =	sand.u32 $0x4000, s31;
	s1 =	sadd.s32 s1, s30  }
0xc8: {  	s0 =	sor.u32 s4, s0;
	s1 =	sshll.u32 s1, $0x11  }
0xc9: {  	s0 =	sor.u32 s1, s0  }
0xca: {  	s0 =	sadd.s32 $0x8F2B, s0  }
0xcb: {  	[sflag:s0] =	ssyncadd.remote.s32 $0x1  }
0xcc: {  	_ =	sfence.sel $0xFFFF  }
0xcd: {  	[dreg:$0x0] =	wrdreg $0xFFFFFFFF;
	(pc) =	sbr.abs _section_cstart, $3  }
0xce: {  	[dreg:$0x1] =	wrdreg $0xFFFFFFFF  }
0xcf: {  	_ =	task.clear_ibuf [dreg:s22], $0x2FFFF;
	_ =	strace $0x9FFFFFFF  }
0xd0: {  	(tm) =	ssettm $0x7FFFFFFF  }
0xd1: {  	_ =	shalt  }
tec
execute0_lowered:
.L_overlay_start_1:
0x0: {  	(tag) =	ssettag $0x1  }
0x1: {  	s4 =	rddreg [dreg:$0x0]  }
0x2: {  	s2 =	srdreg.scid;
	s0 =	rddreg [dreg:$0x1]  }
0x3: {  	s1 =	stileid.u32;
	s12 =	simm.s32 $0x5000;
	s13 =	simm.s32 $0x1  }
0x4: {  	s14 =	simm.s32 $0x2;
	s15 =	simm.s32 $0xF80;
	s16 =	simm.s32 $0x0  }
0x5: {  	s8 =	sand.u32 $0x1, s2;
	s2 =	simm.s32 $0x0;
	s3 =	sshll.u32 s1, $0xD  }
0x6: {  	s9 =	sadd.s32 $0x4E000, s4;
	s11 =	sshll.u32 s1, $0x11;
	s5 =	sshll.u32 s8, $0xC  }
0x7: {  	[smem:$0x7FF] =	sst s2;
	s7 =	ssub.s32 $0x2, s8;
	s8 =	sshll.u32 s8, $0x10  }
0x8: {  	s5 =	sor.u32 s5, s3;
	_ =	strace $0x8000004D;
	s3 =	sadd.s32 $0xE000, s4  }
0x9: {  	s31 =	sshrl.u32 s7, $0x1;
	s6 =	sshrl.u32 s5, $0x3;
	s5 =	sshll.u32 s5, $0x4  }
0xa: {  	s7 =	ssub.s32 s7, s31;
	s6 =	sadd.s32 s6, s4;
	s10 =	sadd.s32 s9, s5  }
0xb: {  	s5 =	smax.u32 s7, $0x1;
	s9 =	sadd.s32 s11, s9;
	s11 =	simm.s32 $0x80  }
0xc: {  	s4 =	sadd.s32 $0xA000, s6;
	s6 =	sadd.s32 $0xF000, s10;
	s7 =	sadd.s32 $0xF800, s10  }
0xd: {  	s8 =	sadd.s32 s8, s9;
	s9 =	simm.s32 $0x3;
	s10 =	simm.s32 $0x1000  }
.LBB2_1:
0xe: {  	[tilespmem:s2], [sflag:$0x3] =	stream.linear.gather [hbm4b:s4+s2], $0x1000, $0x38;
	[tilespmem:$0x9000] =	vst v63  }
0xf: {  	_ =	swait.ge [sflag:s9], $0x1000  }
0x10: {  	[sflag:s9] =	ssyncset.done $0x0  }
0x11: {  	[sflag:s9] =	ssyncadd.s32 $0xFFFFF000  }
0x12: {  	[tilespmem:s10], [sflag:$0x1] =	stream.indirect.gather [hbm4b:s3+s11], $0x80, s2, s11, $0xb8;
	[tilespmem:$0x9000] =	vst v63  }
0x13: {  	_ = 	snop  }
0x14: {  	[tilespmem:s12], [sflag:$0x2] =	stream.indirect.gather [hbm4b:s3+s11], $0x80, s11, s11, $0xb8;
	[tilespmem:$0x9000] =	vst v63  }
0x15: {  	_ =	swait.ge [sflag:s13], $0x4000  }
0x16: {  	[sflag:s13] =	ssyncset.done $0x0  }
0x17: {  	s17 =	sadd.s32 $0x0, s8;
	[sflag:s13] =	ssyncadd.s32 $0xFFFFC000  }
0x18: {  	[hbm4b:s17+s2] =	stream.linear.scatter [tilespmem:s10], [sflag:$0x3], $0x4000, $0x38;
	[tilespmem:$0x9000] =	vst v63  }
0x19: {  	_ =	swait.ge [sflag:s9], $0x4000  }
0x1a: {  	[sflag:s9] =	ssyncset.done $0x0  }
0x1b: {  	s18 =	simm.s32 $0x100;
	[sflag:s9] =	ssyncadd.s32 $0xFFFFC000  }
0x1c: {  	[tilespmem:s10], [sflag:$0x1] =	stream.indirect.gather [hbm4b:s3+s11], $0x80, s18, s11, $0xb8;
	[tilespmem:$0x9000] =	vst v63  }
0x1d: {  	_ =	swait.ge [sflag:s14], $0x4000  }
0x1e: {  	[sflag:s14] =	ssyncset.done $0x0  }
0x1f: {  	s17 =	sadd.s32 $0x800, s17;
	[sflag:s14] =	ssyncadd.s32 $0xFFFFC000  }
0x20: {  	[hbm4b:s17+s2] =	stream.linear.scatter [tilespmem:s12], [sflag:$0x3], $0x4000, $0x38;
	[tilespmem:$0x9000] =	vst v63  }
0x21: {  	_ =	swait.ge [sflag:s9], $0x4000  }
0x22: {  	s18 =	simm.s32 $0x80;
	s17 =	simm.s32 $0x1000;
	[sflag:s9] =	ssyncset.done $0x0  }
.LBB2_2:
0x23: {  	p0 =	sne.s32 s17, $0xE000;
	[sflag:s9] =	ssyncadd.s32 $0xFFFFC000;
	s18 =	sadd.s32 $0x100, s18  }
0x24: {  	[tilespmem:s12], [sflag:$0x2] =	stream.indirect.gather [hbm4b:s3+s11], $0x80, s18, s11, $0xb8;
	[tilespmem:$0x9000] =	vst v63  }
0x25: {  	s19 =	smov.u32 s17;
	s17 =	sadd.s32 $0x1000, s17;
	_ =	swait.ge [sflag:s13], $0x4000  }
0x26: {  	[sflag:s13] =	ssyncset.done $0x0  }
0x27: {  	s19 =	sadd.s32 s19, s8;
	[sflag:s13] =	ssyncadd.s32 $0xFFFFC000  }
0x28: {  	[hbm4b:s19+s2] =	stream.linear.scatter [tilespmem:s10], [sflag:$0x3], $0x4000, $0x38;
	[tilespmem:$0x9000] =	vst v63  }
0x29: {  	_ =	swait.ge [sflag:s9], $0x4000  }
0x2a: {  	[sflag:s9] =	ssyncset.done $0x0  }
0x2b: {  	s20 =	sadd.s32 $0x80, s18;
	[sflag:s9] =	ssyncadd.s32 $0xFFFFC000  }
0x2c: {  	[tilespmem:s10], [sflag:$0x1] =	stream.indirect.gather [hbm4b:s3+s11], $0x80, s20, s11, $0xb8;
	[tilespmem:$0x9000] =	vst v63  }
0x2d: {  	_ =	swait.ge [sflag:s14], $0x4000  }
.Ltmp0:
0x2e: {  	[sflag:s14] =	ssyncset.done $0x0;
	(pc) =	sbr.rel @p0 .LBB2_2-.Ltmp0, $4  }
0x2f: {  	s19 =	sadd.s32 $0x800, s19;
	[sflag:s14] =	ssyncadd.s32 $0xFFFFC000  }
0x30: {  	[hbm4b:s19+s2] =	stream.linear.scatter [tilespmem:s12], [sflag:$0x3], $0x4000, $0x38;
	[tilespmem:$0x9000] =	vst v63  }
0x31: {  	_ =	swait.ge [sflag:s9], $0x4000  }
0x32: {  	[sflag:s9] =	ssyncset.done $0x0  }
0x33: {  	[sflag:s9] =	ssyncadd.s32 $0xFFFFC000  }
0x34: {  	[tilespmem:s12], [sflag:$0x2] =	stream.indirect.gather [hbm4b:s3+s11], $0x80, s15, s11, $0xb8;
	[tilespmem:$0x9000] =	vst v63  }
0x35: {  	_ =	swait.ge [sflag:s13], $0x4000  }
0x36: {  	[sflag:s13] =	ssyncset.done $0x0  }
0x37: {  	[sflag:s13] =	ssyncadd.s32 $0xFFFFC000  }
0x38: {  	[hbm4b:s6+s2] =	stream.linear.scatter [tilespmem:s10], [sflag:$0x3], $0x4000, $0x38;
	[tilespmem:$0x9000] =	vst v63  }
0x39: {  	_ =	swait.ge [sflag:s9], $0x4000  }
0x3a: {  	[sflag:s9] =	ssyncset.done $0x0  }
0x3b: {  	[sflag:s9] =	ssyncadd.s32 $0xFFFFC000  }
0x3c: {  	s16 =	sadd.s32 $0x1, s16;
	_ =	swait.ge [sflag:s14], $0x4000  }
0x3d: {  	p0 =	sne.s32 s16, s5;
	[sflag:s14] =	ssyncset.done $0x0  }
.Ltmp1:
0x3e: {  	[sflag:s14] =	ssyncadd.s32 $0xFFFFC000;
	(pc) =	sbr.rel @p0 .LBB2_1-.Ltmp1, $4  }
0x3f: {  	[hbm4b:s7+s2] =	stream.linear.scatter [tilespmem:s12], [sflag:$0x3], $0x4000, $0x38;
	[tilespmem:$0x9000] =	vst v63  }
0x40: {  	_ =	swait.ge [sflag:s9], $0x4000  }
0x41: {  	[sflag:s9] =	ssyncset.done $0x0  }
0x42: {  	[sflag:s9] =	ssyncadd.s32 $0xFFFFC000  }
0x43: {  	_ =	sfence.sel $0x180000  }
0x44: {  	[bflag:$0x0] =	sbarrier.arrive $0xFFFF  }
0x45: {  	p0 =	sne.s32 s1, $0x0;
	_ =	strace $0x9000004D  }
0x46: {  	s0 =	sadd.s32 @!p0 $0x100000, s0;
	[bflag:$0x2] =	sbarrier.arrive $0xFFFF  }
0x47: {  	[sflag:s0] =	ssyncadd.tile.s32 @!p0 $0x1;
	_ =	shalt  }
.Lfunc_end2:
_tile_overlayer_lowered:
.L_overlay_start_2:
0x48: {  	(tag) =	ssettag $0x2  }
0x49: {  	s0 =	rddreg [dreg:$0x0];
	s2 =	stileid.u32  }
0x4a: {  	s1 =	rddreg [dreg:$0x1];
	p0 =	sne.s32 s2, $0x0  }
0x4b: {  	s3 =	rddreg [dreg:$0x2];
	[bflag:$0x3] =	sbarrier.arrive $0xFFFF;
	s2 =	simm.s32 @!p0 $0x1C03  }
0x4c: {  	[timem:s3], [sflag:s2] =	dma.local @!p0 [hbm:s0], s1  }
0x4d: {  	s0 =	simm.s32 @!p0 $0x3  }
0x4e: {  	_ =	swait.ge @!p0 [sflag:s0], s1  }
0x4f: {  	s1 =	ssub.s32 @!p0 $0x0, s1;
	[sflag:s0] =	ssyncset.done @!p0 $0x0  }
0x50: {  	[sflag:s0] =	ssyncadd.s32 @!p0 s1  }
0x51: {  	[bflag:$0x3] =	sbarrier.arrive $0xFFFF  }
0x52: {  	_ =	shalt  }

// kernel: kernel.26.cloned.1.call-start
scs
__scs_entry_jumppad:
0x0: {  	(pc) =	sbr.rel $0x88, $3  }
0x1: {  	(tag) =	ssettag $0x0;
	lr =	simm.s32 $0x1  }
0x2: {  	[smem:$0x3F94] =	sst lr;
	_ =	strace $0xD0000000  }
0x3: {  	_ = 	snop  }
0x4: {  	_ = 	snop  }
0x5: {  	_ = 	snop  }
0x6: {  	_ = 	snop  }
0x7: {  	_ = 	snop  }
__scs_overlays_trampoline_lowered:
0x8: {  	[smem:$0x3FA3] =	sst s0  }
0x9: {  	[smem:$0x3FA4] =	sst s1  }
0xa: {  	[smem:$0x3FA5] =	sst s2  }
0xb: {  	[smem:$0x3FA6] =	sst s3  }
0xc: {  	[smem:$0x3FA7] =	sst s4  }
0xd: {  	[smem:$0x3FA8] =	sst s5  }
0xe: {  	[smem:$0x3FA9] =	sst s6  }
0xf: {  	[smem:$0x3FAA] =	sst s7  }
0x10: {  	[smem:$0x3FAB] =	sst s8  }
0x11: {  	[smem:$0x3FAC] =	sst s9;
	s0 =	simm.s32 @!p0 $0x0  }
0x12: {  	s1 =	sld [smem:$0x3F92];
	s0 =	simm.s32 @p0 $0x1  }
0x13: {  	[smem:$0x3FAD] =	sst s0;
	s0 =	simm.s32 @!p1 $0x0  }
0x14: {  	s2 =	sld [smem:$0x3F91];
	s0 =	simm.s32 @p1 $0x1  }
0x15: {  	[smem:$0x3FAE] =	sst s0;
	s0 =	simm.s32 @!p2 $0x0  }
0x16: {  	s3 =	sld [smem:$0x3FDB];
	s0 =	simm.s32 @p2 $0x1  }
0x17: {  	s4 =	simm.s32 $0x1BF5;
	[smem:$0x3FB0] =	sst s0  }
0x18: {  	s0 =	sld [smem:$0x3F93];
	_ =	swait.ge [sflag:s4], $0x0  }
0x19: {  	s7 =	sld [smem:$0x3F94]  }
0x1a: {  	s8 =	sadd.s32 $0xFFFFE003, lr  }
0x1b: {  	s9 =	sadd.s32 $0xFFFFFEF7, lr;
	s5 =	simm.s32 $0xFFFFFFFF;
	p2 =	slt.u32 s8, $0xFFFFF086  }
0x1c: {  	p1 =	slt.u32 s9, $0xF7A;
	s5 =	simm.s32 @!p2 $0x0  }
0x1d: {  	s5 =	simm.s32 @p1 $0x1;
	p0 =	seq.s32 s7, s2  }
0x1e: {  	s7 =	smul.u32 @!p0 $0xF7A, s2;
	p2 =	seq.s32 @!p0 s5, $0x0  }
0x1f: {  	s9 =	smul.u32 $0xF7A, s1;
	s8 =	simm.s32 @!p0 $0x1BF5;
	p2 =	por !p2, p0  }
0x20: {  	[sflag:s8] =	ssyncset.s32 @!p0 $0xFFFFF086;
	s6 =	sadd.s32 @!p0 s3, s7;
	s7 =	simm.s32 @!p0 $0x108  }
0x21: {  	s3 =	sadd.s32 s3, s9;
	s6 =	sadd.s32 @!p0 $0x88, s6;
	s7 =	simm.s32 @p2 $0x1082  }
0x22: {  	[simem:s7], [sflag:s8] =	dma.local @!p0 [hbm:s6], $0xF7A  }
0x23: {  	s9 =	sor.u32 $0xD0000000, s2;
	s6 =	simm.s32 $0x108;
	_ =	swait.ge @!p0 [sflag:s8], $0x0  }
0x24: {  	s3 =	sadd.s32 $0x88, s3;
	s6 =	simm.s32 @!p1 $0x1082;
	[sflag:s4] =	ssyncset.s32 $0xFFFFF086  }
0x25: {  	[simem:s6], [sflag:s4] =	dma.local [hbm:s3], $0xF7A  }
0x26: {  	[smem:$0x3F94] =	sst s1;
	(tag) =	ssettag s2;
	_ =	strace s9  }
0x27: {  	s1 =	sld [smem:$0x3FA4]  }
0x28: {  	s2 =	sld [smem:$0x3FA5]  }
0x29: {  	s4 =	sld [smem:$0x3FA7]  }
0x2a: {  	p0 =	seq.s32 s5, $0x0;
	s5 =	sld [smem:$0x3FA8]  }
0x2b: {  	s6 =	sld [smem:$0x3FA9]  }
0x2c: {  	s7 =	sld [smem:$0x3FAA]  }
0x2d: {  	s3 =	simm.s32 $0x108;
	s8 =	sld [smem:$0x3FAB]  }
0x2e: {  	s3 =	simm.s32 @!p0 $0x1082;
	s9 =	sld [smem:$0x3FAC]  }
0x2f: {  	lr =	sadd.s32 s0, s3;
	s0 =	sld [smem:$0x3FA3]  }
0x30: {  	s3 =	sld [smem:$0x3FA6]  }
0x31: {  	[smem:$0x3FAF] =	sst s10  }
0x32: {  	s10 =	sld [smem:$0x3FAD];
	_ =	sdelay $0x3  }
0x33: {  	p0 =	seq.s32 s10, $0x1;
	s10 =	sld [smem:$0x3FAF];
	_ =	sdelay $0x3  }
0x34: {  	[smem:$0x3FAF] =	sst s10  }
0x35: {  	s10 =	sld [smem:$0x3FAE];
	_ =	sdelay $0x3  }
0x36: {  	p1 =	seq.s32 s10, $0x1;
	s10 =	sld [smem:$0x3FAF];
	_ =	sdelay $0x3  }
0x37: {  	[smem:$0x3FAF] =	sst s10  }
0x38: {  	s10 =	sld [smem:$0x3FB0]  }
0x39: {  	_ = 	snop;
	(pc) =	sbr.ind lr, $3  }
0x3a: {  	_ = 	snop  }
0x3b: {  	_ = 	snop  }
0x3c: {  	p2 =	seq.s32 s10, $0x1;
	s10 =	sld [smem:$0x3FAF]  }
0x3d: {  	_ =	shalt  }
0x3e: {  	_ =	shalt  }
0x3f: {  	_ =	shalt  }
0x40: {  	_ =	shalt  }
0x41: {  	_ =	shalt  }
0x42: {  	_ =	shalt  }
0x43: {  	_ =	shalt  }
0x44: {  	_ =	shalt  }
0x45: {  	_ =	shalt  }
0x46: {  	_ =	shalt  }
0x47: {  	_ =	shalt  }
0x48: {  	_ =	shalt  }
0x49: {  	_ =	shalt  }
0x4a: {  	_ =	shalt  }
0x4b: {  	_ =	shalt  }
0x4c: {  	_ =	shalt  }
0x4d: {  	_ =	shalt  }
0x4e: {  	_ =	shalt  }
0x4f: {  	_ =	shalt  }
0x50: {  	_ =	shalt  }
0x51: {  	_ =	shalt  }
0x52: {  	_ =	shalt  }
0x53: {  	_ =	shalt  }
0x54: {  	_ =	shalt  }
0x55: {  	_ =	shalt  }
0x56: {  	_ =	shalt  }
0x57: {  	_ =	shalt  }
0x58: {  	_ =	shalt  }
0x59: {  	_ =	shalt  }
0x5a: {  	_ =	shalt  }
0x5b: {  	_ =	shalt  }
0x5c: {  	_ =	shalt  }
0x5d: {  	_ =	shalt  }
0x5e: {  	_ =	shalt  }
0x5f: {  	_ =	shalt  }
0x60: {  	_ =	shalt  }
0x61: {  	_ =	shalt  }
0x62: {  	_ =	shalt  }
0x63: {  	_ =	shalt  }
0x64: {  	_ =	shalt  }
0x65: {  	_ =	shalt  }
0x66: {  	_ =	shalt  }
0x67: {  	_ =	shalt  }
0x68: {  	_ =	shalt  }
0x69: {  	_ =	shalt  }
0x6a: {  	_ =	shalt  }
0x6b: {  	_ =	shalt  }
0x6c: {  	_ =	shalt  }
0x6d: {  	_ =	shalt  }
0x6e: {  	_ =	shalt  }
0x6f: {  	_ =	shalt  }
0x70: {  	_ =	shalt  }
0x71: {  	_ =	shalt  }
0x72: {  	_ =	shalt  }
0x73: {  	_ =	shalt  }
0x74: {  	_ =	shalt  }
0x75: {  	_ =	shalt  }
0x76: {  	_ =	shalt  }
0x77: {  	_ =	shalt  }
0x78: {  	_ =	shalt  }
0x79: {  	_ =	shalt  }
0x7a: {  	_ =	shalt  }
0x7b: {  	_ =	shalt  }
0x7c: {  	_ =	shalt  }
0x7d: {  	_ =	shalt  }
0x7e: {  	_ =	shalt  }
0x7f: {  	_ =	shalt  }
0x80: {  	_ =	shalt  }
0x81: {  	_ =	shalt  }
0x82: {  	_ =	shalt  }
0x83: {  	_ =	shalt  }
0x84: {  	_ =	shalt  }
0x85: {  	_ =	shalt  }
0x86: {  	_ =	shalt  }
0x87: {  	_ =	shalt  }
.Lfunc_end0:
.L_simem_size_0:
called_computation.2_lowered:
.L_overlay_start_0:
0x88: {  	s2 =	sld [smem:$0x3FD9]  }
0x89: {  	s3 =	sld [smem:$0x3FFE];
	_ =	sdelay $0x1  }
0x8a: {  	s1 =	srdreg.scid  }
0x8b: {  	s0 =	sand.u32 $0x1, s1  }
0x8c: {  	s17 =	sshll.u32 s0, $0xA;
	s2 =	sadd.s32 s3, s2  }
0x8d: {  	s2 =	sadd.s32 s2, s17  }
0x8e: {  	[smem:$0x3FBB] =	sst s2  }
0x8f: {  	_ = 	snop  }
0x90: {  	(tm) =	ssettm $0x1  }
0x91: {  	s18 =	sld [smem:$0x3FFB];
	_ =	sdelay $0x3  }
0x92: {  	_ =	strace s18  }
0x93: {  	s2 =	sld [smem:$0x3FFC];
	_ =	sdelay $0x3  }
0x94: {  	_ =	strace s2  }
0x95: {  	s2 =	sld [smem:$0x3FFD];
	_ =	sdelay $0x3  }
0x96: {  	_ =	strace s2  }
0x97: {  	_ =	strace $0x8FFFFFFF  }
0x98: {  	s19 =	sld [smem:$0x3FDB];
	_ =	sdelay $0x1  }
0x99: {  	s20 =	simm.s32 $_scs_section_size  }
0x9a: {  	s4 =	simm.s32 $_size__tile_overlayer_lowered;
	s5 =	simm.s32 $_tile_overlayer_lowered  }
0x9b: {  	s6 =	simm.s32 $0x1BFF;
	s21 =	sshll.u32 s5, $0x1;
	s3 =	sadd.s32 s20, s19  }
0x9c: {  	s22 =	simm.s32 $0x0;
	s4 =	sshll.u32 s4, $0x1;
	s5 =	sadd.s32 s21, s3  }
0x9d: {  	[timem:s22], [sflag:s6] =	dma.local [hbm:s5], s4  }
0x9e: {  	_ =	swait.ge [sflag:s6], s4  }
0x9f: {  	s4 =	ssub.s32 $0x0, s4;
	[sflag:s6] =	ssyncset.done $0x0  }
0xa0: {  	[sflag:s6] =	ssyncadd.s32 s4;
	_ =	sdelay $0x1  }
0xa1: {  	s23 =	simm.s32 $0x1B8B  }
0xa2: {  	_ =	swait.ge [sflag:s23], $0x1  }
0xa3: {  	[sflag:s23] =	ssyncset.done $0x0  }
0xa4: {  	[sflag:s23] =	ssyncadd.s32 $0xFFFFFFFF  }
0xa5: {  	s4 =	sld [smem:$0x0]  }
0xa6: {  	s5 =	sand.u32 $0xFFFFFFFE, s1  }
0xa7: {  	p0 =	sne.s32 s1, s5  }
0xa8: {  	s5 =	sshll.u32 @p0 s5, $0xE  }
0xa9: {  	s5 =	sadd.s32 @p0 $0x11B8D, s5;
	s6 =	sshll.u32 @p0 s4, $0x11  }
0xaa: {  	s5 =	sor.u32 @p0 s6, s5  }
0xab: {  	[sflag:s5] =	ssyncadd.remote.s32 @p0 $0x1;
	_ =	sdelay $0x1  }
0xac: {  	s5 =	simm.s32 @p0 $0x1B8D  }
0xad: {  	_ =	swait.eq @p0 [sflag:s5], $0x1  }
0xae: {  	[sflag:s5] =	ssyncadd.s32 @p0 $0xFFFFFFFF  }
0xaf: {  	s6 =	sshll.u32 @!p0 s1, $0xE  }
0xb0: {  	s6 =	sor.u32 @!p0 $0x4000, s6;
	s5 =	simm.s32 @!p0 $0x1B8D  }
0xb1: {  	s4 =	sshll.u32 @!p0 s4, $0x11;
	s6 =	sadd.s32 @!p0 $0x11B8D, s6;
	_ =	swait.eq @!p0 [sflag:s5], $0x1  }
0xb2: {  	s4 =	sor.u32 @!p0 s4, s6;
	[sflag:s5] =	ssyncadd.s32 @!p0 $0xFFFFFFFF  }
0xb3: {  	s25 =	simm.s32 $0x1B8E;
	s24 =	sld [smem:$0x3FFE];
	[sflag:s4] =	ssyncadd.remote.s32 @!p0 $0x1  }
0xb4: {  	s26 =	simm.s32 $execute0_lowered;
	[smem:$0x3FD2] =	sst s25  }
0xb5: {  	s5 =	sshll.u32 s26, $0x1;
	_ =	strace $0x80000052;
	[dreg:$0x1] =	wrdreg $0xFFFFFFFF  }
0xb6: {  	s28 =	simm.s32 $_size_execute0_lowered;
	s3 =	sadd.s32 s3, s5;
	[dreg:$0x0] =	wrdreg $0x0  }
0xb7: {  	s5 =	sshll.u32 s28, $0x1;
	[dreg:$0x2] =	wrdreg s3  }
0xb8: {  	[dreg:$0x3] =	wrdreg s5  }
0xb9: {  	[dreg:$0x4] =	wrdreg $0xC0  }
0xba: {  	_ =	task [dreg:s22], $0x5FFFF  }
0xbb: {  	[dreg:$0x1] =	wrdreg $0xFFFFFFFF  }
0xbc: {  	[dreg:$0x0] =	wrdreg $0x60  }
0xbd: {  	[dreg:$0x2] =	wrdreg s24  }
0xbe: {  	[dreg:$0x3] =	wrdreg $0x9  }
0xbf: {  	_ =	task.clear_ibuf [dreg:s22], $0x4FFFF;
	_ =	strace $0x90000052  }
0xc0: {  	s29 =	simm.s32 $0x9;
	_ =	strace $0x80000054  }
0xc1: {  	_ =	swait.ge [sflag:s29], $0x1  }
0xc2: {  	[sflag:s29] =	ssyncadd.s32 $0xFFFFFFFF  }
0xc3: {  	_ =	strace $0x90000054  }
0xc4: {  	_ =	sfence  }
0xc5: {  	s30 =	sld [smem:$0x0];
	_ =	sdelay $0x2  }
0xc6: {  	s31 =	sshll.u32 s1, $0xD;
	s1 =	sshrl.u32 s1, $0x2  }
0xc7: {  	s4 =	sand.u32 $0x4000, s31;
	s1 =	sadd.s32 s1, s30  }
0xc8: {  	s0 =	sor.u32 s4, s0;
	s1 =	sshll.u32 s1, $0x11  }
0xc9: {  	s0 =	sor.u32 s1, s0  }
0xca: {  	s0 =	sadd.s32 $0x8F2B, s0  }
0xcb: {  	[sflag:s0] =	ssyncadd.remote.s32 $0x1  }
0xcc: {  	_ =	sfence.sel $0xFFFF  }
0xcd: {  	[dreg:$0x0] =	wrdreg $0xFFFFFFFF;
	(pc) =	sbr.abs _section_cstart, $3  }
0xce: {  	[dreg:$0x1] =	wrdreg $0xFFFFFFFF  }
0xcf: {  	_ =	task.clear_ibuf [dreg:s22], $0x2FFFF;
	_ =	strace $0x9FFFFFFF  }
0xd0: {  	(tm) =	ssettm $0x7FFFFFFF  }
0xd1: {  	_ =	shalt  }
tec
execute0_lowered:
.L_overlay_start_1:
0x0: {  	(tag) =	ssettag $0x1  }
0x1: {  	s4 =	rddreg [dreg:$0x0]  }
0x2: {  	s2 =	srdreg.scid;
	s0 =	rddreg [dreg:$0x1]  }
0x3: {  	s1 =	stileid.u32;
	s12 =	simm.s32 $0x5000;
	s13 =	simm.s32 $0x1  }
0x4: {  	s14 =	simm.s32 $0x2;
	s15 =	simm.s32 $0xF80;
	s16 =	simm.s32 $0x0  }
0x5: {  	s8 =	sand.u32 $0x1, s2;
	s2 =	simm.s32 $0x0;
	s3 =	sshll.u32 s1, $0xD  }
0x6: {  	s9 =	sadd.s32 $0x4E000, s4;
	s11 =	sshll.u32 s1, $0x11;
	s5 =	sshll.u32 s8, $0xC  }
0x7: {  	[smem:$0x7FF] =	sst s2;
	s7 =	ssub.s32 $0x2, s8;
	s8 =	sshll.u32 s8, $0x10  }
0x8: {  	s5 =	sor.u32 s5, s3;
	_ =	strace $0x80000053;
	s3 =	sadd.s32 $0xE000, s4  }
0x9: {  	s31 =	sshrl.u32 s7, $0x1;
	s6 =	sshrl.u32 s5, $0x3;
	s5 =	sshll.u32 s5, $0x4  }
0xa: {  	s7 =	ssub.s32 s7, s31;
	s6 =	sadd.s32 s6, s4;
	s10 =	sadd.s32 s9, s5  }
0xb: {  	s5 =	smax.u32 s7, $0x1;
	s9 =	sadd.s32 s11, s9;
	s11 =	simm.s32 $0x80  }
0xc: {  	s4 =	sadd.s32 $0xA000, s6;
	s6 =	sadd.s32 $0xF000, s10;
	s7 =	sadd.s32 $0xF800, s10  }
0xd: {  	s8 =	sadd.s32 s8, s9;
	s9 =	simm.s32 $0x3;
	s10 =	simm.s32 $0x1000  }
.LBB2_1:
0xe: {  	[tilespmem:s2], [sflag:$0x3] =	stream.linear.gather [hbm4b:s4+s2], $0x1000, $0x38;
	[tilespmem:$0x9000] =	vst v63  }
0xf: {  	_ =	swait.ge [sflag:s9], $0x1000  }
0x10: {  	[sflag:s9] =	ssyncset.done $0x0  }
0x11: {  	[sflag:s9] =	ssyncadd.s32 $0xFFFFF000  }
0x12: {  	[tilespmem:s10], [sflag:$0x1] =	stream.indirect.gather [hbm4b:s3+s11], $0x80, s2, s11, $0xb8;
	[tilespmem:$0x9000] =	vst v63  }
0x13: {  	_ = 	snop  }
0x14: {  	[tilespmem:s12], [sflag:$0x2] =	stream.indirect.gather [hbm4b:s3+s11], $0x80, s11, s11, $0xb8;
	[tilespmem:$0x9000] =	vst v63  }
0x15: {  	_ =	swait.ge [sflag:s13], $0x4000  }
0x16: {  	[sflag:s13] =	ssyncset.done $0x0  }
0x17: {  	s17 =	sadd.s32 $0x0, s8;
	[sflag:s13] =	ssyncadd.s32 $0xFFFFC000  }
0x18: {  	[hbm4b:s17+s2] =	stream.linear.scatter [tilespmem:s10], [sflag:$0x3], $0x4000, $0x38;
	[tilespmem:$0x9000] =	vst v63  }
0x19: {  	_ =	swait.ge [sflag:s9], $0x4000  }
0x1a: {  	[sflag:s9] =	ssyncset.done $0x0  }
0x1b: {  	s18 =	simm.s32 $0x100;
	[sflag:s9] =	ssyncadd.s32 $0xFFFFC000  }
0x1c: {  	[tilespmem:s10], [sflag:$0x1] =	stream.indirect.gather [hbm4b:s3+s11], $0x80, s18, s11, $0xb8;
	[tilespmem:$0x9000] =	vst v63  }
0x1d: {  	_ =	swait.ge [sflag:s14], $0x4000  }
0x1e: {  	[sflag:s14] =	ssyncset.done $0x0  }
0x1f: {  	s17 =	sadd.s32 $0x800, s17;
	[sflag:s14] =	ssyncadd.s32 $0xFFFFC000  }
0x20: {  	[hbm4b:s17+s2] =	stream.linear.scatter [tilespmem:s12], [sflag:$0x3], $0x4000, $0x38;
	[tilespmem:$0x9000] =	vst v63  }
0x21: {  	_ =	swait.ge [sflag:s9], $0x4000  }
0x22: {  	s18 =	simm.s32 $0x80;
	s17 =	simm.s32 $0x1000;
	[sflag:s9] =	ssyncset.done $0x0  }
.LBB2_2:
0x23: {  	p0 =	sne.s32 s17, $0xE000;
	[sflag:s9] =	ssyncadd.s32 $0xFFFFC000;
	s18 =	sadd.s32 $0x100, s18  }
0x24: {  	[tilespmem:s12], [sflag:$0x2] =	stream.indirect.gather [hbm4b:s3+s11], $0x80, s18, s11, $0xb8;
	[tilespmem:$0x9000] =	vst v63  }
0x25: {  	s19 =	smov.u32 s17;
	s17 =	sadd.s32 $0x1000, s17;
	_ =	swait.ge [sflag:s13], $0x4000  }
0x26: {  	[sflag:s13] =	ssyncset.done $0x0  }
0x27: {  	s19 =	sadd.s32 s19, s8;
	[sflag:s13] =	ssyncadd.s32 $0xFFFFC000  }
0x28: {  	[hbm4b:s19+s2] =	stream.linear.scatter [tilespmem:s10], [sflag:$0x3], $0x4000, $0x38;
	[tilespmem:$0x9000] =	vst v63  }
0x29: {  	_ =	swait.ge [sflag:s9], $0x4000  }
0x2a: {  	[sflag:s9] =	ssyncset.done $0x0  }
0x2b: {  	s20 =	sadd.s32 $0x80, s18;
	[sflag:s9] =	ssyncadd.s32 $0xFFFFC000  }
0x2c: {  	[tilespmem:s10], [sflag:$0x1] =	stream.indirect.gather [hbm4b:s3+s11], $0x80, s20, s11, $0xb8;
	[tilespmem:$0x9000] =	vst v63  }
0x2d: {  	_ =	swait.ge [sflag:s14], $0x4000  }
.Ltmp0:
0x2e: {  	[sflag:s14] =	ssyncset.done $0x0;
	(pc) =	sbr.rel @p0 .LBB2_2-.Ltmp0, $4  }
0x2f: {  	s19 =	sadd.s32 $0x800, s19;
	[sflag:s14] =	ssyncadd.s32 $0xFFFFC000  }
0x30: {  	[hbm4b:s19+s2] =	stream.linear.scatter [tilespmem:s12], [sflag:$0x3], $0x4000, $0x38;
	[tilespmem:$0x9000] =	vst v63  }
0x31: {  	_ =	swait.ge [sflag:s9], $0x4000  }
0x32: {  	[sflag:s9] =	ssyncset.done $0x0  }
0x33: {  	[sflag:s9] =	ssyncadd.s32 $0xFFFFC000  }
0x34: {  	[tilespmem:s12], [sflag:$0x2] =	stream.indirect.gather [hbm4b:s3+s11], $0x80, s15, s11, $0xb8;
	[tilespmem:$0x9000] =	vst v63  }
0x35: {  	_ =	swait.ge [sflag:s13], $0x4000  }
0x36: {  	[sflag:s13] =	ssyncset.done $0x0  }
0x37: {  	[sflag:s13] =	ssyncadd.s32 $0xFFFFC000  }
0x38: {  	[hbm4b:s6+s2] =	stream.linear.scatter [tilespmem:s10], [sflag:$0x3], $0x4000, $0x38;
	[tilespmem:$0x9000] =	vst v63  }
0x39: {  	_ =	swait.ge [sflag:s9], $0x4000  }
0x3a: {  	[sflag:s9] =	ssyncset.done $0x0  }
0x3b: {  	[sflag:s9] =	ssyncadd.s32 $0xFFFFC000  }
0x3c: {  	s16 =	sadd.s32 $0x1, s16;
	_ =	swait.ge [sflag:s14], $0x4000  }
0x3d: {  	p0 =	sne.s32 s16, s5;
	[sflag:s14] =	ssyncset.done $0x0  }
.Ltmp1:
0x3e: {  	[sflag:s14] =	ssyncadd.s32 $0xFFFFC000;
	(pc) =	sbr.rel @p0 .LBB2_1-.Ltmp1, $4  }
0x3f: {  	[hbm4b:s7+s2] =	stream.linear.scatter [tilespmem:s12], [sflag:$0x3], $0x4000, $0x38;
	[tilespmem:$0x9000] =	vst v63  }
0x40: {  	_ =	swait.ge [sflag:s9], $0x4000  }
0x41: {  	[sflag:s9] =	ssyncset.done $0x0  }
0x42: {  	[sflag:s9] =	ssyncadd.s32 $0xFFFFC000  }
0x43: {  	_ =	sfence.sel $0x180000  }
0x44: {  	[bflag:$0x0] =	sbarrier.arrive $0xFFFF  }
0x45: {  	p0 =	sne.s32 s1, $0x0;
	_ =	strace $0x90000053  }
0x46: {  	s0 =	sadd.s32 @!p0 $0x100000, s0;
	[bflag:$0x2] =	sbarrier.arrive $0xFFFF  }
0x47: {  	[sflag:s0] =	ssyncadd.tile.s32 @!p0 $0x1;
	_ =	shalt  }
.Lfunc_end2:
_tile_overlayer_lowered:
.L_overlay_start_2:
0x48: {  	(tag) =	ssettag $0x2  }
0x49: {  	s0 =	rddreg [dreg:$0x0];
	s2 =	stileid.u32  }
0x4a: {  	s1 =	rddreg [dreg:$0x1];
	p0 =	sne.s32 s2, $0x0  }
0x4b: {  	s3 =	rddreg [dreg:$0x2];
	[bflag:$0x3] =	sbarrier.arrive $0xFFFF;
	s2 =	simm.s32 @!p0 $0x1C03  }
0x4c: {  	[timem:s3], [sflag:s2] =	dma.local @!p0 [hbm:s0], s1  }
0x4d: {  	s0 =	simm.s32 @!p0 $0x3  }
0x4e: {  	_ =	swait.ge @!p0 [sflag:s0], s1  }
0x4f: {  	s1 =	ssub.s32 @!p0 $0x0, s1;
	[sflag:s0] =	ssyncset.done @!p0 $0x0  }
0x50: {  	[sflag:s0] =	ssyncadd.s32 @!p0 s1  }
0x51: {  	[bflag:$0x3] =	sbarrier.arrive $0xFFFF  }
0x52: {  	_ =	shalt  }

// kernel: kernel.29.cloned.1.call-start
scs
__scs_entry_jumppad:
0x0: {  	(pc) =	sbr.rel $0x88, $3  }
0x1: {  	(tag) =	ssettag $0x0;
	lr =	simm.s32 $0x1  }
0x2: {  	[smem:$0x3F94] =	sst lr;
	_ =	strace $0xD0000000  }
0x3: {  	_ = 	snop  }
0x4: {  	_ = 	snop  }
0x5: {  	_ = 	snop  }
0x6: {  	_ = 	snop  }
0x7: {  	_ = 	snop  }
__scs_overlays_trampoline_lowered:
0x8: {  	[smem:$0x3FA3] =	sst s0  }
0x9: {  	[smem:$0x3FA4] =	sst s1  }
0xa: {  	[smem:$0x3FA5] =	sst s2  }
0xb: {  	[smem:$0x3FA6] =	sst s3  }
0xc: {  	[smem:$0x3FA7] =	sst s4  }
0xd: {  	[smem:$0x3FA8] =	sst s5  }
0xe: {  	[smem:$0x3FA9] =	sst s6  }
0xf: {  	[smem:$0x3FAA] =	sst s7  }
0x10: {  	[smem:$0x3FAB] =	sst s8  }
0x11: {  	[smem:$0x3FAC] =	sst s9;
	s0 =	simm.s32 @!p0 $0x0  }
0x12: {  	s1 =	sld [smem:$0x3F92];
	s0 =	simm.s32 @p0 $0x1  }
0x13: {  	[smem:$0x3FAD] =	sst s0;
	s0 =	simm.s32 @!p1 $0x0  }
0x14: {  	s2 =	sld [smem:$0x3F91];
	s0 =	simm.s32 @p1 $0x1  }
0x15: {  	[smem:$0x3FAE] =	sst s0;
	s0 =	simm.s32 @!p2 $0x0  }
0x16: {  	s3 =	sld [smem:$0x3FDB];
	s0 =	simm.s32 @p2 $0x1  }
0x17: {  	s4 =	simm.s32 $0x1BF5;
	[smem:$0x3FB0] =	sst s0  }
0x18: {  	s0 =	sld [smem:$0x3F93];
	_ =	swait.ge [sflag:s4], $0x0  }
0x19: {  	s7 =	sld [smem:$0x3F94]  }
0x1a: {  	s8 =	sadd.s32 $0xFFFFE003, lr  }
0x1b: {  	s9 =	sadd.s32 $0xFFFFFEF7, lr;
	s5 =	simm.s32 $0xFFFFFFFF;
	p2 =	slt.u32 s8, $0xFFFFF086  }
0x1c: {  	p1 =	slt.u32 s9, $0xF7A;
	s5 =	simm.s32 @!p2 $0x0  }
0x1d: {  	s5 =	simm.s32 @p1 $0x1;
	p0 =	seq.s32 s7, s2  }
0x1e: {  	s7 =	smul.u32 @!p0 $0xF7A, s2;
	p2 =	seq.s32 @!p0 s5, $0x0  }
0x1f: {  	s9 =	smul.u32 $0xF7A, s1;
	s8 =	simm.s32 @!p0 $0x1BF5;
	p2 =	por !p2, p0  }
0x20: {  	[sflag:s8] =	ssyncset.s32 @!p0 $0xFFFFF086;
	s6 =	sadd.s32 @!p0 s3, s7;
	s7 =	simm.s32 @!p0 $0x108  }
0x21: {  	s3 =	sadd.s32 s3, s9;
	s6 =	sadd.s32 @!p0 $0x88, s6;
	s7 =	simm.s32 @p2 $0x1082  }
0x22: {  	[simem:s7], [sflag:s8] =	dma.local @!p0 [hbm:s6], $0xF7A  }
0x23: {  	s9 =	sor.u32 $0xD0000000, s2;
	s6 =	simm.s32 $0x108;
	_ =	swait.ge @!p0 [sflag:s8], $0x0  }
0x24: {  	s3 =	sadd.s32 $0x88, s3;
	s6 =	simm.s32 @!p1 $0x1082;
	[sflag:s4] =	ssyncset.s32 $0xFFFFF086  }
0x25: {  	[simem:s6], [sflag:s4] =	dma.local [hbm:s3], $0xF7A  }
0x26: {  	[smem:$0x3F94] =	sst s1;
	(tag) =	ssettag s2;
	_ =	strace s9  }
0x27: {  	s1 =	sld [smem:$0x3FA4]  }
0x28: {  	s2 =	sld [smem:$0x3FA5]  }
0x29: {  	s4 =	sld [smem:$0x3FA7]  }
0x2a: {  	p0 =	seq.s32 s5, $0x0;
	s5 =	sld [smem:$0x3FA8]  }
0x2b: {  	s6 =	sld [smem:$0x3FA9]  }
0x2c: {  	s7 =	sld [smem:$0x3FAA]  }
0x2d: {  	s3 =	simm.s32 $0x108;
	s8 =	sld [smem:$0x3FAB]  }
0x2e: {  	s3 =	simm.s32 @!p0 $0x1082;
	s9 =	sld [smem:$0x3FAC]  }
0x2f: {  	lr =	sadd.s32 s0, s3;
	s0 =	sld [smem:$0x3FA3]  }
0x30: {  	s3 =	sld [smem:$0x3FA6]  }
0x31: {  	[smem:$0x3FAF] =	sst s10  }
0x32: {  	s10 =	sld [smem:$0x3FAD];
	_ =	sdelay $0x3  }
0x33: {  	p0 =	seq.s32 s10, $0x1;
	s10 =	sld [smem:$0x3FAF];
	_ =	sdelay $0x3  }
0x34: {  	[smem:$0x3FAF] =	sst s10  }
0x35: {  	s10 =	sld [smem:$0x3FAE];
	_ =	sdelay $0x3  }
0x36: {  	p1 =	seq.s32 s10, $0x1;
	s10 =	sld [smem:$0x3FAF];
	_ =	sdelay $0x3  }
0x37: {  	[smem:$0x3FAF] =	sst s10  }
0x38: {  	s10 =	sld [smem:$0x3FB0]  }
0x39: {  	_ = 	snop;
	(pc) =	sbr.ind lr, $3  }
0x3a: {  	_ = 	snop  }
0x3b: {  	_ = 	snop  }
0x3c: {  	p2 =	seq.s32 s10, $0x1;
	s10 =	sld [smem:$0x3FAF]  }
0x3d: {  	_ =	shalt  }
0x3e: {  	_ =	shalt  }
0x3f: {  	_ =	shalt  }
0x40: {  	_ =	shalt  }
0x41: {  	_ =	shalt  }
0x42: {  	_ =	shalt  }
0x43: {  	_ =	shalt  }
0x44: {  	_ =	shalt  }
0x45: {  	_ =	shalt  }
0x46: {  	_ =	shalt  }
0x47: {  	_ =	shalt  }
0x48: {  	_ =	shalt  }
0x49: {  	_ =	shalt  }
0x4a: {  	_ =	shalt  }
0x4b: {  	_ =	shalt  }
0x4c: {  	_ =	shalt  }
0x4d: {  	_ =	shalt  }
0x4e: {  	_ =	shalt  }
0x4f: {  	_ =	shalt  }
0x50: {  	_ =	shalt  }
0x51: {  	_ =	shalt  }
0x52: {  	_ =	shalt  }
0x53: {  	_ =	shalt  }
0x54: {  	_ =	shalt  }
0x55: {  	_ =	shalt  }
0x56: {  	_ =	shalt  }
0x57: {  	_ =	shalt  }
0x58: {  	_ =	shalt  }
0x59: {  	_ =	shalt  }
0x5a: {  	_ =	shalt  }
0x5b: {  	_ =	shalt  }
0x5c: {  	_ =	shalt  }
0x5d: {  	_ =	shalt  }
0x5e: {  	_ =	shalt  }
0x5f: {  	_ =	shalt  }
0x60: {  	_ =	shalt  }
0x61: {  	_ =	shalt  }
0x62: {  	_ =	shalt  }
0x63: {  	_ =	shalt  }
0x64: {  	_ =	shalt  }
0x65: {  	_ =	shalt  }
0x66: {  	_ =	shalt  }
0x67: {  	_ =	shalt  }
0x68: {  	_ =	shalt  }
0x69: {  	_ =	shalt  }
0x6a: {  	_ =	shalt  }
0x6b: {  	_ =	shalt  }
0x6c: {  	_ =	shalt  }
0x6d: {  	_ =	shalt  }
0x6e: {  	_ =	shalt  }
0x6f: {  	_ =	shalt  }
0x70: {  	_ =	shalt  }
0x71: {  	_ =	shalt  }
0x72: {  	_ =	shalt  }
0x73: {  	_ =	shalt  }
0x74: {  	_ =	shalt  }
0x75: {  	_ =	shalt  }
0x76: {  	_ =	shalt  }
0x77: {  	_ =	shalt  }
0x78: {  	_ =	shalt  }
0x79: {  	_ =	shalt  }
0x7a: {  	_ =	shalt  }
0x7b: {  	_ =	shalt  }
0x7c: {  	_ =	shalt  }
0x7d: {  	_ =	shalt  }
0x7e: {  	_ =	shalt  }
0x7f: {  	_ =	shalt  }
0x80: {  	_ =	shalt  }
0x81: {  	_ =	shalt  }
0x82: {  	_ =	shalt  }
0x83: {  	_ =	shalt  }
0x84: {  	_ =	shalt  }
0x85: {  	_ =	shalt  }
0x86: {  	_ =	shalt  }
0x87: {  	_ =	shalt  }
.Lfunc_end0:
.L_simem_size_0:
called_computation.3_lowered:
.L_overlay_start_0:
0x88: {  	s2 =	sld [smem:$0x3FD9]  }
0x89: {  	s3 =	sld [smem:$0x3FFE];
	_ =	sdelay $0x1  }
0x8a: {  	s1 =	srdreg.scid  }
0x8b: {  	s0 =	sand.u32 $0x1, s1  }
0x8c: {  	s17 =	sshll.u32 s0, $0xA;
	s2 =	sadd.s32 s3, s2  }
0x8d: {  	s2 =	sadd.s32 s2, s17  }
0x8e: {  	[smem:$0x3FBB] =	sst s2  }
0x8f: {  	_ = 	snop  }
0x90: {  	(tm) =	ssettm $0x1  }
0x91: {  	s18 =	sld [smem:$0x3FFB];
	_ =	sdelay $0x3  }
0x92: {  	_ =	strace s18  }
0x93: {  	s2 =	sld [smem:$0x3FFC];
	_ =	sdelay $0x3  }
0x94: {  	_ =	strace s2  }
0x95: {  	s2 =	sld [smem:$0x3FFD];
	_ =	sdelay $0x3  }
0x96: {  	_ =	strace s2  }
0x97: {  	_ =	strace $0x8FFFFFFF  }
0x98: {  	s19 =	sld [smem:$0x3FDB];
	_ =	sdelay $0x1  }
0x99: {  	s20 =	simm.s32 $_scs_section_size  }
0x9a: {  	s4 =	simm.s32 $_size__tile_overlayer_lowered;
	s5 =	simm.s32 $_tile_overlayer_lowered  }
0x9b: {  	s6 =	simm.s32 $0x1BFF;
	s21 =	sshll.u32 s5, $0x1;
	s3 =	sadd.s32 s20, s19  }
0x9c: {  	s22 =	simm.s32 $0x0;
	s4 =	sshll.u32 s4, $0x1;
	s5 =	sadd.s32 s21, s3  }
0x9d: {  	[timem:s22], [sflag:s6] =	dma.local [hbm:s5], s4  }
0x9e: {  	_ =	swait.ge [sflag:s6], s4  }
0x9f: {  	s4 =	ssub.s32 $0x0, s4;
	[sflag:s6] =	ssyncset.done $0x0  }
0xa0: {  	[sflag:s6] =	ssyncadd.s32 s4;
	_ =	sdelay $0x1  }
0xa1: {  	s23 =	simm.s32 $0x1B8B  }
0xa2: {  	_ =	swait.ge [sflag:s23], $0x1  }
0xa3: {  	[sflag:s23] =	ssyncset.done $0x0  }
0xa4: {  	[sflag:s23] =	ssyncadd.s32 $0xFFFFFFFF  }
0xa5: {  	s4 =	sld [smem:$0x0]  }
0xa6: {  	s5 =	sand.u32 $0xFFFFFFFE, s1  }
0xa7: {  	p0 =	sne.s32 s1, s5  }
0xa8: {  	s5 =	sshll.u32 @p0 s5, $0xE  }
0xa9: {  	s5 =	sadd.s32 @p0 $0x11B8D, s5;
	s6 =	sshll.u32 @p0 s4, $0x11  }
0xaa: {  	s5 =	sor.u32 @p0 s6, s5  }
0xab: {  	[sflag:s5] =	ssyncadd.remote.s32 @p0 $0x1;
	_ =	sdelay $0x1  }
0xac: {  	s5 =	simm.s32 @p0 $0x1B8D  }
0xad: {  	_ =	swait.eq @p0 [sflag:s5], $0x1  }
0xae: {  	[sflag:s5] =	ssyncadd.s32 @p0 $0xFFFFFFFF  }
0xaf: {  	s6 =	sshll.u32 @!p0 s1, $0xE  }
0xb0: {  	s6 =	sor.u32 @!p0 $0x4000, s6;
	s5 =	simm.s32 @!p0 $0x1B8D  }
0xb1: {  	s4 =	sshll.u32 @!p0 s4, $0x11;
	s6 =	sadd.s32 @!p0 $0x11B8D, s6;
	_ =	swait.eq @!p0 [sflag:s5], $0x1  }
0xb2: {  	s4 =	sor.u32 @!p0 s4, s6;
	[sflag:s5] =	ssyncadd.s32 @!p0 $0xFFFFFFFF  }
0xb3: {  	s25 =	simm.s32 $0x1B8E;
	s24 =	sld [smem:$0x3FFE];
	[sflag:s4] =	ssyncadd.remote.s32 @!p0 $0x1  }
0xb4: {  	s26 =	simm.s32 $execute0_lowered;
	[smem:$0x3FD2] =	sst s25  }
0xb5: {  	s5 =	sshll.u32 s26, $0x1;
	_ =	strace $0x80000058;
	[dreg:$0x1] =	wrdreg $0xFFFFFFFF  }
0xb6: {  	s28 =	simm.s32 $_size_execute0_lowered;
	s3 =	sadd.s32 s3, s5;
	[dreg:$0x0] =	wrdreg $0x0  }
0xb7: {  	s5 =	sshll.u32 s28, $0x1;
	[dreg:$0x2] =	wrdreg s3  }
0xb8: {  	[dreg:$0x3] =	wrdreg s5  }
0xb9: {  	[dreg:$0x4] =	wrdreg $0xC0  }
0xba: {  	_ =	task [dreg:s22], $0x5FFFF  }
0xbb: {  	[dreg:$0x1] =	wrdreg $0xFFFFFFFF  }
0xbc: {  	[dreg:$0x0] =	wrdreg $0x60  }
0xbd: {  	[dreg:$0x2] =	wrdreg s24  }
0xbe: {  	[dreg:$0x3] =	wrdreg $0x9  }
0xbf: {  	_ =	task.clear_ibuf [dreg:s22], $0x4FFFF;
	_ =	strace $0x90000058  }
0xc0: {  	s29 =	simm.s32 $0x9;
	_ =	strace $0x8000005A  }
0xc1: {  	_ =	swait.ge [sflag:s29], $0x1  }
0xc2: {  	[sflag:s29] =	ssyncadd.s32 $0xFFFFFFFF  }
0xc3: {  	_ =	strace $0x9000005A  }
0xc4: {  	_ =	sfence  }
0xc5: {  	s30 =	sld [smem:$0x0];
	_ =	sdelay $0x2  }
0xc6: {  	s31 =	sshll.u32 s1, $0xD;
	s1 =	sshrl.u32 s1, $0x2  }
0xc7: {  	s4 =	sand.u32 $0x4000, s31;
	s1 =	sadd.s32 s1, s30  }
0xc8: {  	s0 =	sor.u32 s4, s0;
	s1 =	sshll.u32 s1, $0x11  }
0xc9: {  	s0 =	sor.u32 s1, s0  }
0xca: {  	s0 =	sadd.s32 $0x8F2B, s0  }
0xcb: {  	[sflag:s0] =	ssyncadd.remote.s32 $0x1  }
0xcc: {  	_ =	sfence.sel $0xFFFF  }
0xcd: {  	[dreg:$0x0] =	wrdreg $0xFFFFFFFF;
	(pc) =	sbr.abs _section_cstart, $3  }
0xce: {  	[dreg:$0x1] =	wrdreg $0xFFFFFFFF  }
0xcf: {  	_ =	task.clear_ibuf [dreg:s22], $0x2FFFF;
	_ =	strace $0x9FFFFFFF  }
0xd0: {  	(tm) =	ssettm $0x7FFFFFFF  }
0xd1: {  	_ =	shalt  }
tec
execute0_lowered:
.L_overlay_start_1:
0x0: {  	(tag) =	ssettag $0x1  }
0x1: {  	s4 =	rddreg [dreg:$0x0]  }
0x2: {  	s2 =	srdreg.scid;
	s0 =	rddreg [dreg:$0x1]  }
0x3: {  	s1 =	stileid.u32;
	s12 =	simm.s32 $0x5000;
	s13 =	simm.s32 $0x1  }
0x4: {  	s14 =	simm.s32 $0x2;
	s15 =	simm.s32 $0xF80;
	s16 =	simm.s32 $0x0  }
0x5: {  	s8 =	sand.u32 $0x1, s2;
	s2 =	simm.s32 $0x0;
	s3 =	sshll.u32 s1, $0xD  }
0x6: {  	s9 =	sadd.s32 $0x4E000, s4;
	s11 =	sshll.u32 s1, $0x11;
	s5 =	sshll.u32 s8, $0xC  }
0x7: {  	[smem:$0x7FF] =	sst s2;
	s7 =	ssub.s32 $0x2, s8;
	s8 =	sshll.u32 s8, $0x10  }
0x8: {  	s5 =	sor.u32 s5, s3;
	_ =	strace $0x80000059;
	s3 =	sadd.s32 $0xE000, s4  }
0x9: {  	s31 =	sshrl.u32 s7, $0x1;
	s6 =	sshrl.u32 s5, $0x3;
	s5 =	sshll.u32 s5, $0x4  }
0xa: {  	s7 =	ssub.s32 s7, s31;
	s6 =	sadd.s32 s6, s4;
	s10 =	sadd.s32 s9, s5  }
0xb: {  	s5 =	smax.u32 s7, $0x1;
	s9 =	sadd.s32 s11, s9;
	s11 =	simm.s32 $0x80  }
0xc: {  	s4 =	sadd.s32 $0xA000, s6;
	s6 =	sadd.s32 $0xF000, s10;
	s7 =	sadd.s32 $0xF800, s10  }
0xd: {  	s8 =	sadd.s32 s8, s9;
	s9 =	simm.s32 $0x3;
	s10 =	simm.s32 $0x1000  }
.LBB2_1:
0xe: {  	[tilespmem:s2], [sflag:$0x3] =	stream.linear.gather [hbm4b:s4+s2], $0x1000, $0x38;
	[tilespmem:$0x9000] =	vst v63  }
0xf: {  	_ =	swait.ge [sflag:s9], $0x1000  }
0x10: {  	[sflag:s9] =	ssyncset.done $0x0  }
0x11: {  	[sflag:s9] =	ssyncadd.s32 $0xFFFFF000  }
0x12: {  	[tilespmem:s10], [sflag:$0x1] =	stream.indirect.gather [hbm4b:s3+s11], $0x80, s2, s11, $0xb8;
	[tilespmem:$0x9000] =	vst v63  }
0x13: {  	_ = 	snop  }
0x14: {  	[tilespmem:s12], [sflag:$0x2] =	stream.indirect.gather [hbm4b:s3+s11], $0x80, s11, s11, $0xb8;
	[tilespmem:$0x9000] =	vst v63  }
0x15: {  	_ =	swait.ge [sflag:s13], $0x4000  }
0x16: {  	[sflag:s13] =	ssyncset.done $0x0  }
0x17: {  	s17 =	sadd.s32 $0x0, s8;
	[sflag:s13] =	ssyncadd.s32 $0xFFFFC000  }
0x18: {  	[hbm4b:s17+s2] =	stream.linear.scatter [tilespmem:s10], [sflag:$0x3], $0x4000, $0x38;
	[tilespmem:$0x9000] =	vst v63  }
0x19: {  	_ =	swait.ge [sflag:s9], $0x4000  }
0x1a: {  	[sflag:s9] =	ssyncset.done $0x0  }
0x1b: {  	s18 =	simm.s32 $0x100;
	[sflag:s9] =	ssyncadd.s32 $0xFFFFC000  }
0x1c: {  	[tilespmem:s10], [sflag:$0x1] =	stream.indirect.gather [hbm4b:s3+s11], $0x80, s18, s11, $0xb8;
	[tilespmem:$0x9000] =	vst v63  }
0x1d: {  	_ =	swait.ge [sflag:s14], $0x4000  }
0x1e: {  	[sflag:s14] =	ssyncset.done $0x0  }
0x1f: {  	s17 =	sadd.s32 $0x800, s17;
	[sflag:s14] =	ssyncadd.s32 $0xFFFFC000  }
0x20: {  	[hbm4b:s17+s2] =	stream.linear.scatter [tilespmem:s12], [sflag:$0x3], $0x4000, $0x38;
	[tilespmem:$0x9000] =	vst v63  }
0x21: {  	_ =	swait.ge [sflag:s9], $0x4000  }
0x22: {  	s18 =	simm.s32 $0x80;
	s17 =	simm.s32 $0x1000;
	[sflag:s9] =	ssyncset.done $0x0  }
.LBB2_2:
0x23: {  	p0 =	sne.s32 s17, $0xE000;
	[sflag:s9] =	ssyncadd.s32 $0xFFFFC000;
	s18 =	sadd.s32 $0x100, s18  }
0x24: {  	[tilespmem:s12], [sflag:$0x2] =	stream.indirect.gather [hbm4b:s3+s11], $0x80, s18, s11, $0xb8;
	[tilespmem:$0x9000] =	vst v63  }
0x25: {  	s19 =	smov.u32 s17;
	s17 =	sadd.s32 $0x1000, s17;
	_ =	swait.ge [sflag:s13], $0x4000  }
0x26: {  	[sflag:s13] =	ssyncset.done $0x0  }
0x27: {  	s19 =	sadd.s32 s19, s8;
	[sflag:s13] =	ssyncadd.s32 $0xFFFFC000  }
0x28: {  	[hbm4b:s19+s2] =	stream.linear.scatter [tilespmem:s10], [sflag:$0x3], $0x4000, $0x38;
	[tilespmem:$0x9000] =	vst v63  }
0x29: {  	_ =	swait.ge [sflag:s9], $0x4000  }
0x2a: {  	[sflag:s9] =	ssyncset.done $0x0  }
0x2b: {  	s20 =	sadd.s32 $0x80, s18;
	[sflag:s9] =	ssyncadd.s32 $0xFFFFC000  }
0x2c: {  	[tilespmem:s10], [sflag:$0x1] =	stream.indirect.gather [hbm4b:s3+s11], $0x80, s20, s11, $0xb8;
	[tilespmem:$0x9000] =	vst v63  }
0x2d: {  	_ =	swait.ge [sflag:s14], $0x4000  }
.Ltmp0:
0x2e: {  	[sflag:s14] =	ssyncset.done $0x0;
	(pc) =	sbr.rel @p0 .LBB2_2-.Ltmp0, $4  }
0x2f: {  	s19 =	sadd.s32 $0x800, s19;
	[sflag:s14] =	ssyncadd.s32 $0xFFFFC000  }
0x30: {  	[hbm4b:s19+s2] =	stream.linear.scatter [tilespmem:s12], [sflag:$0x3], $0x4000, $0x38;
	[tilespmem:$0x9000] =	vst v63  }
0x31: {  	_ =	swait.ge [sflag:s9], $0x4000  }
0x32: {  	[sflag:s9] =	ssyncset.done $0x0  }
0x33: {  	[sflag:s9] =	ssyncadd.s32 $0xFFFFC000  }
0x34: {  	[tilespmem:s12], [sflag:$0x2] =	stream.indirect.gather [hbm4b:s3+s11], $0x80, s15, s11, $0xb8;
	[tilespmem:$0x9000] =	vst v63  }
0x35: {  	_ =	swait.ge [sflag:s13], $0x4000  }
0x36: {  	[sflag:s13] =	ssyncset.done $0x0  }
0x37: {  	[sflag:s13] =	ssyncadd.s32 $0xFFFFC000  }
0x38: {  	[hbm4b:s6+s2] =	stream.linear.scatter [tilespmem:s10], [sflag:$0x3], $0x4000, $0x38;
	[tilespmem:$0x9000] =	vst v63  }
0x39: {  	_ =	swait.ge [sflag:s9], $0x4000  }
0x3a: {  	[sflag:s9] =	ssyncset.done $0x0  }
0x3b: {  	[sflag:s9] =	ssyncadd.s32 $0xFFFFC000  }
0x3c: {  	s16 =	sadd.s32 $0x1, s16;
	_ =	swait.ge [sflag:s14], $0x4000  }
0x3d: {  	p0 =	sne.s32 s16, s5;
	[sflag:s14] =	ssyncset.done $0x0  }
.Ltmp1:
0x3e: {  	[sflag:s14] =	ssyncadd.s32 $0xFFFFC000;
	(pc) =	sbr.rel @p0 .LBB2_1-.Ltmp1, $4  }
0x3f: {  	[hbm4b:s7+s2] =	stream.linear.scatter [tilespmem:s12], [sflag:$0x3], $0x4000, $0x38;
	[tilespmem:$0x9000] =	vst v63  }
0x40: {  	_ =	swait.ge [sflag:s9], $0x4000  }
0x41: {  	[sflag:s9] =	ssyncset.done $0x0  }
0x42: {  	[sflag:s9] =	ssyncadd.s32 $0xFFFFC000  }
0x43: {  	_ =	sfence.sel $0x180000  }
0x44: {  	[bflag:$0x0] =	sbarrier.arrive $0xFFFF  }
0x45: {  	p0 =	sne.s32 s1, $0x0;
	_ =	strace $0x90000059  }
0x46: {  	s0 =	sadd.s32 @!p0 $0x100000, s0;
	[bflag:$0x2] =	sbarrier.arrive $0xFFFF  }
0x47: {  	[sflag:s0] =	ssyncadd.tile.s32 @!p0 $0x1;
	_ =	shalt  }
.Lfunc_end2:
_tile_overlayer_lowered:
.L_overlay_start_2:
0x48: {  	(tag) =	ssettag $0x2  }
0x49: {  	s0 =	rddreg [dreg:$0x0];
	s2 =	stileid.u32  }
0x4a: {  	s1 =	rddreg [dreg:$0x1];
	p0 =	sne.s32 s2, $0x0  }
0x4b: {  	s3 =	rddreg [dreg:$0x2];
	[bflag:$0x3] =	sbarrier.arrive $0xFFFF;
	s2 =	simm.s32 @!p0 $0x1C03  }
0x4c: {  	[timem:s3], [sflag:s2] =	dma.local @!p0 [hbm:s0], s1  }
0x4d: {  	s0 =	simm.s32 @!p0 $0x3  }
0x4e: {  	_ =	swait.ge @!p0 [sflag:s0], s1  }
0x4f: {  	s1 =	ssub.s32 @!p0 $0x0, s1;
	[sflag:s0] =	ssyncset.done @!p0 $0x0  }
0x50: {  	[sflag:s0] =	ssyncadd.s32 @!p0 s1  }
0x51: {  	[bflag:$0x3] =	sbarrier.arrive $0xFFFF  }
0x52: {  	_ =	shalt  }

// kernel: kernel.32.cloned.1.call-start
scs
__scs_entry_jumppad:
0x0: {  	(pc) =	sbr.rel $0x88, $3  }
0x1: {  	(tag) =	ssettag $0x0;
	lr =	simm.s32 $0x1  }
0x2: {  	[smem:$0x3F94] =	sst lr;
	_ =	strace $0xD0000000  }
0x3: {  	_ = 	snop  }
0x4: {  	_ = 	snop  }
0x5: {  	_ = 	snop  }
0x6: {  	_ = 	snop  }
0x7: {  	_ = 	snop  }
__scs_overlays_trampoline_lowered:
0x8: {  	[smem:$0x3FA3] =	sst s0  }
0x9: {  	[smem:$0x3FA4] =	sst s1  }
0xa: {  	[smem:$0x3FA5] =	sst s2  }
0xb: {  	[smem:$0x3FA6] =	sst s3  }
0xc: {  	[smem:$0x3FA7] =	sst s4  }
0xd: {  	[smem:$0x3FA8] =	sst s5  }
0xe: {  	[smem:$0x3FA9] =	sst s6  }
0xf: {  	[smem:$0x3FAA] =	sst s7  }
0x10: {  	[smem:$0x3FAB] =	sst s8  }
0x11: {  	[smem:$0x3FAC] =	sst s9;
	s0 =	simm.s32 @!p0 $0x0  }
0x12: {  	s1 =	sld [smem:$0x3F92];
	s0 =	simm.s32 @p0 $0x1  }
0x13: {  	[smem:$0x3FAD] =	sst s0;
	s0 =	simm.s32 @!p1 $0x0  }
0x14: {  	s2 =	sld [smem:$0x3F91];
	s0 =	simm.s32 @p1 $0x1  }
0x15: {  	[smem:$0x3FAE] =	sst s0;
	s0 =	simm.s32 @!p2 $0x0  }
0x16: {  	s3 =	sld [smem:$0x3FDB];
	s0 =	simm.s32 @p2 $0x1  }
0x17: {  	s4 =	simm.s32 $0x1BF5;
	[smem:$0x3FB0] =	sst s0  }
0x18: {  	s0 =	sld [smem:$0x3F93];
	_ =	swait.ge [sflag:s4], $0x0  }
0x19: {  	s7 =	sld [smem:$0x3F94]  }
0x1a: {  	s8 =	sadd.s32 $0xFFFFE003, lr  }
0x1b: {  	s9 =	sadd.s32 $0xFFFFFEF7, lr;
	s5 =	simm.s32 $0xFFFFFFFF;
	p2 =	slt.u32 s8, $0xFFFFF086  }
0x1c: {  	p1 =	slt.u32 s9, $0xF7A;
	s5 =	simm.s32 @!p2 $0x0  }
0x1d: {  	s5 =	simm.s32 @p1 $0x1;
	p0 =	seq.s32 s7, s2  }
0x1e: {  	s7 =	smul.u32 @!p0 $0xF7A, s2;
	p2 =	seq.s32 @!p0 s5, $0x0  }
0x1f: {  	s9 =	smul.u32 $0xF7A, s1;
	s8 =	simm.s32 @!p0 $0x1BF5;
	p2 =	por !p2, p0  }
0x20: {  	[sflag:s8] =	ssyncset.s32 @!p0 $0xFFFFF086;
	s6 =	sadd.s32 @!p0 s3, s7;
	s7 =	simm.s32 @!p0 $0x108  }
0x21: {  	s3 =	sadd.s32 s3, s9;
	s6 =	sadd.s32 @!p0 $0x88, s6;
	s7 =	simm.s32 @p2 $0x1082  }
0x22: {  	[simem:s7], [sflag:s8] =	dma.local @!p0 [hbm:s6], $0xF7A  }
0x23: {  	s9 =	sor.u32 $0xD0000000, s2;
	s6 =	simm.s32 $0x108;
	_ =	swait.ge @!p0 [sflag:s8], $0x0  }
0x24: {  	s3 =	sadd.s32 $0x88, s3;
	s6 =	simm.s32 @!p1 $0x1082;
	[sflag:s4] =	ssyncset.s32 $0xFFFFF086  }
0x25: {  	[simem:s6], [sflag:s4] =	dma.local [hbm:s3], $0xF7A  }
0x26: {  	[smem:$0x3F94] =	sst s1;
	(tag) =	ssettag s2;
	_ =	strace s9  }
0x27: {  	s1 =	sld [smem:$0x3FA4]  }
0x28: {  	s2 =	sld [smem:$0x3FA5]  }
0x29: {  	s4 =	sld [smem:$0x3FA7]  }
0x2a: {  	p0 =	seq.s32 s5, $0x0;
	s5 =	sld [smem:$0x3FA8]  }
0x2b: {  	s6 =	sld [smem:$0x3FA9]  }
0x2c: {  	s7 =	sld [smem:$0x3FAA]  }
0x2d: {  	s3 =	simm.s32 $0x108;
	s8 =	sld [smem:$0x3FAB]  }
0x2e: {  	s3 =	simm.s32 @!p0 $0x1082;
	s9 =	sld [smem:$0x3FAC]  }
0x2f: {  	lr =	sadd.s32 s0, s3;
	s0 =	sld [smem:$0x3FA3]  }
0x30: {  	s3 =	sld [smem:$0x3FA6]  }
0x31: {  	[smem:$0x3FAF] =	sst s10  }
0x32: {  	s10 =	sld [smem:$0x3FAD];
	_ =	sdelay $0x3  }
0x33: {  	p0 =	seq.s32 s10, $0x1;
	s10 =	sld [smem:$0x3FAF];
	_ =	sdelay $0x3  }
0x34: {  	[smem:$0x3FAF] =	sst s10  }
0x35: {  	s10 =	sld [smem:$0x3FAE];
	_ =	sdelay $0x3  }
0x36: {  	p1 =	seq.s32 s10, $0x1;
	s10 =	sld [smem:$0x3FAF];
	_ =	sdelay $0x3  }
0x37: {  	[smem:$0x3FAF] =	sst s10  }
0x38: {  	s10 =	sld [smem:$0x3FB0]  }
0x39: {  	_ = 	snop;
	(pc) =	sbr.ind lr, $3  }
0x3a: {  	_ = 	snop  }
0x3b: {  	_ = 	snop  }
0x3c: {  	p2 =	seq.s32 s10, $0x1;
	s10 =	sld [smem:$0x3FAF]  }
0x3d: {  	_ =	shalt  }
0x3e: {  	_ =	shalt  }
0x3f: {  	_ =	shalt  }
0x40: {  	_ =	shalt  }
0x41: {  	_ =	shalt  }
0x42: {  	_ =	shalt  }
0x43: {  	_ =	shalt  }
0x44: {  	_ =	shalt  }
0x45: {  	_ =	shalt  }
0x46: {  	_ =	shalt  }
0x47: {  	_ =	shalt  }
0x48: {  	_ =	shalt  }
0x49: {  	_ =	shalt  }
0x4a: {  	_ =	shalt  }
0x4b: {  	_ =	shalt  }
0x4c: {  	_ =	shalt  }
0x4d: {  	_ =	shalt  }
0x4e: {  	_ =	shalt  }
0x4f: {  	_ =	shalt  }
0x50: {  	_ =	shalt  }
0x51: {  	_ =	shalt  }
0x52: {  	_ =	shalt  }
0x53: {  	_ =	shalt  }
0x54: {  	_ =	shalt  }
0x55: {  	_ =	shalt  }
0x56: {  	_ =	shalt  }
0x57: {  	_ =	shalt  }
0x58: {  	_ =	shalt  }
0x59: {  	_ =	shalt  }
0x5a: {  	_ =	shalt  }
0x5b: {  	_ =	shalt  }
0x5c: {  	_ =	shalt  }
0x5d: {  	_ =	shalt  }
0x5e: {  	_ =	shalt  }
0x5f: {  	_ =	shalt  }
0x60: {  	_ =	shalt  }
0x61: {  	_ =	shalt  }
0x62: {  	_ =	shalt  }
0x63: {  	_ =	shalt  }
0x64: {  	_ =	shalt  }
0x65: {  	_ =	shalt  }
0x66: {  	_ =	shalt  }
0x67: {  	_ =	shalt  }
0x68: {  	_ =	shalt  }
0x69: {  	_ =	shalt  }
0x6a: {  	_ =	shalt  }
0x6b: {  	_ =	shalt  }
0x6c: {  	_ =	shalt  }
0x6d: {  	_ =	shalt  }
0x6e: {  	_ =	shalt  }
0x6f: {  	_ =	shalt  }
0x70: {  	_ =	shalt  }
0x71: {  	_ =	shalt  }
0x72: {  	_ =	shalt  }
0x73: {  	_ =	shalt  }
0x74: {  	_ =	shalt  }
0x75: {  	_ =	shalt  }
0x76: {  	_ =	shalt  }
0x77: {  	_ =	shalt  }
0x78: {  	_ =	shalt  }
0x79: {  	_ =	shalt  }
0x7a: {  	_ =	shalt  }
0x7b: {  	_ =	shalt  }
0x7c: {  	_ =	shalt  }
0x7d: {  	_ =	shalt  }
0x7e: {  	_ =	shalt  }
0x7f: {  	_ =	shalt  }
0x80: {  	_ =	shalt  }
0x81: {  	_ =	shalt  }
0x82: {  	_ =	shalt  }
0x83: {  	_ =	shalt  }
0x84: {  	_ =	shalt  }
0x85: {  	_ =	shalt  }
0x86: {  	_ =	shalt  }
0x87: {  	_ =	shalt  }
.Lfunc_end0:
.L_simem_size_0:
called_computation.4_lowered:
.L_overlay_start_0:
0x88: {  	s2 =	sld [smem:$0x3FD9]  }
0x89: {  	s3 =	sld [smem:$0x3FFE];
	_ =	sdelay $0x1  }
0x8a: {  	s1 =	srdreg.scid  }
0x8b: {  	s0 =	sand.u32 $0x1, s1  }
0x8c: {  	s15 =	sshll.u32 s0, $0xA;
	s2 =	sadd.s32 s3, s2  }
0x8d: {  	s2 =	sadd.s32 s2, s15  }
0x8e: {  	[smem:$0x3FBB] =	sst s2  }
0x8f: {  	_ = 	snop  }
0x90: {  	s2 =	sld [smem:$0x3FD0];
	_ =	sdelay $0x2  }
0x91: {  	s16 =	simm.s32 $0xB;
	s4 =	simm.s32 $0x10  }
0x92: {  	[smem:s4], [sflag:s16] =	dma.local [hbm:s2], $0x1  }
0x93: {  	_ =	swait.eq [sflag:s16], $0x1  }
0x94: {  	[sflag:s16] =	ssyncset.done $0x0  }
0x95: {  	[sflag:s16] =	ssyncadd.s32 $0xFFFFFFFF  }
0x96: {  	s17 =	sld [smem:$0x10];
	(tm) =	ssettm $0x1  }
0x97: {  	s18 =	sld [smem:$0x3FFB];
	_ =	sdelay $0x3  }
0x98: {  	_ =	strace s18  }
0x99: {  	s2 =	sld [smem:$0x3FFC];
	_ =	sdelay $0x3  }
0x9a: {  	_ =	strace s2  }
0x9b: {  	s2 =	sld [smem:$0x3FFD];
	_ =	sdelay $0x3  }
0x9c: {  	_ =	strace s2  }
0x9d: {  	_ =	strace $0x8FFFFFFF  }
0x9e: {  	s19 =	sld [smem:$0x3FDB];
	_ =	sdelay $0x1  }
0x9f: {  	s20 =	simm.s32 $_scs_section_size  }
0xa0: {  	s5 =	simm.s32 $_size__tile_overlayer_lowered;
	s6 =	simm.s32 $_tile_overlayer_lowered  }
0xa1: {  	s7 =	simm.s32 $0x1BFF;
	s21 =	sshll.u32 s6, $0x1;
	s4 =	sadd.s32 s20, s19  }
0xa2: {  	s22 =	simm.s32 $0x0;
	s5 =	sshll.u32 s5, $0x1;
	s6 =	sadd.s32 s21, s4  }
0xa3: {  	[timem:s22], [sflag:s7] =	dma.local [hbm:s6], s5  }
0xa4: {  	_ =	swait.ge [sflag:s7], s5  }
0xa5: {  	s5 =	ssub.s32 $0x0, s5;
	[sflag:s7] =	ssyncset.done $0x0  }
0xa6: {  	[sflag:s7] =	ssyncadd.s32 s5;
	_ =	sdelay $0x1  }
0xa7: {  	s23 =	simm.s32 $0x1B8B  }
0xa8: {  	_ =	swait.ge [sflag:s23], $0x1  }
0xa9: {  	[sflag:s23] =	ssyncset.done $0x0  }
0xaa: {  	[sflag:s23] =	ssyncadd.s32 $0xFFFFFFFF  }
0xab: {  	s5 =	sld [smem:$0x0]  }
0xac: {  	s6 =	sand.u32 $0xFFFFFFFE, s1  }
0xad: {  	p0 =	sne.s32 s1, s6  }
0xae: {  	s6 =	sshll.u32 @p0 s6, $0xE  }
0xaf: {  	s6 =	sadd.s32 @p0 $0x11B8D, s6;
	s7 =	sshll.u32 @p0 s5, $0x11  }
0xb0: {  	s6 =	sor.u32 @p0 s7, s6  }
0xb1: {  	[sflag:s6] =	ssyncadd.remote.s32 @p0 $0x1;
	_ =	sdelay $0x1  }
0xb2: {  	s6 =	simm.s32 @p0 $0x1B8D  }
0xb3: {  	_ =	swait.eq @p0 [sflag:s6], $0x1  }
0xb4: {  	[sflag:s6] =	ssyncadd.s32 @p0 $0xFFFFFFFF  }
0xb5: {  	s7 =	sshll.u32 @!p0 s1, $0xE  }
0xb6: {  	s7 =	sor.u32 @!p0 $0x4000, s7;
	s6 =	simm.s32 @!p0 $0x1B8D  }
0xb7: {  	s5 =	sshll.u32 @!p0 s5, $0x11;
	s7 =	sadd.s32 @!p0 $0x11B8D, s7;
	_ =	swait.eq @!p0 [sflag:s6], $0x1  }
0xb8: {  	s5 =	sor.u32 @!p0 s5, s7;
	[sflag:s6] =	ssyncadd.s32 @!p0 $0xFFFFFFFF  }
0xb9: {  	s25 =	simm.s32 $0x1B8E;
	s24 =	sld [smem:$0x3FFE];
	[sflag:s5] =	ssyncadd.remote.s32 @!p0 $0x1  }
0xba: {  	s26 =	simm.s32 $execute0_lowered;
	[smem:$0x3FD2] =	sst s25  }
0xbb: {  	s6 =	sshll.u32 s26, $0x1;
	_ =	strace $0x80000049;
	[dreg:$0x1] =	wrdreg $0xFFFFFFFF  }
0xbc: {  	s28 =	simm.s32 $_size_execute0_lowered;
	s4 =	sadd.s32 s4, s6;
	[dreg:$0x0] =	wrdreg $0x0  }
0xbd: {  	s6 =	sshll.u32 s28, $0x1;
	[dreg:$0x2] =	wrdreg s4  }
0xbe: {  	[dreg:$0x3] =	wrdreg s6  }
0xbf: {  	[dreg:$0x4] =	wrdreg $0xC0  }
0xc0: {  	_ =	task [dreg:s22], $0x5FFFF  }
0xc1: {  	[dreg:$0x1] =	wrdreg $0xFFFFFFFF  }
0xc2: {  	[dreg:$0x0] =	wrdreg $0x60  }
0xc3: {  	[dreg:$0x2] =	wrdreg s24  }
0xc4: {  	[dreg:$0x3] =	wrdreg s17  }
0xc5: {  	[dreg:$0x4] =	wrdreg $0xA  }
0xc6: {  	_ =	task.clear_ibuf [dreg:s22], $0x5FFFF;
	_ =	strace $0x90000049  }
0xc7: {  	s29 =	simm.s32 $0xA;
	_ =	strace $0x8000004B  }
0xc8: {  	_ =	swait.ge [sflag:s29], $0x1  }
0xc9: {  	[sflag:s29] =	ssyncadd.s32 $0xFFFFFFFF  }
0xca: {  	_ =	strace $0x9000004B  }
0xcb: {  	_ =	sfence  }
0xcc: {  	s30 =	sld [smem:$0x0];
	_ =	sdelay $0x2  }
0xcd: {  	s31 =	sshll.u32 s1, $0xD;
	s1 =	sshrl.u32 s1, $0x2  }
0xce: {  	s4 =	sand.u32 $0x4000, s31;
	s1 =	sadd.s32 s1, s30  }
0xcf: {  	s0 =	sor.u32 s4, s0;
	s1 =	sshll.u32 s1, $0x11  }
0xd0: {  	s0 =	sor.u32 s1, s0  }
0xd1: {  	s0 =	sadd.s32 $0x8F2B, s0  }
0xd2: {  	[sflag:s0] =	ssyncadd.remote.s32 $0x1  }
0xd3: {  	_ =	sfence.sel $0xFFFF  }
0xd4: {  	[dreg:$0x0] =	wrdreg $0xFFFFFFFF;
	(pc) =	sbr.abs _section_cstart, $3  }
0xd5: {  	[dreg:$0x1] =	wrdreg $0xFFFFFFFF  }
0xd6: {  	_ =	task.clear_ibuf [dreg:s22], $0x2FFFF;
	_ =	strace $0x9FFFFFFF  }
0xd7: {  	(tm) =	ssettm $0x7FFFFFFF  }
tec
execute0_lowered:
.L_overlay_start_1:
0x0: {  	(tag) =	ssettag $0x1  }
0x1: {  	s4 =	rddreg [dreg:$0x0]  }
0x2: {  	s5 =	rddreg [dreg:$0x1]  }
0x3: {  	s0 =	rddreg [dreg:$0x2]  }
0x4: {  	s2 =	simm.s32 $0x0;
	s3 =	srdreg.scid;
	s1 =	stileid.u32  }
0x5: {  	s12 =	simm.s32 $0x5000;
	s13 =	simm.s32 $0x1;
	s14 =	simm.s32 $0x2  }
0x6: {  	s15 =	simm.s32 $0xF80;
	s16 =	simm.s32 $0x0;
	[smem:$0x7FF] =	sst s2  }
0x7: {  	s8 =	sand.u32 $0x1, s3;
	s3 =	sadd.s32 $0x24E000, s4;
	s6 =	sshll.u32 s1, $0xD  }
0x8: {  	s9 =	sadd.s32 $0x28E000, s4;
	s11 =	sshll.u32 s1, $0x11;
	s7 =	sshll.u32 s8, $0xC  }
0x9: {  	_ =	strace $0x8000004A;
	s29 =	ssub.s32 $0x2, s8;
	s6 =	sor.u32 s7, s6  }
0xa: {  	s8 =	sshll.u32 s8, $0x10;
	s30 =	sshrl.u32 s29, $0x1;
	s10 =	sshrl.u32 s6, $0x3  }
0xb: {  	s6 =	sshll.u32 s6, $0x4;
	s7 =	ssub.s32 s29, s30;
	s4 =	sadd.s32 s5, s10  }
0xc: {  	s31 =	sadd.s32 s9, s6;
	s5 =	smax.u32 s7, $0x1;
	s9 =	sadd.s32 s11, s9  }
0xd: {  	s10 =	simm.s32 $0x1000;
	s11 =	simm.s32 $0x80;
	s6 =	sadd.s32 $0xF000, s31  }
0xe: {  	s7 =	sadd.s32 $0xF800, s31;
	s8 =	sadd.s32 s8, s9;
	s9 =	simm.s32 $0x3  }
.LBB2_1:
0xf: {  	[tilespmem:s2], [sflag:$0x3] =	stream.linear.gather [hbm4b:s4+s2], $0x1000, $0x38;
	[tilespmem:$0x9000] =	vst v63  }
0x10: {  	_ =	swait.ge [sflag:s9], $0x1000  }
0x11: {  	[sflag:s9] =	ssyncset.done $0x0  }
0x12: {  	[sflag:s9] =	ssyncadd.s32 $0xFFFFF000  }
0x13: {  	[tilespmem:s10], [sflag:$0x1] =	stream.indirect.gather [hbm4b:s3+s11], $0x80, s2, s11, $0xb8;
	[tilespmem:$0x9000] =	vst v63  }
0x14: {  	_ = 	snop  }
0x15: {  	[tilespmem:s12], [sflag:$0x2] =	stream.indirect.gather [hbm4b:s3+s11], $0x80, s11, s11, $0xb8;
	[tilespmem:$0x9000] =	vst v63  }
0x16: {  	_ =	swait.ge [sflag:s13], $0x4000  }
0x17: {  	[sflag:s13] =	ssyncset.done $0x0  }
0x18: {  	s17 =	sadd.s32 $0x0, s8;
	[sflag:s13] =	ssyncadd.s32 $0xFFFFC000  }
0x19: {  	[hbm4b:s17+s2] =	stream.linear.scatter [tilespmem:s10], [sflag:$0x3], $0x4000, $0x38;
	[tilespmem:$0x9000] =	vst v63  }
0x1a: {  	_ =	swait.ge [sflag:s9], $0x4000  }
0x1b: {  	[sflag:s9] =	ssyncset.done $0x0  }
0x1c: {  	s18 =	simm.s32 $0x100;
	[sflag:s9] =	ssyncadd.s32 $0xFFFFC000  }
0x1d: {  	[tilespmem:s10], [sflag:$0x1] =	stream.indirect.gather [hbm4b:s3+s11], $0x80, s18, s11, $0xb8;
	[tilespmem:$0x9000] =	vst v63  }
0x1e: {  	_ =	swait.ge [sflag:s14], $0x4000  }
0x1f: {  	[sflag:s14] =	ssyncset.done $0x0  }
0x20: {  	s17 =	sadd.s32 $0x800, s17;
	[sflag:s14] =	ssyncadd.s32 $0xFFFFC000  }
0x21: {  	[hbm4b:s17+s2] =	stream.linear.scatter [tilespmem:s12], [sflag:$0x3], $0x4000, $0x38;
	[tilespmem:$0x9000] =	vst v63  }
0x22: {  	_ =	swait.ge [sflag:s9], $0x4000  }
0x23: {  	s18 =	simm.s32 $0x80;
	s17 =	simm.s32 $0x1000;
	[sflag:s9] =	ssyncset.done $0x0  }
.LBB2_2:
0x24: {  	p0 =	sne.s32 s17, $0xE000;
	[sflag:s9] =	ssyncadd.s32 $0xFFFFC000;
	s18 =	sadd.s32 $0x100, s18  }
0x25: {  	[tilespmem:s12], [sflag:$0x2] =	stream.indirect.gather [hbm4b:s3+s11], $0x80, s18, s11, $0xb8;
	[tilespmem:$0x9000] =	vst v63  }
0x26: {  	s19 =	smov.u32 s17;
	s17 =	sadd.s32 $0x1000, s17;
	_ =	swait.ge [sflag:s13], $0x4000  }
0x27: {  	[sflag:s13] =	ssyncset.done $0x0  }
0x28: {  	s19 =	sadd.s32 s19, s8;
	[sflag:s13] =	ssyncadd.s32 $0xFFFFC000  }
0x29: {  	[hbm4b:s19+s2] =	stream.linear.scatter [tilespmem:s10], [sflag:$0x3], $0x4000, $0x38;
	[tilespmem:$0x9000] =	vst v63  }
0x2a: {  	_ =	swait.ge [sflag:s9], $0x4000  }
0x2b: {  	[sflag:s9] =	ssyncset.done $0x0  }
0x2c: {  	s20 =	sadd.s32 $0x80, s18;
	[sflag:s9] =	ssyncadd.s32 $0xFFFFC000  }
0x2d: {  	[tilespmem:s10], [sflag:$0x1] =	stream.indirect.gather [hbm4b:s3+s11], $0x80, s20, s11, $0xb8;
	[tilespmem:$0x9000] =	vst v63  }
0x2e: {  	_ =	swait.ge [sflag:s14], $0x4000  }
.Ltmp0:
0x2f: {  	[sflag:s14] =	ssyncset.done $0x0;
	(pc) =	sbr.rel @p0 .LBB2_2-.Ltmp0, $4  }
0x30: {  	s19 =	sadd.s32 $0x800, s19;
	[sflag:s14] =	ssyncadd.s32 $0xFFFFC000  }
0x31: {  	[hbm4b:s19+s2] =	stream.linear.scatter [tilespmem:s12], [sflag:$0x3], $0x4000, $0x38;
	[tilespmem:$0x9000] =	vst v63  }
0x32: {  	_ =	swait.ge [sflag:s9], $0x4000  }
0x33: {  	[sflag:s9] =	ssyncset.done $0x0  }
0x34: {  	[sflag:s9] =	ssyncadd.s32 $0xFFFFC000  }
0x35: {  	[tilespmem:s12], [sflag:$0x2] =	stream.indirect.gather [hbm4b:s3+s11], $0x80, s15, s11, $0xb8;
	[tilespmem:$0x9000] =	vst v63  }
0x36: {  	_ =	swait.ge [sflag:s13], $0x4000  }
0x37: {  	[sflag:s13] =	ssyncset.done $0x0  }
0x38: {  	[sflag:s13] =	ssyncadd.s32 $0xFFFFC000  }
0x39: {  	[hbm4b:s6+s2] =	stream.linear.scatter [tilespmem:s10], [sflag:$0x3], $0x4000, $0x38;
	[tilespmem:$0x9000] =	vst v63  }
0x3a: {  	_ =	swait.ge [sflag:s9], $0x4000  }
0x3b: {  	[sflag:s9] =	ssyncset.done $0x0  }
0x3c: {  	[sflag:s9] =	ssyncadd.s32 $0xFFFFC000  }
0x3d: {  	s16 =	sadd.s32 $0x1, s16;
	_ =	swait.ge [sflag:s14], $0x4000  }
0x3e: {  	p0 =	sne.s32 s16, s5;
	[sflag:s14] =	ssyncset.done $0x0  }
.Ltmp1:
0x3f: {  	[sflag:s14] =	ssyncadd.s32 $0xFFFFC000;
	(pc) =	sbr.rel @p0 .LBB2_1-.Ltmp1, $4  }
0x40: {  	[hbm4b:s7+s2] =	stream.linear.scatter [tilespmem:s12], [sflag:$0x3], $0x4000, $0x38;
	[tilespmem:$0x9000] =	vst v63  }
0x41: {  	_ =	swait.ge [sflag:s9], $0x4000  }
0x42: {  	[sflag:s9] =	ssyncset.done $0x0  }
0x43: {  	[sflag:s9] =	ssyncadd.s32 $0xFFFFC000  }
0x44: {  	_ =	sfence.sel $0x180000  }
0x45: {  	[bflag:$0x0] =	sbarrier.arrive $0xFFFF  }
0x46: {  	p0 =	sne.s32 s1, $0x0;
	_ =	strace $0x9000004A  }
0x47: {  	s0 =	sadd.s32 @!p0 $0x100000, s0;
	[bflag:$0x2] =	sbarrier.arrive $0xFFFF  }
0x48: {  	[sflag:s0] =	ssyncadd.tile.s32 @!p0 $0x1;
	_ =	shalt  }
.Lfunc_end2:
_tile_overlayer_lowered:
.L_overlay_start_2:
0x49: {  	(tag) =	ssettag $0x2  }
0x4a: {  	s0 =	rddreg [dreg:$0x0];
	s2 =	stileid.u32  }
0x4b: {  	s1 =	rddreg [dreg:$0x1];
	p0 =	sne.s32 s2, $0x0  }
0x4c: {  	s3 =	rddreg [dreg:$0x2];
	[bflag:$0x3] =	sbarrier.arrive $0xFFFF;
	s2 =	simm.s32 @!p0 $0x1C03  }
0x4d: {  	[timem:s3], [sflag:s2] =	dma.local @!p0 [hbm:s0], s1  }
0x4e: {  	s0 =	simm.s32 @!p0 $0x3  }
0x4f: {  	_ =	swait.ge @!p0 [sflag:s0], s1  }
0x50: {  	s1 =	ssub.s32 @!p0 $0x0, s1;
	[sflag:s0] =	ssyncset.done @!p0 $0x0  }
0x51: {  	[sflag:s0] =	ssyncadd.s32 @!p0 s1  }
0x52: {  	[bflag:$0x3] =	sbarrier.arrive $0xFFFF  }
0x53: {  	_ =	shalt  }

// kernel: kernel.35.cloned.1.call-start
scs
__scs_entry_jumppad:
0x0: {  	(pc) =	sbr.rel $0x88, $3  }
0x1: {  	(tag) =	ssettag $0x0;
	lr =	simm.s32 $0x1  }
0x2: {  	[smem:$0x3F94] =	sst lr;
	_ =	strace $0xD0000000  }
0x3: {  	_ = 	snop  }
0x4: {  	_ = 	snop  }
0x5: {  	_ = 	snop  }
0x6: {  	_ = 	snop  }
0x7: {  	_ = 	snop  }
__scs_overlays_trampoline_lowered:
0x8: {  	[smem:$0x3FA3] =	sst s0  }
0x9: {  	[smem:$0x3FA4] =	sst s1  }
0xa: {  	[smem:$0x3FA5] =	sst s2  }
0xb: {  	[smem:$0x3FA6] =	sst s3  }
0xc: {  	[smem:$0x3FA7] =	sst s4  }
0xd: {  	[smem:$0x3FA8] =	sst s5  }
0xe: {  	[smem:$0x3FA9] =	sst s6  }
0xf: {  	[smem:$0x3FAA] =	sst s7  }
0x10: {  	[smem:$0x3FAB] =	sst s8  }
0x11: {  	[smem:$0x3FAC] =	sst s9;
	s0 =	simm.s32 @!p0 $0x0  }
0x12: {  	s1 =	sld [smem:$0x3F92];
	s0 =	simm.s32 @p0 $0x1  }
0x13: {  	[smem:$0x3FAD] =	sst s0;
	s0 =	simm.s32 @!p1 $0x0  }
0x14: {  	s2 =	sld [smem:$0x3F91];
	s0 =	simm.s32 @p1 $0x1  }
0x15: {  	[smem:$0x3FAE] =	sst s0;
	s0 =	simm.s32 @!p2 $0x0  }
0x16: {  	s3 =	sld [smem:$0x3FDB];
	s0 =	simm.s32 @p2 $0x1  }
0x17: {  	s4 =	simm.s32 $0x1BF5;
	[smem:$0x3FB0] =	sst s0  }
0x18: {  	s0 =	sld [smem:$0x3F93];
	_ =	swait.ge [sflag:s4], $0x0  }
0x19: {  	s7 =	sld [smem:$0x3F94]  }
0x1a: {  	s8 =	sadd.s32 $0xFFFFE003, lr  }
0x1b: {  	s9 =	sadd.s32 $0xFFFFFEF7, lr;
	s5 =	simm.s32 $0xFFFFFFFF;
	p2 =	slt.u32 s8, $0xFFFFF086  }
0x1c: {  	p1 =	slt.u32 s9, $0xF7A;
	s5 =	simm.s32 @!p2 $0x0  }
0x1d: {  	s5 =	simm.s32 @p1 $0x1;
	p0 =	seq.s32 s7, s2  }
0x1e: {  	s7 =	smul.u32 @!p0 $0xF7A, s2;
	p2 =	seq.s32 @!p0 s5, $0x0  }
0x1f: {  	s9 =	smul.u32 $0xF7A, s1;
	s8 =	simm.s32 @!p0 $0x1BF5;
	p2 =	por !p2, p0  }
0x20: {  	[sflag:s8] =	ssyncset.s32 @!p0 $0xFFFFF086;
	s6 =	sadd.s32 @!p0 s3, s7;
	s7 =	simm.s32 @!p0 $0x108  }
0x21: {  	s3 =	sadd.s32 s3, s9;
	s6 =	sadd.s32 @!p0 $0x88, s6;
	s7 =	simm.s32 @p2 $0x1082  }
0x22: {  	[simem:s7], [sflag:s8] =	dma.local @!p0 [hbm:s6], $0xF7A  }
0x23: {  	s9 =	sor.u32 $0xD0000000, s2;
	s6 =	simm.s32 $0x108;
	_ =	swait.ge @!p0 [sflag:s8], $0x0  }
0x24: {  	s3 =	sadd.s32 $0x88, s3;
	s6 =	simm.s32 @!p1 $0x1082;
	[sflag:s4] =	ssyncset.s32 $0xFFFFF086  }
0x25: {  	[simem:s6], [sflag:s4] =	dma.local [hbm:s3], $0xF7A  }
0x26: {  	[smem:$0x3F94] =	sst s1;
	(tag) =	ssettag s2;
	_ =	strace s9  }
0x27: {  	s1 =	sld [smem:$0x3FA4]  }
0x28: {  	s2 =	sld [smem:$0x3FA5]  }
0x29: {  	s4 =	sld [smem:$0x3FA7]  }
0x2a: {  	p0 =	seq.s32 s5, $0x0;
	s5 =	sld [smem:$0x3FA8]  }
0x2b: {  	s6 =	sld [smem:$0x3FA9]  }
0x2c: {  	s7 =	sld [smem:$0x3FAA]  }
0x2d: {  	s3 =	simm.s32 $0x108;
	s8 =	sld [smem:$0x3FAB]  }
0x2e: {  	s3 =	simm.s32 @!p0 $0x1082;
	s9 =	sld [smem:$0x3FAC]  }
0x2f: {  	lr =	sadd.s32 s0, s3;
	s0 =	sld [smem:$0x3FA3]  }
0x30: {  	s3 =	sld [smem:$0x3FA6]  }
0x31: {  	[smem:$0x3FAF] =	sst s10  }
0x32: {  	s10 =	sld [smem:$0x3FAD];
	_ =	sdelay $0x3  }
0x33: {  	p0 =	seq.s32 s10, $0x1;
	s10 =	sld [smem:$0x3FAF];
	_ =	sdelay $0x3  }
0x34: {  	[smem:$0x3FAF] =	sst s10  }
0x35: {  	s10 =	sld [smem:$0x3FAE];
	_ =	sdelay $0x3  }
0x36: {  	p1 =	seq.s32 s10, $0x1;
	s10 =	sld [smem:$0x3FAF];
	_ =	sdelay $0x3  }
0x37: {  	[smem:$0x3FAF] =	sst s10  }
0x38: {  	s10 =	sld [smem:$0x3FB0]  }
0x39: {  	_ = 	snop;
	(pc) =	sbr.ind lr, $3  }
0x3a: {  	_ = 	snop  }
0x3b: {  	_ = 	snop  }
0x3c: {  	p2 =	seq.s32 s10, $0x1;
	s10 =	sld [smem:$0x3FAF]  }
0x3d: {  	_ =	shalt  }
0x3e: {  	_ =	shalt  }
0x3f: {  	_ =	shalt  }
0x40: {  	_ =	shalt  }
0x41: {  	_ =	shalt  }
0x42: {  	_ =	shalt  }
0x43: {  	_ =	shalt  }
0x44: {  	_ =	shalt  }
0x45: {  	_ =	shalt  }
0x46: {  	_ =	shalt  }
0x47: {  	_ =	shalt  }
0x48: {  	_ =	shalt  }
0x49: {  	_ =	shalt  }
0x4a: {  	_ =	shalt  }
0x4b: {  	_ =	shalt  }
0x4c: {  	_ =	shalt  }
0x4d: {  	_ =	shalt  }
0x4e: {  	_ =	shalt  }
0x4f: {  	_ =	shalt  }
0x50: {  	_ =	shalt  }
0x51: {  	_ =	shalt  }
0x52: {  	_ =	shalt  }
0x53: {  	_ =	shalt  }
0x54: {  	_ =	shalt  }
0x55: {  	_ =	shalt  }
0x56: {  	_ =	shalt  }
0x57: {  	_ =	shalt  }
0x58: {  	_ =	shalt  }
0x59: {  	_ =	shalt  }
0x5a: {  	_ =	shalt  }
0x5b: {  	_ =	shalt  }
0x5c: {  	_ =	shalt  }
0x5d: {  	_ =	shalt  }
0x5e: {  	_ =	shalt  }
0x5f: {  	_ =	shalt  }
0x60: {  	_ =	shalt  }
0x61: {  	_ =	shalt  }
0x62: {  	_ =	shalt  }
0x63: {  	_ =	shalt  }
0x64: {  	_ =	shalt  }
0x65: {  	_ =	shalt  }
0x66: {  	_ =	shalt  }
0x67: {  	_ =	shalt  }
0x68: {  	_ =	shalt  }
0x69: {  	_ =	shalt  }
0x6a: {  	_ =	shalt  }
0x6b: {  	_ =	shalt  }
0x6c: {  	_ =	shalt  }
0x6d: {  	_ =	shalt  }
0x6e: {  	_ =	shalt  }
0x6f: {  	_ =	shalt  }
0x70: {  	_ =	shalt  }
0x71: {  	_ =	shalt  }
0x72: {  	_ =	shalt  }
0x73: {  	_ =	shalt  }
0x74: {  	_ =	shalt  }
0x75: {  	_ =	shalt  }
0x76: {  	_ =	shalt  }
0x77: {  	_ =	shalt  }
0x78: {  	_ =	shalt  }
0x79: {  	_ =	shalt  }
0x7a: {  	_ =	shalt  }
0x7b: {  	_ =	shalt  }
0x7c: {  	_ =	shalt  }
0x7d: {  	_ =	shalt  }
0x7e: {  	_ =	shalt  }
0x7f: {  	_ =	shalt  }
0x80: {  	_ =	shalt  }
0x81: {  	_ =	shalt  }
0x82: {  	_ =	shalt  }
0x83: {  	_ =	shalt  }
0x84: {  	_ =	shalt  }
0x85: {  	_ =	shalt  }
0x86: {  	_ =	shalt  }
0x87: {  	_ =	shalt  }
.Lfunc_end0:
.L_simem_size_0:
called_computation.5_lowered:
.L_overlay_start_0:
0x88: {  	s2 =	sld [smem:$0x3FD9]  }
0x89: {  	s3 =	sld [smem:$0x3FFE];
	_ =	sdelay $0x1  }
0x8a: {  	s1 =	srdreg.scid  }
0x8b: {  	s0 =	sand.u32 $0x1, s1  }
0x8c: {  	s15 =	sshll.u32 s0, $0xA;
	s2 =	sadd.s32 s3, s2  }
0x8d: {  	s2 =	sadd.s32 s2, s15  }
0x8e: {  	[smem:$0x3FBB] =	sst s2  }
0x8f: {  	_ = 	snop  }
0x90: {  	s2 =	sld [smem:$0x3FD0];
	_ =	sdelay $0x2  }
0x91: {  	s16 =	simm.s32 $0xB;
	s4 =	simm.s32 $0x10  }
0x92: {  	[smem:s4], [sflag:s16] =	dma.local [hbm:s2], $0x1  }
0x93: {  	_ =	swait.eq [sflag:s16], $0x1  }
0x94: {  	[sflag:s16] =	ssyncset.done $0x0  }
0x95: {  	[sflag:s16] =	ssyncadd.s32 $0xFFFFFFFF  }
0x96: {  	s17 =	sld [smem:$0x10];
	(tm) =	ssettm $0x1  }
0x97: {  	s18 =	sld [smem:$0x3FFB];
	_ =	sdelay $0x3  }
0x98: {  	_ =	strace s18  }
0x99: {  	s2 =	sld [smem:$0x3FFC];
	_ =	sdelay $0x3  }
0x9a: {  	_ =	strace s2  }
0x9b: {  	s2 =	sld [smem:$0x3FFD];
	_ =	sdelay $0x3  }
0x9c: {  	_ =	strace s2  }
0x9d: {  	_ =	strace $0x8FFFFFFF  }
0x9e: {  	s19 =	sld [smem:$0x3FDB];
	_ =	sdelay $0x1  }
0x9f: {  	s20 =	simm.s32 $_scs_section_size  }
0xa0: {  	s5 =	simm.s32 $_size__tile_overlayer_lowered;
	s6 =	simm.s32 $_tile_overlayer_lowered  }
0xa1: {  	s7 =	simm.s32 $0x1BFF;
	s21 =	sshll.u32 s6, $0x1;
	s4 =	sadd.s32 s20, s19  }
0xa2: {  	s22 =	simm.s32 $0x0;
	s5 =	sshll.u32 s5, $0x1;
	s6 =	sadd.s32 s21, s4  }
0xa3: {  	[timem:s22], [sflag:s7] =	dma.local [hbm:s6], s5  }
0xa4: {  	_ =	swait.ge [sflag:s7], s5  }
0xa5: {  	s5 =	ssub.s32 $0x0, s5;
	[sflag:s7] =	ssyncset.done $0x0  }
0xa6: {  	[sflag:s7] =	ssyncadd.s32 s5;
	_ =	sdelay $0x1  }
0xa7: {  	s23 =	simm.s32 $0x1B8B  }
0xa8: {  	_ =	swait.ge [sflag:s23], $0x1  }
0xa9: {  	[sflag:s23] =	ssyncset.done $0x0  }
0xaa: {  	[sflag:s23] =	ssyncadd.s32 $0xFFFFFFFF  }
0xab: {  	s5 =	sld [smem:$0x0]  }
0xac: {  	s6 =	sand.u32 $0xFFFFFFFE, s1  }
0xad: {  	p0 =	sne.s32 s1, s6  }
0xae: {  	s6 =	sshll.u32 @p0 s6, $0xE  }
0xaf: {  	s6 =	sadd.s32 @p0 $0x11B8D, s6;
	s7 =	sshll.u32 @p0 s5, $0x11  }
0xb0: {  	s6 =	sor.u32 @p0 s7, s6  }
0xb1: {  	[sflag:s6] =	ssyncadd.remote.s32 @p0 $0x1;
	_ =	sdelay $0x1  }
0xb2: {  	s6 =	simm.s32 @p0 $0x1B8D  }
0xb3: {  	_ =	swait.eq @p0 [sflag:s6], $0x1  }
0xb4: {  	[sflag:s6] =	ssyncadd.s32 @p0 $0xFFFFFFFF  }
0xb5: {  	s7 =	sshll.u32 @!p0 s1, $0xE  }
0xb6: {  	s7 =	sor.u32 @!p0 $0x4000, s7;
	s6 =	simm.s32 @!p0 $0x1B8D  }
0xb7: {  	s5 =	sshll.u32 @!p0 s5, $0x11;
	s7 =	sadd.s32 @!p0 $0x11B8D, s7;
	_ =	swait.eq @!p0 [sflag:s6], $0x1  }
0xb8: {  	s5 =	sor.u32 @!p0 s5, s7;
	[sflag:s6] =	ssyncadd.s32 @!p0 $0xFFFFFFFF  }
0xb9: {  	s25 =	simm.s32 $0x1B8E;
	s24 =	sld [smem:$0x3FFE];
	[sflag:s5] =	ssyncadd.remote.s32 @!p0 $0x1  }
0xba: {  	s26 =	simm.s32 $execute0_lowered;
	[smem:$0x3FD2] =	sst s25  }
0xbb: {  	s6 =	sshll.u32 s26, $0x1;
	_ =	strace $0x8000004F;
	[dreg:$0x1] =	wrdreg $0xFFFFFFFF  }
0xbc: {  	s28 =	simm.s32 $_size_execute0_lowered;
	s4 =	sadd.s32 s4, s6;
	[dreg:$0x0] =	wrdreg $0x0  }
0xbd: {  	s6 =	sshll.u32 s28, $0x1;
	[dreg:$0x2] =	wrdreg s4  }
0xbe: {  	[dreg:$0x3] =	wrdreg s6  }
0xbf: {  	[dreg:$0x4] =	wrdreg $0xC0  }
0xc0: {  	_ =	task [dreg:s22], $0x5FFFF  }
0xc1: {  	[dreg:$0x1] =	wrdreg $0xFFFFFFFF  }
0xc2: {  	[dreg:$0x0] =	wrdreg $0x60  }
0xc3: {  	[dreg:$0x2] =	wrdreg s24  }
0xc4: {  	[dreg:$0x3] =	wrdreg s17  }
0xc5: {  	[dreg:$0x4] =	wrdreg $0xA  }
0xc6: {  	_ =	task.clear_ibuf [dreg:s22], $0x5FFFF;
	_ =	strace $0x9000004F  }
0xc7: {  	s29 =	simm.s32 $0xA;
	_ =	strace $0x80000051  }
0xc8: {  	_ =	swait.ge [sflag:s29], $0x1  }
0xc9: {  	[sflag:s29] =	ssyncadd.s32 $0xFFFFFFFF  }
0xca: {  	_ =	strace $0x90000051  }
0xcb: {  	_ =	sfence  }
0xcc: {  	s30 =	sld [smem:$0x0];
	_ =	sdelay $0x2  }
0xcd: {  	s31 =	sshll.u32 s1, $0xD;
	s1 =	sshrl.u32 s1, $0x2  }
0xce: {  	s4 =	sand.u32 $0x4000, s31;
	s1 =	sadd.s32 s1, s30  }
0xcf: {  	s0 =	sor.u32 s4, s0;
	s1 =	sshll.u32 s1, $0x11  }
0xd0: {  	s0 =	sor.u32 s1, s0  }
0xd1: {  	s0 =	sadd.s32 $0x8F2B, s0  }
0xd2: {  	[sflag:s0] =	ssyncadd.remote.s32 $0x1  }
0xd3: {  	_ =	sfence.sel $0xFFFF  }
0xd4: {  	[dreg:$0x0] =	wrdreg $0xFFFFFFFF;
	(pc) =	sbr.abs _section_cstart, $3  }
0xd5: {  	[dreg:$0x1] =	wrdreg $0xFFFFFFFF  }
0xd6: {  	_ =	task.clear_ibuf [dreg:s22], $0x2FFFF;
	_ =	strace $0x9FFFFFFF  }
0xd7: {  	(tm) =	ssettm $0x7FFFFFFF  }
tec
execute0_lowered:
.L_overlay_start_1:
0x0: {  	(tag) =	ssettag $0x1  }
0x1: {  	s4 =	rddreg [dreg:$0x0]  }
0x2: {  	s5 =	rddreg [dreg:$0x1]  }
0x3: {  	s0 =	rddreg [dreg:$0x2]  }
0x4: {  	s2 =	simm.s32 $0x0;
	s3 =	srdreg.scid;
	s1 =	stileid.u32  }
0x5: {  	s12 =	simm.s32 $0x5000;
	s13 =	simm.s32 $0x1;
	s14 =	simm.s32 $0x2  }
0x6: {  	s15 =	simm.s32 $0xF80;
	s16 =	simm.s32 $0x0;
	[smem:$0x7FF] =	sst s2  }
0x7: {  	s8 =	sand.u32 $0x1, s3;
	s3 =	sadd.s32 $0x24E000, s4;
	s6 =	sshll.u32 s1, $0xD  }
0x8: {  	s9 =	sadd.s32 $0x28E000, s4;
	s11 =	sshll.u32 s1, $0x11;
	s7 =	sshll.u32 s8, $0xC  }
0x9: {  	_ =	strace $0x80000050;
	s29 =	ssub.s32 $0x2, s8;
	s6 =	sor.u32 s7, s6  }
0xa: {  	s8 =	sshll.u32 s8, $0x10;
	s30 =	sshrl.u32 s29, $0x1;
	s10 =	sshrl.u32 s6, $0x3  }
0xb: {  	s6 =	sshll.u32 s6, $0x4;
	s7 =	ssub.s32 s29, s30;
	s4 =	sadd.s32 s5, s10  }
0xc: {  	s31 =	sadd.s32 s9, s6;
	s5 =	smax.u32 s7, $0x1;
	s9 =	sadd.s32 s11, s9  }
0xd: {  	s10 =	simm.s32 $0x1000;
	s11 =	simm.s32 $0x80;
	s6 =	sadd.s32 $0xF000, s31  }
0xe: {  	s7 =	sadd.s32 $0xF800, s31;
	s8 =	sadd.s32 s8, s9;
	s9 =	simm.s32 $0x3  }
.LBB2_1:
0xf: {  	[tilespmem:s2], [sflag:$0x3] =	stream.linear.gather [hbm4b:s4+s2], $0x1000, $0x38;
	[tilespmem:$0x9000] =	vst v63  }
0x10: {  	_ =	swait.ge [sflag:s9], $0x1000  }
0x11: {  	[sflag:s9] =	ssyncset.done $0x0  }
0x12: {  	[sflag:s9] =	ssyncadd.s32 $0xFFFFF000  }
0x13: {  	[tilespmem:s10], [sflag:$0x1] =	stream.indirect.gather [hbm4b:s3+s11], $0x80, s2, s11, $0xb8;
	[tilespmem:$0x9000] =	vst v63  }
0x14: {  	_ = 	snop  }
0x15: {  	[tilespmem:s12], [sflag:$0x2] =	stream.indirect.gather [hbm4b:s3+s11], $0x80, s11, s11, $0xb8;
	[tilespmem:$0x9000] =	vst v63  }
0x16: {  	_ =	swait.ge [sflag:s13], $0x4000  }
0x17: {  	[sflag:s13] =	ssyncset.done $0x0  }
0x18: {  	s17 =	sadd.s32 $0x0, s8;
	[sflag:s13] =	ssyncadd.s32 $0xFFFFC000  }
0x19: {  	[hbm4b:s17+s2] =	stream.linear.scatter [tilespmem:s10], [sflag:$0x3], $0x4000, $0x38;
	[tilespmem:$0x9000] =	vst v63  }
0x1a: {  	_ =	swait.ge [sflag:s9], $0x4000  }
0x1b: {  	[sflag:s9] =	ssyncset.done $0x0  }
0x1c: {  	s18 =	simm.s32 $0x100;
	[sflag:s9] =	ssyncadd.s32 $0xFFFFC000  }
0x1d: {  	[tilespmem:s10], [sflag:$0x1] =	stream.indirect.gather [hbm4b:s3+s11], $0x80, s18, s11, $0xb8;
	[tilespmem:$0x9000] =	vst v63  }
0x1e: {  	_ =	swait.ge [sflag:s14], $0x4000  }
0x1f: {  	[sflag:s14] =	ssyncset.done $0x0  }
0x20: {  	s17 =	sadd.s32 $0x800, s17;
	[sflag:s14] =	ssyncadd.s32 $0xFFFFC000  }
0x21: {  	[hbm4b:s17+s2] =	stream.linear.scatter [tilespmem:s12], [sflag:$0x3], $0x4000, $0x38;
	[tilespmem:$0x9000] =	vst v63  }
0x22: {  	_ =	swait.ge [sflag:s9], $0x4000  }
0x23: {  	s18 =	simm.s32 $0x80;
	s17 =	simm.s32 $0x1000;
	[sflag:s9] =	ssyncset.done $0x0  }
.LBB2_2:
0x24: {  	p0 =	sne.s32 s17, $0xE000;
	[sflag:s9] =	ssyncadd.s32 $0xFFFFC000;
	s18 =	sadd.s32 $0x100, s18  }
0x25: {  	[tilespmem:s12], [sflag:$0x2] =	stream.indirect.gather [hbm4b:s3+s11], $0x80, s18, s11, $0xb8;
	[tilespmem:$0x9000] =	vst v63  }
0x26: {  	s19 =	smov.u32 s17;
	s17 =	sadd.s32 $0x1000, s17;
	_ =	swait.ge [sflag:s13], $0x4000  }
0x27: {  	[sflag:s13] =	ssyncset.done $0x0  }
0x28: {  	s19 =	sadd.s32 s19, s8;
	[sflag:s13] =	ssyncadd.s32 $0xFFFFC000  }
0x29: {  	[hbm4b:s19+s2] =	stream.linear.scatter [tilespmem:s10], [sflag:$0x3], $0x4000, $0x38;
	[tilespmem:$0x9000] =	vst v63  }
0x2a: {  	_ =	swait.ge [sflag:s9], $0x4000  }
0x2b: {  	[sflag:s9] =	ssyncset.done $0x0  }
0x2c: {  	s20 =	sadd.s32 $0x80, s18;
	[sflag:s9] =	ssyncadd.s32 $0xFFFFC000  }
0x2d: {  	[tilespmem:s10], [sflag:$0x1] =	stream.indirect.gather [hbm4b:s3+s11], $0x80, s20, s11, $0xb8;
	[tilespmem:$0x9000] =	vst v63  }
0x2e: {  	_ =	swait.ge [sflag:s14], $0x4000  }
.Ltmp0:
0x2f: {  	[sflag:s14] =	ssyncset.done $0x0;
	(pc) =	sbr.rel @p0 .LBB2_2-.Ltmp0, $4  }
0x30: {  	s19 =	sadd.s32 $0x800, s19;
	[sflag:s14] =	ssyncadd.s32 $0xFFFFC000  }
0x31: {  	[hbm4b:s19+s2] =	stream.linear.scatter [tilespmem:s12], [sflag:$0x3], $0x4000, $0x38;
	[tilespmem:$0x9000] =	vst v63  }
0x32: {  	_ =	swait.ge [sflag:s9], $0x4000  }
0x33: {  	[sflag:s9] =	ssyncset.done $0x0  }
0x34: {  	[sflag:s9] =	ssyncadd.s32 $0xFFFFC000  }
0x35: {  	[tilespmem:s12], [sflag:$0x2] =	stream.indirect.gather [hbm4b:s3+s11], $0x80, s15, s11, $0xb8;
	[tilespmem:$0x9000] =	vst v63  }
0x36: {  	_ =	swait.ge [sflag:s13], $0x4000  }
0x37: {  	[sflag:s13] =	ssyncset.done $0x0  }
0x38: {  	[sflag:s13] =	ssyncadd.s32 $0xFFFFC000  }
0x39: {  	[hbm4b:s6+s2] =	stream.linear.scatter [tilespmem:s10], [sflag:$0x3], $0x4000, $0x38;
	[tilespmem:$0x9000] =	vst v63  }
0x3a: {  	_ =	swait.ge [sflag:s9], $0x4000  }
0x3b: {  	[sflag:s9] =	ssyncset.done $0x0  }
0x3c: {  	[sflag:s9] =	ssyncadd.s32 $0xFFFFC000  }
0x3d: {  	s16 =	sadd.s32 $0x1, s16;
	_ =	swait.ge [sflag:s14], $0x4000  }
0x3e: {  	p0 =	sne.s32 s16, s5;
	[sflag:s14] =	ssyncset.done $0x0  }
.Ltmp1:
0x3f: {  	[sflag:s14] =	ssyncadd.s32 $0xFFFFC000;
	(pc) =	sbr.rel @p0 .LBB2_1-.Ltmp1, $4  }
0x40: {  	[hbm4b:s7+s2] =	stream.linear.scatter [tilespmem:s12], [sflag:$0x3], $0x4000, $0x38;
	[tilespmem:$0x9000] =	vst v63  }
0x41: {  	_ =	swait.ge [sflag:s9], $0x4000  }
0x42: {  	[sflag:s9] =	ssyncset.done $0x0  }
0x43: {  	[sflag:s9] =	ssyncadd.s32 $0xFFFFC000  }
0x44: {  	_ =	sfence.sel $0x180000  }
0x45: {  	[bflag:$0x0] =	sbarrier.arrive $0xFFFF  }
0x46: {  	p0 =	sne.s32 s1, $0x0;
	_ =	strace $0x90000050  }
0x47: {  	s0 =	sadd.s32 @!p0 $0x100000, s0;
	[bflag:$0x2] =	sbarrier.arrive $0xFFFF  }
0x48: {  	[sflag:s0] =	ssyncadd.tile.s32 @!p0 $0x1;
	_ =	shalt  }
.Lfunc_end2:
_tile_overlayer_lowered:
.L_overlay_start_2:
0x49: {  	(tag) =	ssettag $0x2  }
0x4a: {  	s0 =	rddreg [dreg:$0x0];
	s2 =	stileid.u32  }
0x4b: {  	s1 =	rddreg [dreg:$0x1];
	p0 =	sne.s32 s2, $0x0  }
0x4c: {  	s3 =	rddreg [dreg:$0x2];
	[bflag:$0x3] =	sbarrier.arrive $0xFFFF;
	s2 =	simm.s32 @!p0 $0x1C03  }
0x4d: {  	[timem:s3], [sflag:s2] =	dma.local @!p0 [hbm:s0], s1  }
0x4e: {  	s0 =	simm.s32 @!p0 $0x3  }
0x4f: {  	_ =	swait.ge @!p0 [sflag:s0], s1  }
0x50: {  	s1 =	ssub.s32 @!p0 $0x0, s1;
	[sflag:s0] =	ssyncset.done @!p0 $0x0  }
0x51: {  	[sflag:s0] =	ssyncadd.s32 @!p0 s1  }
0x52: {  	[bflag:$0x3] =	sbarrier.arrive $0xFFFF  }
0x53: {  	_ =	shalt  }

// kernel: kernel.38.cloned.1.call-start
scs
__scs_entry_jumppad:
0x0: {  	(pc) =	sbr.rel $0x88, $3  }
0x1: {  	(tag) =	ssettag $0x0;
	lr =	simm.s32 $0x1  }
0x2: {  	[smem:$0x3F94] =	sst lr;
	_ =	strace $0xD0000000  }
0x3: {  	_ = 	snop  }
0x4: {  	_ = 	snop  }
0x5: {  	_ = 	snop  }
0x6: {  	_ = 	snop  }
0x7: {  	_ = 	snop  }
__scs_overlays_trampoline_lowered:
0x8: {  	[smem:$0x3FA3] =	sst s0  }
0x9: {  	[smem:$0x3FA4] =	sst s1  }
0xa: {  	[smem:$0x3FA5] =	sst s2  }
0xb: {  	[smem:$0x3FA6] =	sst s3  }
0xc: {  	[smem:$0x3FA7] =	sst s4  }
0xd: {  	[smem:$0x3FA8] =	sst s5  }
0xe: {  	[smem:$0x3FA9] =	sst s6  }
0xf: {  	[smem:$0x3FAA] =	sst s7  }
0x10: {  	[smem:$0x3FAB] =	sst s8  }
0x11: {  	[smem:$0x3FAC] =	sst s9;
	s0 =	simm.s32 @!p0 $0x0  }
0x12: {  	s1 =	sld [smem:$0x3F92];
	s0 =	simm.s32 @p0 $0x1  }
0x13: {  	[smem:$0x3FAD] =	sst s0;
	s0 =	simm.s32 @!p1 $0x0  }
0x14: {  	s2 =	sld [smem:$0x3F91];
	s0 =	simm.s32 @p1 $0x1  }
0x15: {  	[smem:$0x3FAE] =	sst s0;
	s0 =	simm.s32 @!p2 $0x0  }
0x16: {  	s3 =	sld [smem:$0x3FDB];
	s0 =	simm.s32 @p2 $0x1  }
0x17: {  	s4 =	simm.s32 $0x1BF5;
	[smem:$0x3FB0] =	sst s0  }
0x18: {  	s0 =	sld [smem:$0x3F93];
	_ =	swait.ge [sflag:s4], $0x0  }
0x19: {  	s7 =	sld [smem:$0x3F94]  }
0x1a: {  	s8 =	sadd.s32 $0xFFFFE003, lr  }
0x1b: {  	s9 =	sadd.s32 $0xFFFFFEF7, lr;
	s5 =	simm.s32 $0xFFFFFFFF;
	p2 =	slt.u32 s8, $0xFFFFF086  }
0x1c: {  	p1 =	slt.u32 s9, $0xF7A;
	s5 =	simm.s32 @!p2 $0x0  }
0x1d: {  	s5 =	simm.s32 @p1 $0x1;
	p0 =	seq.s32 s7, s2  }
0x1e: {  	s7 =	smul.u32 @!p0 $0xF7A, s2;
	p2 =	seq.s32 @!p0 s5, $0x0  }
0x1f: {  	s9 =	smul.u32 $0xF7A, s1;
	s8 =	simm.s32 @!p0 $0x1BF5;
	p2 =	por !p2, p0  }
0x20: {  	[sflag:s8] =	ssyncset.s32 @!p0 $0xFFFFF086;
	s6 =	sadd.s32 @!p0 s3, s7;
	s7 =	simm.s32 @!p0 $0x108  }
0x21: {  	s3 =	sadd.s32 s3, s9;
	s6 =	sadd.s32 @!p0 $0x88, s6;
	s7 =	simm.s32 @p2 $0x1082  }
0x22: {  	[simem:s7], [sflag:s8] =	dma.local @!p0 [hbm:s6], $0xF7A  }
0x23: {  	s9 =	sor.u32 $0xD0000000, s2;
	s6 =	simm.s32 $0x108;
	_ =	swait.ge @!p0 [sflag:s8], $0x0  }
0x24: {  	s3 =	sadd.s32 $0x88, s3;
	s6 =	simm.s32 @!p1 $0x1082;
	[sflag:s4] =	ssyncset.s32 $0xFFFFF086  }
0x25: {  	[simem:s6], [sflag:s4] =	dma.local [hbm:s3], $0xF7A  }
0x26: {  	[smem:$0x3F94] =	sst s1;
	(tag) =	ssettag s2;
	_ =	strace s9  }
0x27: {  	s1 =	sld [smem:$0x3FA4]  }
0x28: {  	s2 =	sld [smem:$0x3FA5]  }
0x29: {  	s4 =	sld [smem:$0x3FA7]  }
0x2a: {  	p0 =	seq.s32 s5, $0x0;
	s5 =	sld [smem:$0x3FA8]  }
0x2b: {  	s6 =	sld [smem:$0x3FA9]  }
0x2c: {  	s7 =	sld [smem:$0x3FAA]  }
0x2d: {  	s3 =	simm.s32 $0x108;
	s8 =	sld [smem:$0x3FAB]  }
0x2e: {  	s3 =	simm.s32 @!p0 $0x1082;
	s9 =	sld [smem:$0x3FAC]  }
0x2f: {  	lr =	sadd.s32 s0, s3;
	s0 =	sld [smem:$0x3FA3]  }
0x30: {  	s3 =	sld [smem:$0x3FA6]  }
0x31: {  	[smem:$0x3FAF] =	sst s10  }
0x32: {  	s10 =	sld [smem:$0x3FAD];
	_ =	sdelay $0x3  }
0x33: {  	p0 =	seq.s32 s10, $0x1;
	s10 =	sld [smem:$0x3FAF];
	_ =	sdelay $0x3  }
0x34: {  	[smem:$0x3FAF] =	sst s10  }
0x35: {  	s10 =	sld [smem:$0x3FAE];
	_ =	sdelay $0x3  }
0x36: {  	p1 =	seq.s32 s10, $0x1;
	s10 =	sld [smem:$0x3FAF];
	_ =	sdelay $0x3  }
0x37: {  	[smem:$0x3FAF] =	sst s10  }
0x38: {  	s10 =	sld [smem:$0x3FB0]  }
0x39: {  	_ = 	snop;
	(pc) =	sbr.ind lr, $3  }
0x3a: {  	_ = 	snop  }
0x3b: {  	_ = 	snop  }
0x3c: {  	p2 =	seq.s32 s10, $0x1;
	s10 =	sld [smem:$0x3FAF]  }
0x3d: {  	_ =	shalt  }
0x3e: {  	_ =	shalt  }
0x3f: {  	_ =	shalt  }
0x40: {  	_ =	shalt  }
0x41: {  	_ =	shalt  }
0x42: {  	_ =	shalt  }
0x43: {  	_ =	shalt  }
0x44: {  	_ =	shalt  }
0x45: {  	_ =	shalt  }
0x46: {  	_ =	shalt  }
0x47: {  	_ =	shalt  }
0x48: {  	_ =	shalt  }
0x49: {  	_ =	shalt  }
0x4a: {  	_ =	shalt  }
0x4b: {  	_ =	shalt  }
0x4c: {  	_ =	shalt  }
0x4d: {  	_ =	shalt  }
0x4e: {  	_ =	shalt  }
0x4f: {  	_ =	shalt  }
0x50: {  	_ =	shalt  }
0x51: {  	_ =	shalt  }
0x52: {  	_ =	shalt  }
0x53: {  	_ =	shalt  }
0x54: {  	_ =	shalt  }
0x55: {  	_ =	shalt  }
0x56: {  	_ =	shalt  }
0x57: {  	_ =	shalt  }
0x58: {  	_ =	shalt  }
0x59: {  	_ =	shalt  }
0x5a: {  	_ =	shalt  }
0x5b: {  	_ =	shalt  }
0x5c: {  	_ =	shalt  }
0x5d: {  	_ =	shalt  }
0x5e: {  	_ =	shalt  }
0x5f: {  	_ =	shalt  }
0x60: {  	_ =	shalt  }
0x61: {  	_ =	shalt  }
0x62: {  	_ =	shalt  }
0x63: {  	_ =	shalt  }
0x64: {  	_ =	shalt  }
0x65: {  	_ =	shalt  }
0x66: {  	_ =	shalt  }
0x67: {  	_ =	shalt  }
0x68: {  	_ =	shalt  }
0x69: {  	_ =	shalt  }
0x6a: {  	_ =	shalt  }
0x6b: {  	_ =	shalt  }
0x6c: {  	_ =	shalt  }
0x6d: {  	_ =	shalt  }
0x6e: {  	_ =	shalt  }
0x6f: {  	_ =	shalt  }
0x70: {  	_ =	shalt  }
0x71: {  	_ =	shalt  }
0x72: {  	_ =	shalt  }
0x73: {  	_ =	shalt  }
0x74: {  	_ =	shalt  }
0x75: {  	_ =	shalt  }
0x76: {  	_ =	shalt  }
0x77: {  	_ =	shalt  }
0x78: {  	_ =	shalt  }
0x79: {  	_ =	shalt  }
0x7a: {  	_ =	shalt  }
0x7b: {  	_ =	shalt  }
0x7c: {  	_ =	shalt  }
0x7d: {  	_ =	shalt  }
0x7e: {  	_ =	shalt  }
0x7f: {  	_ =	shalt  }
0x80: {  	_ =	shalt  }
0x81: {  	_ =	shalt  }
0x82: {  	_ =	shalt  }
0x83: {  	_ =	shalt  }
0x84: {  	_ =	shalt  }
0x85: {  	_ =	shalt  }
0x86: {  	_ =	shalt  }
0x87: {  	_ =	shalt  }
.Lfunc_end0:
.L_simem_size_0:
called_computation.6_lowered:
.L_overlay_start_0:
0x88: {  	s2 =	sld [smem:$0x3FD9]  }
0x89: {  	s3 =	sld [smem:$0x3FFE];
	_ =	sdelay $0x1  }
0x8a: {  	s1 =	srdreg.scid  }
0x8b: {  	s0 =	sand.u32 $0x1, s1  }
0x8c: {  	s15 =	sshll.u32 s0, $0xA;
	s2 =	sadd.s32 s3, s2  }
0x8d: {  	s2 =	sadd.s32 s2, s15  }
0x8e: {  	[smem:$0x3FBB] =	sst s2  }
0x8f: {  	_ = 	snop  }
0x90: {  	s2 =	sld [smem:$0x3FD0];
	_ =	sdelay $0x2  }
0x91: {  	s16 =	simm.s32 $0xB;
	s4 =	simm.s32 $0x10  }
0x92: {  	[smem:s4], [sflag:s16] =	dma.local [hbm:s2], $0x1  }
0x93: {  	_ =	swait.eq [sflag:s16], $0x1  }
0x94: {  	[sflag:s16] =	ssyncset.done $0x0  }
0x95: {  	[sflag:s16] =	ssyncadd.s32 $0xFFFFFFFF  }
0x96: {  	s17 =	sld [smem:$0x10];
	(tm) =	ssettm $0x1  }
0x97: {  	s18 =	sld [smem:$0x3FFB];
	_ =	sdelay $0x3  }
0x98: {  	_ =	strace s18  }
0x99: {  	s2 =	sld [smem:$0x3FFC];
	_ =	sdelay $0x3  }
0x9a: {  	_ =	strace s2  }
0x9b: {  	s2 =	sld [smem:$0x3FFD];
	_ =	sdelay $0x3  }
0x9c: {  	_ =	strace s2  }
0x9d: {  	_ =	strace $0x8FFFFFFF  }
0x9e: {  	s19 =	sld [smem:$0x3FDB];
	_ =	sdelay $0x1  }
0x9f: {  	s20 =	simm.s32 $_scs_section_size  }
0xa0: {  	s5 =	simm.s32 $_size__tile_overlayer_lowered;
	s6 =	simm.s32 $_tile_overlayer_lowered  }
0xa1: {  	s7 =	simm.s32 $0x1BFF;
	s21 =	sshll.u32 s6, $0x1;
	s4 =	sadd.s32 s20, s19  }
0xa2: {  	s22 =	simm.s32 $0x0;
	s5 =	sshll.u32 s5, $0x1;
	s6 =	sadd.s32 s21, s4  }
0xa3: {  	[timem:s22], [sflag:s7] =	dma.local [hbm:s6], s5  }
0xa4: {  	_ =	swait.ge [sflag:s7], s5  }
0xa5: {  	s5 =	ssub.s32 $0x0, s5;
	[sflag:s7] =	ssyncset.done $0x0  }
0xa6: {  	[sflag:s7] =	ssyncadd.s32 s5;
	_ =	sdelay $0x1  }
0xa7: {  	s23 =	simm.s32 $0x1B8B  }
0xa8: {  	_ =	swait.ge [sflag:s23], $0x1  }
0xa9: {  	[sflag:s23] =	ssyncset.done $0x0  }
0xaa: {  	[sflag:s23] =	ssyncadd.s32 $0xFFFFFFFF  }
0xab: {  	s5 =	sld [smem:$0x0]  }
0xac: {  	s6 =	sand.u32 $0xFFFFFFFE, s1  }
0xad: {  	p0 =	sne.s32 s1, s6  }
0xae: {  	s6 =	sshll.u32 @p0 s6, $0xE  }
0xaf: {  	s6 =	sadd.s32 @p0 $0x11B8D, s6;
	s7 =	sshll.u32 @p0 s5, $0x11  }
0xb0: {  	s6 =	sor.u32 @p0 s7, s6  }
0xb1: {  	[sflag:s6] =	ssyncadd.remote.s32 @p0 $0x1;
	_ =	sdelay $0x1  }
0xb2: {  	s6 =	simm.s32 @p0 $0x1B8D  }
0xb3: {  	_ =	swait.eq @p0 [sflag:s6], $0x1  }
0xb4: {  	[sflag:s6] =	ssyncadd.s32 @p0 $0xFFFFFFFF  }
0xb5: {  	s7 =	sshll.u32 @!p0 s1, $0xE  }
0xb6: {  	s7 =	sor.u32 @!p0 $0x4000, s7;
	s6 =	simm.s32 @!p0 $0x1B8D  }
0xb7: {  	s5 =	sshll.u32 @!p0 s5, $0x11;
	s7 =	sadd.s32 @!p0 $0x11B8D, s7;
	_ =	swait.eq @!p0 [sflag:s6], $0x1  }
0xb8: {  	s5 =	sor.u32 @!p0 s5, s7;
	[sflag:s6] =	ssyncadd.s32 @!p0 $0xFFFFFFFF  }
0xb9: {  	s25 =	simm.s32 $0x1B8E;
	s24 =	sld [smem:$0x3FFE];
	[sflag:s5] =	ssyncadd.remote.s32 @!p0 $0x1  }
0xba: {  	s26 =	simm.s32 $execute0_lowered;
	[smem:$0x3FD2] =	sst s25  }
0xbb: {  	s6 =	sshll.u32 s26, $0x1;
	_ =	strace $0x80000055;
	[dreg:$0x1] =	wrdreg $0xFFFFFFFF  }
0xbc: {  	s28 =	simm.s32 $_size_execute0_lowered;
	s4 =	sadd.s32 s4, s6;
	[dreg:$0x0] =	wrdreg $0x0  }
0xbd: {  	s6 =	sshll.u32 s28, $0x1;
	[dreg:$0x2] =	wrdreg s4  }
0xbe: {  	[dreg:$0x3] =	wrdreg s6  }
0xbf: {  	[dreg:$0x4] =	wrdreg $0xC0  }
0xc0: {  	_ =	task [dreg:s22], $0x5FFFF  }
0xc1: {  	[dreg:$0x1] =	wrdreg $0xFFFFFFFF  }
0xc2: {  	[dreg:$0x0] =	wrdreg $0x60  }
0xc3: {  	[dreg:$0x2] =	wrdreg s24  }
0xc4: {  	[dreg:$0x3] =	wrdreg s17  }
0xc5: {  	[dreg:$0x4] =	wrdreg $0xA  }
0xc6: {  	_ =	task.clear_ibuf [dreg:s22], $0x5FFFF;
	_ =	strace $0x90000055  }
0xc7: {  	s29 =	simm.s32 $0xA;
	_ =	strace $0x80000057  }
0xc8: {  	_ =	swait.ge [sflag:s29], $0x1  }
0xc9: {  	[sflag:s29] =	ssyncadd.s32 $0xFFFFFFFF  }
0xca: {  	_ =	strace $0x90000057  }
0xcb: {  	_ =	sfence  }
0xcc: {  	s30 =	sld [smem:$0x0];
	_ =	sdelay $0x2  }
0xcd: {  	s31 =	sshll.u32 s1, $0xD;
	s1 =	sshrl.u32 s1, $0x2  }
0xce: {  	s4 =	sand.u32 $0x4000, s31;
	s1 =	sadd.s32 s1, s30  }
0xcf: {  	s0 =	sor.u32 s4, s0;
	s1 =	sshll.u32 s1, $0x11  }
0xd0: {  	s0 =	sor.u32 s1, s0  }
0xd1: {  	s0 =	sadd.s32 $0x8F2B, s0  }
0xd2: {  	[sflag:s0] =	ssyncadd.remote.s32 $0x1  }
0xd3: {  	_ =	sfence.sel $0xFFFF  }
0xd4: {  	[dreg:$0x0] =	wrdreg $0xFFFFFFFF;
	(pc) =	sbr.abs _section_cstart, $3  }
0xd5: {  	[dreg:$0x1] =	wrdreg $0xFFFFFFFF  }
0xd6: {  	_ =	task.clear_ibuf [dreg:s22], $0x2FFFF;
	_ =	strace $0x9FFFFFFF  }
0xd7: {  	(tm) =	ssettm $0x7FFFFFFF  }
tec
execute0_lowered:
.L_overlay_start_1:
0x0: {  	(tag) =	ssettag $0x1  }
0x1: {  	s4 =	rddreg [dreg:$0x0]  }
0x2: {  	s5 =	rddreg [dreg:$0x1]  }
0x3: {  	s0 =	rddreg [dreg:$0x2]  }
0x4: {  	s2 =	simm.s32 $0x0;
	s3 =	srdreg.scid;
	s1 =	stileid.u32  }
0x5: {  	s12 =	simm.s32 $0x5000;
	s13 =	simm.s32 $0x1;
	s14 =	simm.s32 $0x2  }
0x6: {  	s15 =	simm.s32 $0xF80;
	s16 =	simm.s32 $0x0;
	[smem:$0x7FF] =	sst s2  }
0x7: {  	s8 =	sand.u32 $0x1, s3;
	s3 =	sadd.s32 $0x24E000, s4;
	s6 =	sshll.u32 s1, $0xD  }
0x8: {  	s9 =	sadd.s32 $0x28E000, s4;
	s11 =	sshll.u32 s1, $0x11;
	s7 =	sshll.u32 s8, $0xC  }
0x9: {  	_ =	strace $0x80000056;
	s29 =	ssub.s32 $0x2, s8;
	s6 =	sor.u32 s7, s6  }
0xa: {  	s8 =	sshll.u32 s8, $0x10;
	s30 =	sshrl.u32 s29, $0x1;
	s10 =	sshrl.u32 s6, $0x3  }
0xb: {  	s6 =	sshll.u32 s6, $0x4;
	s7 =	ssub.s32 s29, s30;
	s4 =	sadd.s32 s5, s10  }
0xc: {  	s31 =	sadd.s32 s9, s6;
	s5 =	smax.u32 s7, $0x1;
	s9 =	sadd.s32 s11, s9  }
0xd: {  	s10 =	simm.s32 $0x1000;
	s11 =	simm.s32 $0x80;
	s6 =	sadd.s32 $0xF000, s31  }
0xe: {  	s7 =	sadd.s32 $0xF800, s31;
	s8 =	sadd.s32 s8, s9;
	s9 =	simm.s32 $0x3  }
.LBB2_1:
0xf: {  	[tilespmem:s2], [sflag:$0x3] =	stream.linear.gather [hbm4b:s4+s2], $0x1000, $0x38;
	[tilespmem:$0x9000] =	vst v63  }
0x10: {  	_ =	swait.ge [sflag:s9], $0x1000  }
0x11: {  	[sflag:s9] =	ssyncset.done $0x0  }
0x12: {  	[sflag:s9] =	ssyncadd.s32 $0xFFFFF000  }
0x13: {  	[tilespmem:s10], [sflag:$0x1] =	stream.indirect.gather [hbm4b:s3+s11], $0x80, s2, s11, $0xb8;
	[tilespmem:$0x9000] =	vst v63  }
0x14: {  	_ = 	snop  }
0x15: {  	[tilespmem:s12], [sflag:$0x2] =	stream.indirect.gather [hbm4b:s3+s11], $0x80, s11, s11, $0xb8;
	[tilespmem:$0x9000] =	vst v63  }
0x16: {  	_ =	swait.ge [sflag:s13], $0x4000  }
0x17: {  	[sflag:s13] =	ssyncset.done $0x0  }
0x18: {  	s17 =	sadd.s32 $0x0, s8;
	[sflag:s13] =	ssyncadd.s32 $0xFFFFC000  }
0x19: {  	[hbm4b:s17+s2] =	stream.linear.scatter [tilespmem:s10], [sflag:$0x3], $0x4000, $0x38;
	[tilespmem:$0x9000] =	vst v63  }
0x1a: {  	_ =	swait.ge [sflag:s9], $0x4000  }
0x1b: {  	[sflag:s9] =	ssyncset.done $0x0  }
0x1c: {  	s18 =	simm.s32 $0x100;
	[sflag:s9] =	ssyncadd.s32 $0xFFFFC000  }
0x1d: {  	[tilespmem:s10], [sflag:$0x1] =	stream.indirect.gather [hbm4b:s3+s11], $0x80, s18, s11, $0xb8;
	[tilespmem:$0x9000] =	vst v63  }
0x1e: {  	_ =	swait.ge [sflag:s14], $0x4000  }
0x1f: {  	[sflag:s14] =	ssyncset.done $0x0  }
0x20: {  	s17 =	sadd.s32 $0x800, s17;
	[sflag:s14] =	ssyncadd.s32 $0xFFFFC000  }
0x21: {  	[hbm4b:s17+s2] =	stream.linear.scatter [tilespmem:s12], [sflag:$0x3], $0x4000, $0x38;
	[tilespmem:$0x9000] =	vst v63  }
0x22: {  	_ =	swait.ge [sflag:s9], $0x4000  }
0x23: {  	s18 =	simm.s32 $0x80;
	s17 =	simm.s32 $0x1000;
	[sflag:s9] =	ssyncset.done $0x0  }
.LBB2_2:
0x24: {  	p0 =	sne.s32 s17, $0xE000;
	[sflag:s9] =	ssyncadd.s32 $0xFFFFC000;
	s18 =	sadd.s32 $0x100, s18  }
0x25: {  	[tilespmem:s12], [sflag:$0x2] =	stream.indirect.gather [hbm4b:s3+s11], $0x80, s18, s11, $0xb8;
	[tilespmem:$0x9000] =	vst v63  }
0x26: {  	s19 =	smov.u32 s17;
	s17 =	sadd.s32 $0x1000, s17;
	_ =	swait.ge [sflag:s13], $0x4000  }
0x27: {  	[sflag:s13] =	ssyncset.done $0x0  }
0x28: {  	s19 =	sadd.s32 s19, s8;
	[sflag:s13] =	ssyncadd.s32 $0xFFFFC000  }
0x29: {  	[hbm4b:s19+s2] =	stream.linear.scatter [tilespmem:s10], [sflag:$0x3], $0x4000, $0x38;
	[tilespmem:$0x9000] =	vst v63  }
0x2a: {  	_ =	swait.ge [sflag:s9], $0x4000  }
0x2b: {  	[sflag:s9] =	ssyncset.done $0x0  }
0x2c: {  	s20 =	sadd.s32 $0x80, s18;
	[sflag:s9] =	ssyncadd.s32 $0xFFFFC000  }
0x2d: {  	[tilespmem:s10], [sflag:$0x1] =	stream.indirect.gather [hbm4b:s3+s11], $0x80, s20, s11, $0xb8;
	[tilespmem:$0x9000] =	vst v63  }
0x2e: {  	_ =	swait.ge [sflag:s14], $0x4000  }
.Ltmp0:
0x2f: {  	[sflag:s14] =	ssyncset.done $0x0;
	(pc) =	sbr.rel @p0 .LBB2_2-.Ltmp0, $4  }
0x30: {  	s19 =	sadd.s32 $0x800, s19;
	[sflag:s14] =	ssyncadd.s32 $0xFFFFC000  }
0x31: {  	[hbm4b:s19+s2] =	stream.linear.scatter [tilespmem:s12], [sflag:$0x3], $0x4000, $0x38;
	[tilespmem:$0x9000] =	vst v63  }
0x32: {  	_ =	swait.ge [sflag:s9], $0x4000  }
0x33: {  	[sflag:s9] =	ssyncset.done $0x0  }
0x34: {  	[sflag:s9] =	ssyncadd.s32 $0xFFFFC000  }
0x35: {  	[tilespmem:s12], [sflag:$0x2] =	stream.indirect.gather [hbm4b:s3+s11], $0x80, s15, s11, $0xb8;
	[tilespmem:$0x9000] =	vst v63  }
0x36: {  	_ =	swait.ge [sflag:s13], $0x4000  }
0x37: {  	[sflag:s13] =	ssyncset.done $0x0  }
0x38: {  	[sflag:s13] =	ssyncadd.s32 $0xFFFFC000  }
0x39: {  	[hbm4b:s6+s2] =	stream.linear.scatter [tilespmem:s10], [sflag:$0x3], $0x4000, $0x38;
	[tilespmem:$0x9000] =	vst v63  }
0x3a: {  	_ =	swait.ge [sflag:s9], $0x4000  }
0x3b: {  	[sflag:s9] =	ssyncset.done $0x0  }
0x3c: {  	[sflag:s9] =	ssyncadd.s32 $0xFFFFC000  }
0x3d: {  	s16 =	sadd.s32 $0x1, s16;
	_ =	swait.ge [sflag:s14], $0x4000  }
0x3e: {  	p0 =	sne.s32 s16, s5;
	[sflag:s14] =	ssyncset.done $0x0  }
.Ltmp1:
0x3f: {  	[sflag:s14] =	ssyncadd.s32 $0xFFFFC000;
	(pc) =	sbr.rel @p0 .LBB2_1-.Ltmp1, $4  }
0x40: {  	[hbm4b:s7+s2] =	stream.linear.scatter [tilespmem:s12], [sflag:$0x3], $0x4000, $0x38;
	[tilespmem:$0x9000] =	vst v63  }
0x41: {  	_ =	swait.ge [sflag:s9], $0x4000  }
0x42: {  	[sflag:s9] =	ssyncset.done $0x0  }
0x43: {  	[sflag:s9] =	ssyncadd.s32 $0xFFFFC000  }
0x44: {  	_ =	sfence.sel $0x180000  }
0x45: {  	[bflag:$0x0] =	sbarrier.arrive $0xFFFF  }
0x46: {  	p0 =	sne.s32 s1, $0x0;
	_ =	strace $0x90000056  }
0x47: {  	s0 =	sadd.s32 @!p0 $0x100000, s0;
	[bflag:$0x2] =	sbarrier.arrive $0xFFFF  }
0x48: {  	[sflag:s0] =	ssyncadd.tile.s32 @!p0 $0x1;
	_ =	shalt  }
.Lfunc_end2:
_tile_overlayer_lowered:
.L_overlay_start_2:
0x49: {  	(tag) =	ssettag $0x2  }
0x4a: {  	s0 =	rddreg [dreg:$0x0];
	s2 =	stileid.u32  }
0x4b: {  	s1 =	rddreg [dreg:$0x1];
	p0 =	sne.s32 s2, $0x0  }
0x4c: {  	s3 =	rddreg [dreg:$0x2];
	[bflag:$0x3] =	sbarrier.arrive $0xFFFF;
	s2 =	simm.s32 @!p0 $0x1C03  }
0x4d: {  	[timem:s3], [sflag:s2] =	dma.local @!p0 [hbm:s0], s1  }
0x4e: {  	s0 =	simm.s32 @!p0 $0x3  }
0x4f: {  	_ =	swait.ge @!p0 [sflag:s0], s1  }
0x50: {  	s1 =	ssub.s32 @!p0 $0x0, s1;
	[sflag:s0] =	ssyncset.done @!p0 $0x0  }
0x51: {  	[sflag:s0] =	ssyncadd.s32 @!p0 s1  }
0x52: {  	[bflag:$0x3] =	sbarrier.arrive $0xFFFF  }
0x53: {  	_ =	shalt  }

// kernel: kernel.41.cloned.1.call-start
scs
__scs_entry_jumppad:
0x0: {  	(pc) =	sbr.rel $0x88, $3  }
0x1: {  	(tag) =	ssettag $0x0;
	lr =	simm.s32 $0x1  }
0x2: {  	[smem:$0x3F94] =	sst lr;
	_ =	strace $0xD0000000  }
0x3: {  	_ = 	snop  }
0x4: {  	_ = 	snop  }
0x5: {  	_ = 	snop  }
0x6: {  	_ = 	snop  }
0x7: {  	_ = 	snop  }
__scs_overlays_trampoline_lowered:
0x8: {  	[smem:$0x3FA3] =	sst s0  }
0x9: {  	[smem:$0x3FA4] =	sst s1  }
0xa: {  	[smem:$0x3FA5] =	sst s2  }
0xb: {  	[smem:$0x3FA6] =	sst s3  }
0xc: {  	[smem:$0x3FA7] =	sst s4  }
0xd: {  	[smem:$0x3FA8] =	sst s5  }
0xe: {  	[smem:$0x3FA9] =	sst s6  }
0xf: {  	[smem:$0x3FAA] =	sst s7  }
0x10: {  	[smem:$0x3FAB] =	sst s8  }
0x11: {  	[smem:$0x3FAC] =	sst s9;
	s0 =	simm.s32 @!p0 $0x0  }
0x12: {  	s1 =	sld [smem:$0x3F92];
	s0 =	simm.s32 @p0 $0x1  }
0x13: {  	[smem:$0x3FAD] =	sst s0;
	s0 =	simm.s32 @!p1 $0x0  }
0x14: {  	s2 =	sld [smem:$0x3F91];
	s0 =	simm.s32 @p1 $0x1  }
0x15: {  	[smem:$0x3FAE] =	sst s0;
	s0 =	simm.s32 @!p2 $0x0  }
0x16: {  	s3 =	sld [smem:$0x3FDB];
	s0 =	simm.s32 @p2 $0x1  }
0x17: {  	s4 =	simm.s32 $0x1BF5;
	[smem:$0x3FB0] =	sst s0  }
0x18: {  	s0 =	sld [smem:$0x3F93];
	_ =	swait.ge [sflag:s4], $0x0  }
0x19: {  	s7 =	sld [smem:$0x3F94]  }
0x1a: {  	s8 =	sadd.s32 $0xFFFFE003, lr  }
0x1b: {  	s9 =	sadd.s32 $0xFFFFFEF7, lr;
	s5 =	simm.s32 $0xFFFFFFFF;
	p2 =	slt.u32 s8, $0xFFFFF086  }
0x1c: {  	p1 =	slt.u32 s9, $0xF7A;
	s5 =	simm.s32 @!p2 $0x0  }
0x1d: {  	s5 =	simm.s32 @p1 $0x1;
	p0 =	seq.s32 s7, s2  }
0x1e: {  	s7 =	smul.u32 @!p0 $0xF7A, s2;
	p2 =	seq.s32 @!p0 s5, $0x0  }
0x1f: {  	s9 =	smul.u32 $0xF7A, s1;
	s8 =	simm.s32 @!p0 $0x1BF5;
	p2 =	por !p2, p0  }
0x20: {  	[sflag:s8] =	ssyncset.s32 @!p0 $0xFFFFF086;
	s6 =	sadd.s32 @!p0 s3, s7;
	s7 =	simm.s32 @!p0 $0x108  }
0x21: {  	s3 =	sadd.s32 s3, s9;
	s6 =	sadd.s32 @!p0 $0x88, s6;
	s7 =	simm.s32 @p2 $0x1082  }
0x22: {  	[simem:s7], [sflag:s8] =	dma.local @!p0 [hbm:s6], $0xF7A  }
0x23: {  	s9 =	sor.u32 $0xD0000000, s2;
	s6 =	simm.s32 $0x108;
	_ =	swait.ge @!p0 [sflag:s8], $0x0  }
0x24: {  	s3 =	sadd.s32 $0x88, s3;
	s6 =	simm.s32 @!p1 $0x1082;
	[sflag:s4] =	ssyncset.s32 $0xFFFFF086  }
0x25: {  	[simem:s6], [sflag:s4] =	dma.local [hbm:s3], $0xF7A  }
0x26: {  	[smem:$0x3F94] =	sst s1;
	(tag) =	ssettag s2;
	_ =	strace s9  }
0x27: {  	s1 =	sld [smem:$0x3FA4]  }
0x28: {  	s2 =	sld [smem:$0x3FA5]  }
0x29: {  	s4 =	sld [smem:$0x3FA7]  }
0x2a: {  	p0 =	seq.s32 s5, $0x0;
	s5 =	sld [smem:$0x3FA8]  }
0x2b: {  	s6 =	sld [smem:$0x3FA9]  }
0x2c: {  	s7 =	sld [smem:$0x3FAA]  }
0x2d: {  	s3 =	simm.s32 $0x108;
	s8 =	sld [smem:$0x3FAB]  }
0x2e: {  	s3 =	simm.s32 @!p0 $0x1082;
	s9 =	sld [smem:$0x3FAC]  }
0x2f: {  	lr =	sadd.s32 s0, s3;
	s0 =	sld [smem:$0x3FA3]  }
0x30: {  	s3 =	sld [smem:$0x3FA6]  }
0x31: {  	[smem:$0x3FAF] =	sst s10  }
0x32: {  	s10 =	sld [smem:$0x3FAD];
	_ =	sdelay $0x3  }
0x33: {  	p0 =	seq.s32 s10, $0x1;
	s10 =	sld [smem:$0x3FAF];
	_ =	sdelay $0x3  }
0x34: {  	[smem:$0x3FAF] =	sst s10  }
0x35: {  	s10 =	sld [smem:$0x3FAE];
	_ =	sdelay $0x3  }
0x36: {  	p1 =	seq.s32 s10, $0x1;
	s10 =	sld [smem:$0x3FAF];
	_ =	sdelay $0x3  }
0x37: {  	[smem:$0x3FAF] =	sst s10  }
0x38: {  	s10 =	sld [smem:$0x3FB0]  }
0x39: {  	_ = 	snop;
	(pc) =	sbr.ind lr, $3  }
0x3a: {  	_ = 	snop  }
0x3b: {  	_ = 	snop  }
0x3c: {  	p2 =	seq.s32 s10, $0x1;
	s10 =	sld [smem:$0x3FAF]  }
0x3d: {  	_ =	shalt  }
0x3e: {  	_ =	shalt  }
0x3f: {  	_ =	shalt  }
0x40: {  	_ =	shalt  }
0x41: {  	_ =	shalt  }
0x42: {  	_ =	shalt  }
0x43: {  	_ =	shalt  }
0x44: {  	_ =	shalt  }
0x45: {  	_ =	shalt  }
0x46: {  	_ =	shalt  }
0x47: {  	_ =	shalt  }
0x48: {  	_ =	shalt  }
0x49: {  	_ =	shalt  }
0x4a: {  	_ =	shalt  }
0x4b: {  	_ =	shalt  }
0x4c: {  	_ =	shalt  }
0x4d: {  	_ =	shalt  }
0x4e: {  	_ =	shalt  }
0x4f: {  	_ =	shalt  }
0x50: {  	_ =	shalt  }
0x51: {  	_ =	shalt  }
0x52: {  	_ =	shalt  }
0x53: {  	_ =	shalt  }
0x54: {  	_ =	shalt  }
0x55: {  	_ =	shalt  }
0x56: {  	_ =	shalt  }
0x57: {  	_ =	shalt  }
0x58: {  	_ =	shalt  }
0x59: {  	_ =	shalt  }
0x5a: {  	_ =	shalt  }
0x5b: {  	_ =	shalt  }
0x5c: {  	_ =	shalt  }
0x5d: {  	_ =	shalt  }
0x5e: {  	_ =	shalt  }
0x5f: {  	_ =	shalt  }
0x60: {  	_ =	shalt  }
0x61: {  	_ =	shalt  }
0x62: {  	_ =	shalt  }
0x63: {  	_ =	shalt  }
0x64: {  	_ =	shalt  }
0x65: {  	_ =	shalt  }
0x66: {  	_ =	shalt  }
0x67: {  	_ =	shalt  }
0x68: {  	_ =	shalt  }
0x69: {  	_ =	shalt  }
0x6a: {  	_ =	shalt  }
0x6b: {  	_ =	shalt  }
0x6c: {  	_ =	shalt  }
0x6d: {  	_ =	shalt  }
0x6e: {  	_ =	shalt  }
0x6f: {  	_ =	shalt  }
0x70: {  	_ =	shalt  }
0x71: {  	_ =	shalt  }
0x72: {  	_ =	shalt  }
0x73: {  	_ =	shalt  }
0x74: {  	_ =	shalt  }
0x75: {  	_ =	shalt  }
0x76: {  	_ =	shalt  }
0x77: {  	_ =	shalt  }
0x78: {  	_ =	shalt  }
0x79: {  	_ =	shalt  }
0x7a: {  	_ =	shalt  }
0x7b: {  	_ =	shalt  }
0x7c: {  	_ =	shalt  }
0x7d: {  	_ =	shalt  }
0x7e: {  	_ =	shalt  }
0x7f: {  	_ =	shalt  }
0x80: {  	_ =	shalt  }
0x81: {  	_ =	shalt  }
0x82: {  	_ =	shalt  }
0x83: {  	_ =	shalt  }
0x84: {  	_ =	shalt  }
0x85: {  	_ =	shalt  }
0x86: {  	_ =	shalt  }
0x87: {  	_ =	shalt  }
.Lfunc_end0:
.L_simem_size_0:
called_computation.7_lowered:
.L_overlay_start_0:
0x88: {  	s2 =	sld [smem:$0x3FD9]  }
0x89: {  	s3 =	sld [smem:$0x3FFE];
	_ =	sdelay $0x1  }
0x8a: {  	s1 =	srdreg.scid  }
0x8b: {  	s0 =	sand.u32 $0x1, s1  }
0x8c: {  	s15 =	sshll.u32 s0, $0xA;
	s2 =	sadd.s32 s3, s2  }
0x8d: {  	s2 =	sadd.s32 s2, s15  }
0x8e: {  	[smem:$0x3FBB] =	sst s2  }
0x8f: {  	_ = 	snop  }
0x90: {  	s2 =	sld [smem:$0x3FD0];
	_ =	sdelay $0x2  }
0x91: {  	s16 =	simm.s32 $0xB;
	s4 =	simm.s32 $0x10  }
0x92: {  	[smem:s4], [sflag:s16] =	dma.local [hbm:s2], $0x1  }
0x93: {  	_ =	swait.eq [sflag:s16], $0x1  }
0x94: {  	[sflag:s16] =	ssyncset.done $0x0  }
0x95: {  	[sflag:s16] =	ssyncadd.s32 $0xFFFFFFFF  }
0x96: {  	s17 =	sld [smem:$0x10];
	(tm) =	ssettm $0x1  }
0x97: {  	s18 =	sld [smem:$0x3FFB];
	_ =	sdelay $0x3  }
0x98: {  	_ =	strace s18  }
0x99: {  	s2 =	sld [smem:$0x3FFC];
	_ =	sdelay $0x3  }
0x9a: {  	_ =	strace s2  }
0x9b: {  	s2 =	sld [smem:$0x3FFD];
	_ =	sdelay $0x3  }
0x9c: {  	_ =	strace s2  }
0x9d: {  	_ =	strace $0x8FFFFFFF  }
0x9e: {  	s19 =	sld [smem:$0x3FDB];
	_ =	sdelay $0x1  }
0x9f: {  	s20 =	simm.s32 $_scs_section_size  }
0xa0: {  	s5 =	simm.s32 $_size__tile_overlayer_lowered;
	s6 =	simm.s32 $_tile_overlayer_lowered  }
0xa1: {  	s7 =	simm.s32 $0x1BFF;
	s21 =	sshll.u32 s6, $0x1;
	s4 =	sadd.s32 s20, s19  }
0xa2: {  	s22 =	simm.s32 $0x0;
	s5 =	sshll.u32 s5, $0x1;
	s6 =	sadd.s32 s21, s4  }
0xa3: {  	[timem:s22], [sflag:s7] =	dma.local [hbm:s6], s5  }
0xa4: {  	_ =	swait.ge [sflag:s7], s5  }
0xa5: {  	s5 =	ssub.s32 $0x0, s5;
	[sflag:s7] =	ssyncset.done $0x0  }
0xa6: {  	[sflag:s7] =	ssyncadd.s32 s5;
	_ =	sdelay $0x1  }
0xa7: {  	s23 =	simm.s32 $0x1B8B  }
0xa8: {  	_ =	swait.ge [sflag:s23], $0x1  }
0xa9: {  	[sflag:s23] =	ssyncset.done $0x0  }
0xaa: {  	[sflag:s23] =	ssyncadd.s32 $0xFFFFFFFF  }
0xab: {  	s5 =	sld [smem:$0x0]  }
0xac: {  	s6 =	sand.u32 $0xFFFFFFFE, s1  }
0xad: {  	p0 =	sne.s32 s1, s6  }
0xae: {  	s6 =	sshll.u32 @p0 s6, $0xE  }
0xaf: {  	s6 =	sadd.s32 @p0 $0x11B8D, s6;
	s7 =	sshll.u32 @p0 s5, $0x11  }
0xb0: {  	s6 =	sor.u32 @p0 s7, s6  }
0xb1: {  	[sflag:s6] =	ssyncadd.remote.s32 @p0 $0x1;
	_ =	sdelay $0x1  }
0xb2: {  	s6 =	simm.s32 @p0 $0x1B8D  }
0xb3: {  	_ =	swait.eq @p0 [sflag:s6], $0x1  }
0xb4: {  	[sflag:s6] =	ssyncadd.s32 @p0 $0xFFFFFFFF  }
0xb5: {  	s7 =	sshll.u32 @!p0 s1, $0xE  }
0xb6: {  	s7 =	sor.u32 @!p0 $0x4000, s7;
	s6 =	simm.s32 @!p0 $0x1B8D  }
0xb7: {  	s5 =	sshll.u32 @!p0 s5, $0x11;
	s7 =	sadd.s32 @!p0 $0x11B8D, s7;
	_ =	swait.eq @!p0 [sflag:s6], $0x1  }
0xb8: {  	s5 =	sor.u32 @!p0 s5, s7;
	[sflag:s6] =	ssyncadd.s32 @!p0 $0xFFFFFFFF  }
0xb9: {  	s25 =	simm.s32 $0x1B8E;
	s24 =	sld [smem:$0x3FFE];
	[sflag:s5] =	ssyncadd.remote.s32 @!p0 $0x1  }
0xba: {  	s26 =	simm.s32 $execute0_lowered;
	[smem:$0x3FD2] =	sst s25  }
0xbb: {  	s6 =	sshll.u32 s26, $0x1;
	_ =	strace $0x8000005B;
	[dreg:$0x1] =	wrdreg $0xFFFFFFFF  }
0xbc: {  	s28 =	simm.s32 $_size_execute0_lowered;
	s4 =	sadd.s32 s4, s6;
	[dreg:$0x0] =	wrdreg $0x0  }
0xbd: {  	s6 =	sshll.u32 s28, $0x1;
	[dreg:$0x2] =	wrdreg s4  }
0xbe: {  	[dreg:$0x3] =	wrdreg s6  }
0xbf: {  	[dreg:$0x4] =	wrdreg $0xC0  }
0xc0: {  	_ =	task [dreg:s22], $0x5FFFF  }
0xc1: {  	[dreg:$0x1] =	wrdreg $0xFFFFFFFF  }
0xc2: {  	[dreg:$0x0] =	wrdreg $0x60  }
0xc3: {  	[dreg:$0x2] =	wrdreg s24  }
0xc4: {  	[dreg:$0x3] =	wrdreg s17  }
0xc5: {  	[dreg:$0x4] =	wrdreg $0xA  }
0xc6: {  	_ =	task.clear_ibuf [dreg:s22], $0x5FFFF;
	_ =	strace $0x9000005B  }
0xc7: {  	s29 =	simm.s32 $0xA;
	_ =	strace $0x8000005D  }
0xc8: {  	_ =	swait.ge [sflag:s29], $0x1  }
0xc9: {  	[sflag:s29] =	ssyncadd.s32 $0xFFFFFFFF  }
0xca: {  	_ =	strace $0x9000005D  }
0xcb: {  	_ =	sfence  }
0xcc: {  	s30 =	sld [smem:$0x0];
	_ =	sdelay $0x2  }
0xcd: {  	s31 =	sshll.u32 s1, $0xD;
	s1 =	sshrl.u32 s1, $0x2  }
0xce: {  	s4 =	sand.u32 $0x4000, s31;
	s1 =	sadd.s32 s1, s30  }
0xcf: {  	s0 =	sor.u32 s4, s0;
	s1 =	sshll.u32 s1, $0x11  }
0xd0: {  	s0 =	sor.u32 s1, s0  }
0xd1: {  	s0 =	sadd.s32 $0x8F2B, s0  }
0xd2: {  	[sflag:s0] =	ssyncadd.remote.s32 $0x1  }
0xd3: {  	_ =	sfence.sel $0xFFFF  }
0xd4: {  	[dreg:$0x0] =	wrdreg $0xFFFFFFFF;
	(pc) =	sbr.abs _section_cstart, $3  }
0xd5: {  	[dreg:$0x1] =	wrdreg $0xFFFFFFFF  }
0xd6: {  	_ =	task.clear_ibuf [dreg:s22], $0x2FFFF;
	_ =	strace $0x9FFFFFFF  }
0xd7: {  	(tm) =	ssettm $0x7FFFFFFF  }
tec
execute0_lowered:
.L_overlay_start_1:
0x0: {  	(tag) =	ssettag $0x1  }
0x1: {  	s4 =	rddreg [dreg:$0x0]  }
0x2: {  	s5 =	rddreg [dreg:$0x1]  }
0x3: {  	s0 =	rddreg [dreg:$0x2]  }
0x4: {  	s2 =	simm.s32 $0x0;
	s3 =	srdreg.scid;
	s1 =	stileid.u32  }
0x5: {  	s12 =	simm.s32 $0x5000;
	s13 =	simm.s32 $0x1;
	s14 =	simm.s32 $0x2  }
0x6: {  	s15 =	simm.s32 $0xF80;
	s16 =	simm.s32 $0x0;
	[smem:$0x7FF] =	sst s2  }
0x7: {  	s8 =	sand.u32 $0x1, s3;
	s3 =	sadd.s32 $0x24E000, s4;
	s6 =	sshll.u32 s1, $0xD  }
0x8: {  	s9 =	sadd.s32 $0x28E000, s4;
	s11 =	sshll.u32 s1, $0x11;
	s7 =	sshll.u32 s8, $0xC  }
0x9: {  	_ =	strace $0x8000005C;
	s29 =	ssub.s32 $0x2, s8;
	s6 =	sor.u32 s7, s6  }
0xa: {  	s8 =	sshll.u32 s8, $0x10;
	s30 =	sshrl.u32 s29, $0x1;
	s10 =	sshrl.u32 s6, $0x3  }
0xb: {  	s6 =	sshll.u32 s6, $0x4;
	s7 =	ssub.s32 s29, s30;
	s4 =	sadd.s32 s5, s10  }
0xc: {  	s31 =	sadd.s32 s9, s6;
	s5 =	smax.u32 s7, $0x1;
	s9 =	sadd.s32 s11, s9  }
0xd: {  	s10 =	simm.s32 $0x1000;
	s11 =	simm.s32 $0x80;
	s6 =	sadd.s32 $0xF000, s31  }
0xe: {  	s7 =	sadd.s32 $0xF800, s31;
	s8 =	sadd.s32 s8, s9;
	s9 =	simm.s32 $0x3  }
.LBB2_1:
0xf: {  	[tilespmem:s2], [sflag:$0x3] =	stream.linear.gather [hbm4b:s4+s2], $0x1000, $0x38;
	[tilespmem:$0x9000] =	vst v63  }
0x10: {  	_ =	swait.ge [sflag:s9], $0x1000  }
0x11: {  	[sflag:s9] =	ssyncset.done $0x0  }
0x12: {  	[sflag:s9] =	ssyncadd.s32 $0xFFFFF000  }
0x13: {  	[tilespmem:s10], [sflag:$0x1] =	stream.indirect.gather [hbm4b:s3+s11], $0x80, s2, s11, $0xb8;
	[tilespmem:$0x9000] =	vst v63  }
0x14: {  	_ = 	snop  }
0x15: {  	[tilespmem:s12], [sflag:$0x2] =	stream.indirect.gather [hbm4b:s3+s11], $0x80, s11, s11, $0xb8;
	[tilespmem:$0x9000] =	vst v63  }
0x16: {  	_ =	swait.ge [sflag:s13], $0x4000  }
0x17: {  	[sflag:s13] =	ssyncset.done $0x0  }
0x18: {  	s17 =	sadd.s32 $0x0, s8;
	[sflag:s13] =	ssyncadd.s32 $0xFFFFC000  }
0x19: {  	[hbm4b:s17+s2] =	stream.linear.scatter [tilespmem:s10], [sflag:$0x3], $0x4000, $0x38;
	[tilespmem:$0x9000] =	vst v63  }
0x1a: {  	_ =	swait.ge [sflag:s9], $0x4000  }
0x1b: {  	[sflag:s9] =	ssyncset.done $0x0  }
0x1c: {  	s18 =	simm.s32 $0x100;
	[sflag:s9] =	ssyncadd.s32 $0xFFFFC000  }
0x1d: {  	[tilespmem:s10], [sflag:$0x1] =	stream.indirect.gather [hbm4b:s3+s11], $0x80, s18, s11, $0xb8;
	[tilespmem:$0x9000] =	vst v63  }
0x1e: {  	_ =	swait.ge [sflag:s14], $0x4000  }
0x1f: {  	[sflag:s14] =	ssyncset.done $0x0  }
0x20: {  	s17 =	sadd.s32 $0x800, s17;
	[sflag:s14] =	ssyncadd.s32 $0xFFFFC000  }
0x21: {  	[hbm4b:s17+s2] =	stream.linear.scatter [tilespmem:s12], [sflag:$0x3], $0x4000, $0x38;
	[tilespmem:$0x9000] =	vst v63  }
0x22: {  	_ =	swait.ge [sflag:s9], $0x4000  }
0x23: {  	s18 =	simm.s32 $0x80;
	s17 =	simm.s32 $0x1000;
	[sflag:s9] =	ssyncset.done $0x0  }
.LBB2_2:
0x24: {  	p0 =	sne.s32 s17, $0xE000;
	[sflag:s9] =	ssyncadd.s32 $0xFFFFC000;
	s18 =	sadd.s32 $0x100, s18  }
0x25: {  	[tilespmem:s12], [sflag:$0x2] =	stream.indirect.gather [hbm4b:s3+s11], $0x80, s18, s11, $0xb8;
	[tilespmem:$0x9000] =	vst v63  }
0x26: {  	s19 =	smov.u32 s17;
	s17 =	sadd.s32 $0x1000, s17;
	_ =	swait.ge [sflag:s13], $0x4000  }
0x27: {  	[sflag:s13] =	ssyncset.done $0x0  }
0x28: {  	s19 =	sadd.s32 s19, s8;
	[sflag:s13] =	ssyncadd.s32 $0xFFFFC000  }
0x29: {  	[hbm4b:s19+s2] =	stream.linear.scatter [tilespmem:s10], [sflag:$0x3], $0x4000, $0x38;
	[tilespmem:$0x9000] =	vst v63  }
0x2a: {  	_ =	swait.ge [sflag:s9], $0x4000  }
0x2b: {  	[sflag:s9] =	ssyncset.done $0x0  }
0x2c: {  	s20 =	sadd.s32 $0x80, s18;
	[sflag:s9] =	ssyncadd.s32 $0xFFFFC000  }
0x2d: {  	[tilespmem:s10], [sflag:$0x1] =	stream.indirect.gather [hbm4b:s3+s11], $0x80, s20, s11, $0xb8;
	[tilespmem:$0x9000] =	vst v63  }
0x2e: {  	_ =	swait.ge [sflag:s14], $0x4000  }
.Ltmp0:
0x2f: {  	[sflag:s14] =	ssyncset.done $0x0;
	(pc) =	sbr.rel @p0 .LBB2_2-.Ltmp0, $4  }
0x30: {  	s19 =	sadd.s32 $0x800, s19;
	[sflag:s14] =	ssyncadd.s32 $0xFFFFC000  }
0x31: {  	[hbm4b:s19+s2] =	stream.linear.scatter [tilespmem:s12], [sflag:$0x3], $0x4000, $0x38;
	[tilespmem:$0x9000] =	vst v63  }
0x32: {  	_ =	swait.ge [sflag:s9], $0x4000  }
0x33: {  	[sflag:s9] =	ssyncset.done $0x0  }
0x34: {  	[sflag:s9] =	ssyncadd.s32 $0xFFFFC000  }
0x35: {  	[tilespmem:s12], [sflag:$0x2] =	stream.indirect.gather [hbm4b:s3+s11], $0x80, s15, s11, $0xb8;
	[tilespmem:$0x9000] =	vst v63  }
0x36: {  	_ =	swait.ge [sflag:s13], $0x4000  }
0x37: {  	[sflag:s13] =	ssyncset.done $0x0  }
0x38: {  	[sflag:s13] =	ssyncadd.s32 $0xFFFFC000  }
0x39: {  	[hbm4b:s6+s2] =	stream.linear.scatter [tilespmem:s10], [sflag:$0x3], $0x4000, $0x38;
	[tilespmem:$0x9000] =	vst v63  }
0x3a: {  	_ =	swait.ge [sflag:s9], $0x4000  }
0x3b: {  	[sflag:s9] =	ssyncset.done $0x0  }
0x3c: {  	[sflag:s9] =	ssyncadd.s32 $0xFFFFC000  }
0x3d: {  	s16 =	sadd.s32 $0x1, s16;
	_ =	swait.ge [sflag:s14], $0x4000  }
0x3e: {  	p0 =	sne.s32 s16, s5;
	[sflag:s14] =	ssyncset.done $0x0  }
.Ltmp1:
0x3f: {  	[sflag:s14] =	ssyncadd.s32 $0xFFFFC000;
	(pc) =	sbr.rel @p0 .LBB2_1-.Ltmp1, $4  }
0x40: {  	[hbm4b:s7+s2] =	stream.linear.scatter [tilespmem:s12], [sflag:$0x3], $0x4000, $0x38;
	[tilespmem:$0x9000] =	vst v63  }
0x41: {  	_ =	swait.ge [sflag:s9], $0x4000  }
0x42: {  	[sflag:s9] =	ssyncset.done $0x0  }
0x43: {  	[sflag:s9] =	ssyncadd.s32 $0xFFFFC000  }
0x44: {  	_ =	sfence.sel $0x180000  }
0x45: {  	[bflag:$0x0] =	sbarrier.arrive $0xFFFF  }
0x46: {  	p0 =	sne.s32 s1, $0x0;
	_ =	strace $0x9000005C  }
0x47: {  	s0 =	sadd.s32 @!p0 $0x100000, s0;
	[bflag:$0x2] =	sbarrier.arrive $0xFFFF  }
0x48: {  	[sflag:s0] =	ssyncadd.tile.s32 @!p0 $0x1;
	_ =	shalt  }
.Lfunc_end2:
_tile_overlayer_lowered:
.L_overlay_start_2:
0x49: {  	(tag) =	ssettag $0x2  }
0x4a: {  	s0 =	rddreg [dreg:$0x0];
	s2 =	stileid.u32  }
0x4b: {  	s1 =	rddreg [dreg:$0x1];
	p0 =	sne.s32 s2, $0x0  }
0x4c: {  	s3 =	rddreg [dreg:$0x2];
	[bflag:$0x3] =	sbarrier.arrive $0xFFFF;
	s2 =	simm.s32 @!p0 $0x1C03  }
0x4d: {  	[timem:s3], [sflag:s2] =	dma.local @!p0 [hbm:s0], s1  }
0x4e: {  	s0 =	simm.s32 @!p0 $0x3  }
0x4f: {  	_ =	swait.ge @!p0 [sflag:s0], s1  }
0x50: {  	s1 =	ssub.s32 @!p0 $0x0, s1;
	[sflag:s0] =	ssyncset.done @!p0 $0x0  }
0x51: {  	[sflag:s0] =	ssyncadd.s32 @!p0 s1  }
0x52: {  	[bflag:$0x3] =	sbarrier.arrive $0xFFFF  }
0x53: {  	_ =	shalt  }

</sc_bundles>
